<compile_context>
chip_gen: v7x
topology: tpu7x:2x2x1
jax: 0.10.2.dev20260603
libtpu: 0.0.44.dev20260713+nightly
codegen_flags: <defaults>
</compile_context>

<pallas_src>
import functools

import jax
import jax.numpy as jnp
from jax import lax
from jax.experimental import pallas as pl
from jax.experimental.pallas import tpu as pltpu
from jax.experimental.pallas import tpu_sc as plsc

N_NODES = 10000
D = 128

NC = 2
NS = 16
NW = NC * NS

C = 120
K = 84
NBUF = 3
NGRP = K // NBUF
EDGES_PAD = NW * K * C
PAD_EDGES = EDGES_PAD - 320000
PAD_ROWS = 16
PAD_PER_ROW = PAD_EDGES // PAD_ROWS

ACC_ROWS = N_NODES


@functools.cache
def _build_sc_message_pass():
    mesh = plsc.VectorSubcoreMesh(core_axis_name="c", subcore_axis_name="s")
    return pl.kernel(
        _sc_message_pass_body,
        out_type=jax.ShapeDtypeStruct((NC, N_NODES, D), jnp.float32),
        mesh=mesh,
        scratch_types=(
            [pltpu.VMEM((NBUF, C), jnp.int32) for _ in range(4)]
            + [pltpu.VMEM((C, D), jnp.float32) for _ in range(NBUF)]
            + [pltpu.SemaphoreType.DMA((2,)),
               pltpu.SemaphoreType.DMA((NBUF,)),
               pltpu.SemaphoreType.DMA((NBUF,)),
               pltpu.VMEM_SHARED((ACC_ROWS, D), jnp.float32)]
        ),
    )


def _sc_message_pass_body(feat_hbm, src_hbm, dst_hbm, out_hbm, *rest):
    sslots = rest[:2]
    dslots = rest[2:4]
    bufs = rest[4:4 + NBUF]
    isem, gsem, ssem, acc_sh = rest[4 + NBUF:]
    cid = lax.axis_index("c")
    sid = lax.axis_index("s")
    wid = cid * NS + sid

    zbuf = bufs[0]

    @pl.loop(0, C)
    def _(r):
        @pl.loop(0, D, step=16)
        def _(c):
            zbuf.at[pl.ds(r, 1), pl.ds(c, 16)][...] = jnp.zeros(
                (1, 16), jnp.float32)

    span = ACC_ROWS // NS
    nfull = span // C
    for k in range(nfull):
        pltpu.sync_copy(zbuf, acc_sh.at[pl.ds(sid * span + k * C, C)])
    rem = span - nfull * C
    pltpu.sync_copy(zbuf.at[pl.ds(0, rem)],
                    acc_sh.at[pl.ds(sid * span + nfull * C, rem)])

    plsc.subcore_barrier()

    def start_idx(g, s):
        pltpu.async_copy(src_hbm.at[wid, g], sslots[s], isem.at[s])
        pltpu.async_copy(dst_hbm.at[wid, g], dslots[s], isem.at[s])

    def wait_idx(g, s):
        pltpu.make_async_copy(src_hbm.at[wid, g], sslots[s], isem.at[s]).wait()
        pltpu.make_async_copy(dst_hbm.at[wid, g], dslots[s], isem.at[s]).wait()

    def start_gather(sl, pos, b):
        pltpu.async_copy(feat_hbm.at[sl.at[pos]], bufs[b], gsem.at[b])

    def wait_gather(sl, pos, b):
        pltpu.make_async_copy(feat_hbm.at[sl.at[pos]], bufs[b],
                              gsem.at[b]).wait()

    def start_scatter(dl, pos, b):
        pltpu.async_copy(bufs[b], acc_sh.at[dl.at[pos]], ssem.at[b],
                         add=True)

    def wait_scatter(dl, pos, b):
        pltpu.make_async_copy(bufs[b], acc_sh.at[dl.at[pos]],
                              ssem.at[b]).wait()

    def process_group(g, s, nxt, refill):
        sl, dl, ns = sslots[s], dslots[s], sslots[1 - s]
        for b in range(NBUF):
            wait_gather(sl, b, b)
            start_scatter(dl, b, b)
        if nxt:
            wait_idx(g + 1, 1 - s)
        for b in range(NBUF):
            wait_scatter(dl, b, b)
            if nxt:
                start_gather(ns, b, b)
        if refill:
            start_idx(g + 2, s)

    start_idx(0, 0)
    start_idx(1, 1)
    wait_idx(0, 0)
    for b in range(NBUF):
        start_gather(sslots[0], b, b)

    @pl.loop(0, NGRP - 4, step=2)
    def _(gp):
        process_group(gp, 0, True, True)
        process_group(gp + 1, 1, True, True)

    for g in range(NGRP - 4, NGRP):
        process_group(g, g % 2, g < NGRP - 1, g < NGRP - 2)

    plsc.subcore_barrier()

    rows_per = 624
    pltpu.sync_copy(acc_sh.at[pl.ds(sid * rows_per, rows_per)],
                    out_hbm.at[cid, pl.ds(sid * rows_per, rows_per)])

    @pl.when(sid == 0)
    def _():
        pltpu.sync_copy(acc_sh.at[pl.ds(NS * rows_per, N_NODES - NS * rows_per)],
                        out_hbm.at[cid, pl.ds(NS * rows_per, N_NODES - NS * rows_per)])


def _tc_linear_body(p_ref, ftop_ref, w_ref, b_ref, o_ref):
    h = p_ref[0] + p_ref[1]
    corr = jnp.concatenate(
        [ftop_ref[...] * float(PAD_PER_ROW),
         jnp.zeros((1000 - PAD_ROWS, D), jnp.float32)], axis=0)
    h = h - jnp.where(pl.program_id(0) == 0, 1.0, 0.0) * corr
    y = lax.dot_general(
        h, w_ref[...],
        dimension_numbers=(((1,), (1,)), ((), ())),
        preferred_element_type=jnp.float32,
    )
    o_ref[...] = jnp.maximum(y + b_ref[...], 0.0)


def kernel(feature, edge_index, W, b):
    n_edges = edge_index.shape[1]
    pad = EDGES_PAD - n_edges
    pad_idx = jnp.arange(pad, dtype=jnp.int32) % PAD_ROWS
    src = jnp.concatenate([edge_index[0], pad_idx])
    dst = jnp.concatenate([edge_index[1], pad_idx])
    src3 = src.reshape(NW, NGRP, NBUF, C)
    dst3 = dst.reshape(NW, NGRP, NBUF, C)

    partials = _build_sc_message_pass()(feature, src3, dst3)

    rows_blk = 1000
    grid = (N_NODES // rows_blk,)
    out = pl.pallas_call(
        _tc_linear_body,
        grid=grid,
        in_specs=[
            pl.BlockSpec((NC, rows_blk, D), lambda i: (0, i, 0)),
            pl.BlockSpec((PAD_ROWS, D), lambda i: (0, 0)),
            pl.BlockSpec((D, D), lambda i: (0, 0)),
            pl.BlockSpec((1, D), lambda i: (0, 0)),
        ],
        out_specs=pl.BlockSpec((rows_blk, D), lambda i: (i, 0)),
        out_shape=jax.ShapeDtypeStruct((N_NODES, D), jnp.float32),
    )(partials, feature[:PAD_ROWS], W, b.reshape(1, D))
    return out

# --- scband reference (transcript-rebuilt; emitter-appended) ---
"""Pipeline reference for scband-gcnlayer-27642409517682 (READ-ONLY COPY).

The authoritative reference and input builder live on the scoring server;
editing this copy changes nothing except your own understanding.
"""

import jax, jax.numpy as jnp
import numpy as np

N_NODES = 10000
N_EDGES = 320000
D_IN = 128
D_OUT = 128


def setup_inputs(seed: int = 0) -> dict:
    key = jax.random.key(seed)
    k1, k2, k3, k4 = jax.random.split(key, 4)
    feature = jax.random.normal(k1, (N_NODES, D_IN), dtype=jnp.float32)
    edge_index = jax.random.randint(k2, (2, N_EDGES), 0, N_NODES, dtype=jnp.int32)
    # nn.Linear(in_feats, out_feats): weight [out, in], bias [out]
    W = jax.random.normal(k3, (D_OUT, D_IN), dtype=jnp.float32) * (1.0 / np.sqrt(D_IN))
    b = jax.random.normal(k4, (D_OUT,), dtype=jnp.float32) * 0.01
    return {"feature": feature, "edge_index": edge_index, "W": W, "b": b}


def reference(feature, edge_index, W, b):
    # DGL update_all(copy_src('h','m'), sum('m','h')):
    # for each edge (src, dst): message m = h[src]; h_new[dst] = sum of incoming messages
    src = edge_index[0]
    dst = edge_index[1]
    msgs = jnp.take(feature, src, axis=0)          # gather: copy_src
    h = jax.ops.segment_sum(msgs, dst, num_segments=N_NODES)  # scatter-add: fn.sum
    # linear + activation
    out = jax.nn.relu(h @ W.T + b)
    return out

if __name__ == "__main__":
    import jax
    _d = setup_inputs()
    print(jax.jit(kernel)(*tuple(_d.values())))

</pallas_src>

<mosaic_0001>
#map = affine_map<(d0, d1) -> (0, 0)>
#map1 = affine_map<(d0, d1) -> (0, 0, 0, 0)>
#map2 = affine_map<(d0, d1) -> (0, 0, 0)>
module attributes {stable_mosaic.version = 14 : i64} {
  func.func @_sc_message_pass_body(%arg0: i32, %arg1: i32, %arg2: memref<10000x128xf32, #tpu.memory_space<hbm>>, %arg3: memref<32x28x3x120xi32, #tpu.memory_space<hbm>>, %arg4: memref<32x28x3x120xi32, #tpu.memory_space<hbm>>, %arg5: memref<2x10000x128xf32, #tpu.memory_space<hbm>>, %arg6: memref<3x120xi32, #tpu.memory_space<vmem>>, %arg7: memref<3x120xi32, #tpu.memory_space<vmem>>, %arg8: memref<3x120xi32, #tpu.memory_space<vmem>>, %arg9: memref<3x120xi32, #tpu.memory_space<vmem>>, %arg10: memref<120x128xf32, #tpu.memory_space<vmem>>, %arg11: memref<120x128xf32, #tpu.memory_space<vmem>>, %arg12: memref<120x128xf32, #tpu.memory_space<vmem>>, %arg13: memref<2x!tpu.dma_semaphore, #tpu.memory_space<semaphore_mem>>, %arg14: memref<3x!tpu.dma_semaphore, #tpu.memory_space<semaphore_mem>>, %arg15: memref<3x!tpu.dma_semaphore, #tpu.memory_space<semaphore_mem>>, %arg16: memref<10000x128xf32, #tpu.memory_space<vmem_shared>>) attributes {dimension_semantics = [#tpu.dimension_semantics<core_parallel>, #tpu.dimension_semantics<subcore_parallel>], iteration_bounds = array<i64: 2, 16>, scalar_prefetch = 0 : i64, scratch_operands = 11 : i64, tpu.core_type = #tpu.core_type<sc_vector_subcore>, window_params = [{transform_indices = #map}, {transform_indices = #map1}, {transform_indices = #map1}, {transform_indices = #map2}]} {
    %mul3A = arith.constant 16 : i32
    %mul3A_0 = arith.muli %arg0, %mul3A : i32
    %add3A = arith.addi %mul3A_0, %arg1 : i32
    %scan3A = arith.constant 0 : i32
    %scan3A_1 = arith.constant 120 : i32
    %scan3A_2 = arith.addi %scan3A, %scan3A_1 : i32
    %scan3A_3 = arith.constant 1 : i32
    scf.for %scan3A_711 = %scan3A to %scan3A_2 step %scan3A_3  : i32 {
      %mul3A_712 = arith.constant 1 : i32
      %mul3A_713 = arith.muli %scan3A_711, %mul3A_712 : i32
      %add3A_714 = arith.constant 0 : i32
      %add3A_715 = arith.addi %add3A_714, %mul3A_713 : i32
      %scan3A_716 = arith.constant 0 : i32
      %scan3A_717 = arith.constant 8 : i32
      %scan3A_718 = arith.addi %scan3A_716, %scan3A_717 : i32
      %scan3A_719 = arith.constant 1 : i32
      scf.for %scan3A_721 = %scan3A_716 to %scan3A_718 step %scan3A_719  : i32 {
        %mul3A_722 = arith.constant 16 : i32
        %mul3A_723 = arith.muli %scan3A_721, %mul3A_722 : i32
        %add3A_724 = arith.constant 0 : i32
        %add3A_725 = arith.addi %add3A_724, %mul3A_723 : i32
        %broadcast_in_dim3A = arith.constant 0.000000e+00 : f32
        %broadcast_in_dim3A_726 = vector.broadcast %broadcast_in_dim3A : f32 to vector<1x16xf32>
        %swap3A = arith.index_cast %add3A_715 : i32 to index
        %swap3A_727 = arith.index_cast %add3A_725 : i32 to index
        %swap3A_728 = tpu.vector_load %arg10[%swap3A, %swap3A_727] {strides = array<i32>} : memref<120x128xf32, #tpu.memory_space<vmem>>, vector<1x16xf32>,
        %swap3A_729 = vector.shape_cast %swap3A_728 : vector<1x16xf32> to vector<1x16xf32>
        %swap3A_730 = vector.shape_cast %broadcast_in_dim3A_726 : vector<1x16xf32> to vector<1x16xf32>
        tpu.vector_store %arg10[%swap3A, %swap3A_727], %swap3A_730 {strides = array<i32>} : memref<120x128xf32, #tpu.memory_space<vmem>>, vector<1x16xf32>,
      }
      %scan3A_720 = arith.constant 8 : i32
    }
    %scan3A_4 = arith.constant 120 : i32
    %mul3A_5 = arith.constant 625 : i32
    %mul3A_6 = arith.muli %arg1, %mul3A_5 : i32
    %add3A_7 = arith.constant 0 : i32
    %add3A_8 = arith.addi %mul3A_6, %add3A_7 : i32
    "tpu.region"() ({
      %run_scoped3A = tpu.sem_alloc : memref<!tpu.dma_semaphore, #tpu.memory_space<semaphore_mem>>
      %dma_start3A_711 = arith.constant 0 : i32
      %dma_start3A_712 = tpu.memref_slice %arg16[%add3A_8, %dma_start3A_711] : memref<10000x128xf32, #tpu.memory_space<vmem_shared>> -> memref<120x128xf32, #tpu.memory_space<vmem_shared>>
      %dma_start3A_713 = arith.constant 0 : i32
      %dma_start3A_714 = tpu.memref_slice %arg16[%add3A_8, %dma_start3A_713] : memref<10000x128xf32, #tpu.memory_space<vmem_shared>> -> memref<120x128xf32, #tpu.memory_space<vmem_shared>>
      tpu.enqueue_dma source(%arg10 : memref<120x128xf32, #tpu.memory_space<vmem>>) target(%dma_start3A_714 : memref<120x128xf32, #tpu.memory_space<vmem_shared>>) target_semaphore(%run_scoped3A : memref<!tpu.dma_semaphore, #tpu.memory_space<semaphore_mem>>)
      %dma_wait3A_715 = arith.constant 0 : i32
      %dma_wait3A_716 = tpu.memref_slice %arg16[%add3A_8, %dma_wait3A_715] : memref<10000x128xf32, #tpu.memory_space<vmem_shared>> -> memref<120x128xf32, #tpu.memory_space<vmem_shared>>
      %dma_wait3A_717 = arith.constant 0 : i32
      %dma_wait3A_718 = tpu.memref_slice %arg16[%add3A_8, %dma_wait3A_717] : memref<10000x128xf32, #tpu.memory_space<vmem_shared>> -> memref<120x128xf32, #tpu.memory_space<vmem_shared>>
      tpu.wait_dma2 semaphore(%run_scoped3A : memref<!tpu.dma_semaphore, #tpu.memory_space<semaphore_mem>>) src(%arg10 : memref<120x128xf32, #tpu.memory_space<vmem>>) dst(%dma_wait3A_718 : memref<120x128xf32, #tpu.memory_space<vmem_shared>>)
      tpu.yield
    }) : () -> ()
    %mul3A_9 = arith.constant 625 : i32
    %mul3A_10 = arith.muli %arg1, %mul3A_9 : i32
    %add3A_11 = arith.constant 120 : i32
    %add3A_12 = arith.addi %mul3A_10, %add3A_11 : i32
    "tpu.region"() ({
      %run_scoped3A = tpu.sem_alloc : memref<!tpu.dma_semaphore, #tpu.memory_space<semaphore_mem>>
      %dma_start3A_711 = arith.constant 0 : i32
      %dma_start3A_712 = tpu.memref_slice %arg16[%add3A_12, %dma_start3A_711] : memref<10000x128xf32, #tpu.memory_space<vmem_shared>> -> memref<120x128xf32, #tpu.memory_space<vmem_shared>>
      %dma_start3A_713 = arith.constant 0 : i32
      %dma_start3A_714 = tpu.memref_slice %arg16[%add3A_12, %dma_start3A_713] : memref<10000x128xf32, #tpu.memory_space<vmem_shared>> -> memref<120x128xf32, #tpu.memory_space<vmem_shared>>
      tpu.enqueue_dma source(%arg10 : memref<120x128xf32, #tpu.memory_space<vmem>>) target(%dma_start3A_714 : memref<120x128xf32, #tpu.memory_space<vmem_shared>>) target_semaphore(%run_scoped3A : memref<!tpu.dma_semaphore, #tpu.memory_space<semaphore_mem>>)
      %dma_wait3A_715 = arith.constant 0 : i32
      %dma_wait3A_716 = tpu.memref_slice %arg16[%add3A_12, %dma_wait3A_715] : memref<10000x128xf32, #tpu.memory_space<vmem_shared>> -> memref<120x128xf32, #tpu.memory_space<vmem_shared>>
      %dma_wait3A_717 = arith.constant 0 : i32
      %dma_wait3A_718 = tpu.memref_slice %arg16[%add3A_12, %dma_wait3A_717] : memref<10000x128xf32, #tpu.memory_space<vmem_shared>> -> memref<120x128xf32, #tpu.memory_space<vmem_shared>>
      tpu.wait_dma2 semaphore(%run_scoped3A : memref<!tpu.dma_semaphore, #tpu.memory_space<semaphore_mem>>) src(%arg10 : memref<120x128xf32, #tpu.memory_space<vmem>>) dst(%dma_wait3A_718 : memref<120x128xf32, #tpu.memory_space<vmem_shared>>)
      tpu.yield
    }) : () -> ()
    %mul3A_13 = arith.constant 625 : i32
    %mul3A_14 = arith.muli %arg1, %mul3A_13 : i32
    %add3A_15 = arith.constant 240 : i32
    %add3A_16 = arith.addi %mul3A_14, %add3A_15 : i32
    "tpu.region"() ({
      %run_scoped3A = tpu.sem_alloc : memref<!tpu.dma_semaphore, #tpu.memory_space<semaphore_mem>>
      %dma_start3A_711 = arith.constant 0 : i32
      %dma_start3A_712 = tpu.memref_slice %arg16[%add3A_16, %dma_start3A_711] : memref<10000x128xf32, #tpu.memory_space<vmem_shared>> -> memref<120x128xf32, #tpu.memory_space<vmem_shared>>
      %dma_start3A_713 = arith.constant 0 : i32
      %dma_start3A_714 = tpu.memref_slice %arg16[%add3A_16, %dma_start3A_713] : memref<10000x128xf32, #tpu.memory_space<vmem_shared>> -> memref<120x128xf32, #tpu.memory_space<vmem_shared>>
      tpu.enqueue_dma source(%arg10 : memref<120x128xf32, #tpu.memory_space<vmem>>) target(%dma_start3A_714 : memref<120x128xf32, #tpu.memory_space<vmem_shared>>) target_semaphore(%run_scoped3A : memref<!tpu.dma_semaphore, #tpu.memory_space<semaphore_mem>>)
      %dma_wait3A_715 = arith.constant 0 : i32
      %dma_wait3A_716 = tpu.memref_slice %arg16[%add3A_16, %dma_wait3A_715] : memref<10000x128xf32, #tpu.memory_space<vmem_shared>> -> memref<120x128xf32, #tpu.memory_space<vmem_shared>>
      %dma_wait3A_717 = arith.constant 0 : i32
      %dma_wait3A_718 = tpu.memref_slice %arg16[%add3A_16, %dma_wait3A_717] : memref<10000x128xf32, #tpu.memory_space<vmem_shared>> -> memref<120x128xf32, #tpu.memory_space<vmem_shared>>
      tpu.wait_dma2 semaphore(%run_scoped3A : memref<!tpu.dma_semaphore, #tpu.memory_space<semaphore_mem>>) src(%arg10 : memref<120x128xf32, #tpu.memory_space<vmem>>) dst(%dma_wait3A_718 : memref<120x128xf32, #tpu.memory_space<vmem_shared>>)
      tpu.yield
    }) : () -> ()
    %mul3A_17 = arith.constant 625 : i32
    %mul3A_18 = arith.muli %arg1, %mul3A_17 : i32
    %add3A_19 = arith.constant 360 : i32
    %add3A_20 = arith.addi %mul3A_18, %add3A_19 : i32
    "tpu.region"() ({
      %run_scoped3A = tpu.sem_alloc : memref<!tpu.dma_semaphore, #tpu.memory_space<semaphore_mem>>
      %dma_start3A_711 = arith.constant 0 : i32
      %dma_start3A_712 = tpu.memref_slice %arg16[%add3A_20, %dma_start3A_711] : memref<10000x128xf32, #tpu.memory_space<vmem_shared>> -> memref<120x128xf32, #tpu.memory_space<vmem_shared>>
      %dma_start3A_713 = arith.constant 0 : i32
      %dma_start3A_714 = tpu.memref_slice %arg16[%add3A_20, %dma_start3A_713] : memref<10000x128xf32, #tpu.memory_space<vmem_shared>> -> memref<120x128xf32, #tpu.memory_space<vmem_shared>>
      tpu.enqueue_dma source(%arg10 : memref<120x128xf32, #tpu.memory_space<vmem>>) target(%dma_start3A_714 : memref<120x128xf32, #tpu.memory_space<vmem_shared>>) target_semaphore(%run_scoped3A : memref<!tpu.dma_semaphore, #tpu.memory_space<semaphore_mem>>)
      %dma_wait3A_715 = arith.constant 0 : i32
      %dma_wait3A_716 = tpu.memref_slice %arg16[%add3A_20, %dma_wait3A_715] : memref<10000x128xf32, #tpu.memory_space<vmem_shared>> -> memref<120x128xf32, #tpu.memory_space<vmem_shared>>
      %dma_wait3A_717 = arith.constant 0 : i32
      %dma_wait3A_718 = tpu.memref_slice %arg16[%add3A_20, %dma_wait3A_717] : memref<10000x128xf32, #tpu.memory_space<vmem_shared>> -> memref<120x128xf32, #tpu.memory_space<vmem_shared>>
      tpu.wait_dma2 semaphore(%run_scoped3A : memref<!tpu.dma_semaphore, #tpu.memory_space<semaphore_mem>>) src(%arg10 : memref<120x128xf32, #tpu.memory_space<vmem>>) dst(%dma_wait3A_718 : memref<120x128xf32, #tpu.memory_space<vmem_shared>>)
      tpu.yield
    }) : () -> ()
    %mul3A_21 = arith.constant 625 : i32
    %mul3A_22 = arith.muli %arg1, %mul3A_21 : i32
    %add3A_23 = arith.constant 480 : i32
    %add3A_24 = arith.addi %mul3A_22, %add3A_23 : i32
    "tpu.region"() ({
      %run_scoped3A = tpu.sem_alloc : memref<!tpu.dma_semaphore, #tpu.memory_space<semaphore_mem>>
      %dma_start3A_711 = arith.constant 0 : i32
      %dma_start3A_712 = tpu.memref_slice %arg16[%add3A_24, %dma_start3A_711] : memref<10000x128xf32, #tpu.memory_space<vmem_shared>> -> memref<120x128xf32, #tpu.memory_space<vmem_shared>>
      %dma_start3A_713 = arith.constant 0 : i32
      %dma_start3A_714 = tpu.memref_slice %arg16[%add3A_24, %dma_start3A_713] : memref<10000x128xf32, #tpu.memory_space<vmem_shared>> -> memref<120x128xf32, #tpu.memory_space<vmem_shared>>
      tpu.enqueue_dma source(%arg10 : memref<120x128xf32, #tpu.memory_space<vmem>>) target(%dma_start3A_714 : memref<120x128xf32, #tpu.memory_space<vmem_shared>>) target_semaphore(%run_scoped3A : memref<!tpu.dma_semaphore, #tpu.memory_space<semaphore_mem>>)
      %dma_wait3A_715 = arith.constant 0 : i32
      %dma_wait3A_716 = tpu.memref_slice %arg16[%add3A_24, %dma_wait3A_715] : memref<10000x128xf32, #tpu.memory_space<vmem_shared>> -> memref<120x128xf32, #tpu.memory_space<vmem_shared>>
      %dma_wait3A_717 = arith.constant 0 : i32
      %dma_wait3A_718 = tpu.memref_slice %arg16[%add3A_24, %dma_wait3A_717] : memref<10000x128xf32, #tpu.memory_space<vmem_shared>> -> memref<120x128xf32, #tpu.memory_space<vmem_shared>>
      tpu.wait_dma2 semaphore(%run_scoped3A : memref<!tpu.dma_semaphore, #tpu.memory_space<semaphore_mem>>) src(%arg10 : memref<120x128xf32, #tpu.memory_space<vmem>>) dst(%dma_wait3A_718 : memref<120x128xf32, #tpu.memory_space<vmem_shared>>)
      tpu.yield
    }) : () -> ()
    %mul3A_25 = arith.constant 625 : i32
    %mul3A_26 = arith.muli %arg1, %mul3A_25 : i32
    %add3A_27 = arith.constant 600 : i32
    %add3A_28 = arith.addi %mul3A_26, %add3A_27 : i32
    "tpu.region"() ({
      %run_scoped3A = tpu.sem_alloc : memref<!tpu.dma_semaphore, #tpu.memory_space<semaphore_mem>>
      %dma_start3A_711 = arith.constant 0 : i32
      %dma_start3A_712 = arith.constant 0 : i32
      %dma_start3A_713 = tpu.memref_slice %arg10[%dma_start3A_711, %dma_start3A_712] : memref<120x128xf32, #tpu.memory_space<vmem>> -> memref<25x128xf32, #tpu.memory_space<vmem>>
      %dma_start3A_714 = arith.constant 0 : i32
      %dma_start3A_715 = tpu.memref_slice %arg16[%add3A_28, %dma_start3A_714] : memref<10000x128xf32, #tpu.memory_space<vmem_shared>> -> memref<25x128xf32, #tpu.memory_space<vmem_shared>>
      %dma_start3A_716 = arith.constant 0 : i32
      %dma_start3A_717 = tpu.memref_slice %arg16[%add3A_28, %dma_start3A_716] : memref<10000x128xf32, #tpu.memory_space<vmem_shared>> -> memref<25x128xf32, #tpu.memory_space<vmem_shared>>
      %dma_start3A_718 = arith.constant 0 : i32
      %dma_start3A_719 = arith.constant 0 : i32
      %dma_start3A_720 = tpu.memref_slice %arg10[%dma_start3A_718, %dma_start3A_719] : memref<120x128xf32, #tpu.memory_space<vmem>> -> memref<25x128xf32, #tpu.memory_space<vmem>>
      tpu.enqueue_dma source(%dma_start3A_720 : memref<25x128xf32, #tpu.memory_space<vmem>>) target(%dma_start3A_717 : memref<25x128xf32, #tpu.memory_space<vmem_shared>>) target_semaphore(%run_scoped3A : memref<!tpu.dma_semaphore, #tpu.memory_space<semaphore_mem>>)
      %dma_wait3A_721 = arith.constant 0 : i32
      %dma_wait3A_722 = arith.constant 0 : i32
      %dma_wait3A_723 = tpu.memref_slice %arg10[%dma_wait3A_721, %dma_wait3A_722] : memref<120x128xf32, #tpu.memory_space<vmem>> -> memref<25x128xf32, #tpu.memory_space<vmem>>
      %dma_wait3A_724 = arith.constant 0 : i32
      %dma_wait3A_725 = tpu.memref_slice %arg16[%add3A_28, %dma_wait3A_724] : memref<10000x128xf32, #tpu.memory_space<vmem_shared>> -> memref<25x128xf32, #tpu.memory_space<vmem_shared>>
      %dma_wait3A_726 = arith.constant 0 : i32
      %dma_wait3A_727 = tpu.memref_slice %arg16[%add3A_28, %dma_wait3A_726] : memref<10000x128xf32, #tpu.memory_space<vmem_shared>> -> memref<25x128xf32, #tpu.memory_space<vmem_shared>>
      %dma_wait3A_728 = arith.constant 0 : i32
      %dma_wait3A_729 = arith.constant 0 : i32
      %dma_wait3A_730 = tpu.memref_slice %arg10[%dma_wait3A_728, %dma_wait3A_729] : memref<120x128xf32, #tpu.memory_space<vmem>> -> memref<25x128xf32, #tpu.memory_space<vmem>>
      tpu.wait_dma2 semaphore(%run_scoped3A : memref<!tpu.dma_semaphore, #tpu.memory_space<semaphore_mem>>) src(%dma_wait3A_730 : memref<25x128xf32, #tpu.memory_space<vmem>>) dst(%dma_wait3A_727 : memref<25x128xf32, #tpu.memory_space<vmem_shared>>)
      tpu.yield
    }) : () -> ()
    %barrier3A = arith.constant 0 : index
    tpu.barrier barrier_id(%barrier3A)
    %dma_start3A = arith.constant 0 : i32
    %dma_start3A_29 = arith.constant 0 : i32
    %dma_start3A_30 = arith.constant 0 : i32
    %dma_start3A_31 = arith.constant 0 : i32
    %dma_start3A_32 = tpu.memref_slice %arg3[%add3A, %dma_start3A, %dma_start3A_30, %dma_start3A_31] : memref<32x28x3x120xi32, #tpu.memory_space<hbm>> -> memref<1x1x3x120xi32, #tpu.memory_space<hbm>>
    %dma_start3A_33 = tpu.memref_squeeze %dma_start3A_32 : memref<1x1x3x120xi32, #tpu.memory_space<hbm>> -> memref<3x120xi32, #tpu.memory_space<hbm>>
    %dma_start3A_34 = tpu.memref_slice %arg13[%dma_start3A_29] : memref<2x!tpu.dma_semaphore, #tpu.memory_space<semaphore_mem>> -> memref<1x!tpu.dma_semaphore, #tpu.memory_space<semaphore_mem>>
    %dma_start3A_35 = tpu.memref_squeeze %dma_start3A_34 : memref<1x!tpu.dma_semaphore, #tpu.memory_space<semaphore_mem>> -> memref<!tpu.dma_semaphore, #tpu.memory_space<semaphore_mem>>
    %dma_start3A_36 = arith.constant 0 : i32
    %dma_start3A_37 = arith.constant 0 : i32
    %dma_start3A_38 = tpu.memref_slice %arg3[%add3A, %dma_start3A, %dma_start3A_36, %dma_start3A_37] : memref<32x28x3x120xi32, #tpu.memory_space<hbm>> -> memref<1x1x3x120xi32, #tpu.memory_space<hbm>>
    %dma_start3A_39 = tpu.memref_squeeze %dma_start3A_38 : memref<1x1x3x120xi32, #tpu.memory_space<hbm>> -> memref<3x120xi32, #tpu.memory_space<hbm>>
    tpu.enqueue_dma source(%dma_start3A_39 : memref<3x120xi32, #tpu.memory_space<hbm>>) target(%arg6 : memref<3x120xi32, #tpu.memory_space<vmem>>) target_semaphore(%dma_start3A_35 : memref<!tpu.dma_semaphore, #tpu.memory_space<semaphore_mem>>)
    %dma_start3A_40 = arith.constant 0 : i32
    %dma_start3A_41 = arith.constant 0 : i32
    %dma_start3A_42 = arith.constant 0 : i32
    %dma_start3A_43 = arith.constant 0 : i32
    %dma_start3A_44 = tpu.memref_slice %arg4[%add3A, %dma_start3A_40, %dma_start3A_42, %dma_start3A_43] : memref<32x28x3x120xi32, #tpu.memory_space<hbm>> -> memref<1x1x3x120xi32, #tpu.memory_space<hbm>>
    %dma_start3A_45 = tpu.memref_squeeze %dma_start3A_44 : memref<1x1x3x120xi32, #tpu.memory_space<hbm>> -> memref<3x120xi32, #tpu.memory_space<hbm>>
    %dma_start3A_46 = tpu.memref_slice %arg13[%dma_start3A_41] : memref<2x!tpu.dma_semaphore, #tpu.memory_space<semaphore_mem>> -> memref<1x!tpu.dma_semaphore, #tpu.memory_space<semaphore_mem>>
    %dma_start3A_47 = tpu.memref_squeeze %dma_start3A_46 : memref<1x!tpu.dma_semaphore, #tpu.memory_space<semaphore_mem>> -> memref<!tpu.dma_semaphore, #tpu.memory_space<semaphore_mem>>
    %dma_start3A_48 = arith.constant 0 : i32
    %dma_start3A_49 = arith.constant 0 : i32
    %dma_start3A_50 = tpu.memref_slice %arg4[%add3A, %dma_start3A_40, %dma_start3A_48, %dma_start3A_49] : memref<32x28x3x120xi32, #tpu.memory_space<hbm>> -> memref<1x1x3x120xi32, #tpu.memory_space<hbm>>
    %dma_start3A_51 = tpu.memref_squeeze %dma_start3A_50 : memref<1x1x3x120xi32, #tpu.memory_space<hbm>> -> memref<3x120xi32, #tpu.memory_space<hbm>>
    tpu.enqueue_dma source(%dma_start3A_51 : memref<3x120xi32, #tpu.memory_space<hbm>>) target(%arg8 : memref<3x120xi32, #tpu.memory_space<vmem>>) target_semaphore(%dma_start3A_47 : memref<!tpu.dma_semaphore, #tpu.memory_space<semaphore_mem>>)
    %dma_start3A_52 = arith.constant 1 : i32
    %dma_start3A_53 = arith.constant 1 : i32
    %dma_start3A_54 = arith.constant 0 : i32
    %dma_start3A_55 = arith.constant 0 : i32
    %dma_start3A_56 = tpu.memref_slice %arg3[%add3A, %dma_start3A_52, %dma_start3A_54, %dma_start3A_55] : memref<32x28x3x120xi32, #tpu.memory_space<hbm>> -> memref<1x1x3x120xi32, #tpu.memory_space<hbm>>
    %dma_start3A_57 = tpu.memref_squeeze %dma_start3A_56 : memref<1x1x3x120xi32, #tpu.memory_space<hbm>> -> memref<3x120xi32, #tpu.memory_space<hbm>>
    %dma_start3A_58 = tpu.memref_slice %arg13[%dma_start3A_53] : memref<2x!tpu.dma_semaphore, #tpu.memory_space<semaphore_mem>> -> memref<1x!tpu.dma_semaphore, #tpu.memory_space<semaphore_mem>>
    %dma_start3A_59 = tpu.memref_squeeze %dma_start3A_58 : memref<1x!tpu.dma_semaphore, #tpu.memory_space<semaphore_mem>> -> memref<!tpu.dma_semaphore, #tpu.memory_space<semaphore_mem>>
    %dma_start3A_60 = arith.constant 0 : i32
    %dma_start3A_61 = arith.constant 0 : i32
    %dma_start3A_62 = tpu.memref_slice %arg3[%add3A, %dma_start3A_52, %dma_start3A_60, %dma_start3A_61] : memref<32x28x3x120xi32, #tpu.memory_space<hbm>> -> memref<1x1x3x120xi32, #tpu.memory_space<hbm>>
    %dma_start3A_63 = tpu.memref_squeeze %dma_start3A_62 : memref<1x1x3x120xi32, #tpu.memory_space<hbm>> -> memref<3x120xi32, #tpu.memory_space<hbm>>
    tpu.enqueue_dma source(%dma_start3A_63 : memref<3x120xi32, #tpu.memory_space<hbm>>) target(%arg7 : memref<3x120xi32, #tpu.memory_space<vmem>>) target_semaphore(%dma_start3A_59 : memref<!tpu.dma_semaphore, #tpu.memory_space<semaphore_mem>>)
    %dma_start3A_64 = arith.constant 1 : i32
    %dma_start3A_65 = arith.constant 1 : i32
    %dma_start3A_66 = arith.constant 0 : i32
    %dma_start3A_67 = arith.constant 0 : i32
    %dma_start3A_68 = tpu.memref_slice %arg4[%add3A, %dma_start3A_64, %dma_start3A_66, %dma_start3A_67] : memref<32x28x3x120xi32, #tpu.memory_space<hbm>> -> memref<1x1x3x120xi32, #tpu.memory_space<hbm>>
    %dma_start3A_69 = tpu.memref_squeeze %dma_start3A_68 : memref<1x1x3x120xi32, #tpu.memory_space<hbm>> -> memref<3x120xi32, #tpu.memory_space<hbm>>
    %dma_start3A_70 = tpu.memref_slice %arg13[%dma_start3A_65] : memref<2x!tpu.dma_semaphore, #tpu.memory_space<semaphore_mem>> -> memref<1x!tpu.dma_semaphore, #tpu.memory_space<semaphore_mem>>
    %dma_start3A_71 = tpu.memref_squeeze %dma_start3A_70 : memref<1x!tpu.dma_semaphore, #tpu.memory_space<semaphore_mem>> -> memref<!tpu.dma_semaphore, #tpu.memory_space<semaphore_mem>>
    %dma_start3A_72 = arith.constant 0 : i32
    %dma_start3A_73 = arith.constant 0 : i32
    %dma_start3A_74 = tpu.memref_slice %arg4[%add3A, %dma_start3A_64, %dma_start3A_72, %dma_start3A_73] : memref<32x28x3x120xi32, #tpu.memory_space<hbm>> -> memref<1x1x3x120xi32, #tpu.memory_space<hbm>>
    %dma_start3A_75 = tpu.memref_squeeze %dma_start3A_74 : memref<1x1x3x120xi32, #tpu.memory_space<hbm>> -> memref<3x120xi32, #tpu.memory_space<hbm>>
    tpu.enqueue_dma source(%dma_start3A_75 : memref<3x120xi32, #tpu.memory_space<hbm>>) target(%arg9 : memref<3x120xi32, #tpu.memory_space<vmem>>) target_semaphore(%dma_start3A_71 : memref<!tpu.dma_semaphore, #tpu.memory_space<semaphore_mem>>)
    %dma_wait3A = arith.constant 0 : i32
    %dma_wait3A_76 = arith.constant 0 : i32
    %dma_wait3A_77 = arith.constant 0 : i32
    %dma_wait3A_78 = arith.constant 0 : i32
    %dma_wait3A_79 = tpu.memref_slice %arg3[%add3A, %dma_wait3A, %dma_wait3A_77, %dma_wait3A_78] : memref<32x28x3x120xi32, #tpu.memory_space<hbm>> -> memref<1x1x3x120xi32, #tpu.memory_space<hbm>>
    %dma_wait3A_80 = tpu.memref_squeeze %dma_wait3A_79 : memref<1x1x3x120xi32, #tpu.memory_space<hbm>> -> memref<3x120xi32, #tpu.memory_space<hbm>>
    %dma_wait3A_81 = tpu.memref_slice %arg13[%dma_wait3A_76] : memref<2x!tpu.dma_semaphore, #tpu.memory_space<semaphore_mem>> -> memref<1x!tpu.dma_semaphore, #tpu.memory_space<semaphore_mem>>
    %dma_wait3A_82 = tpu.memref_squeeze %dma_wait3A_81 : memref<1x!tpu.dma_semaphore, #tpu.memory_space<semaphore_mem>> -> memref<!tpu.dma_semaphore, #tpu.memory_space<semaphore_mem>>
    %dma_wait3A_83 = arith.constant 0 : i32
    %dma_wait3A_84 = arith.constant 0 : i32
    %dma_wait3A_85 = tpu.memref_slice %arg3[%add3A, %dma_wait3A, %dma_wait3A_83, %dma_wait3A_84] : memref<32x28x3x120xi32, #tpu.memory_space<hbm>> -> memref<1x1x3x120xi32, #tpu.memory_space<hbm>>
    %dma_wait3A_86 = tpu.memref_squeeze %dma_wait3A_85 : memref<1x1x3x120xi32, #tpu.memory_space<hbm>> -> memref<3x120xi32, #tpu.memory_space<hbm>>
    tpu.wait_dma2 semaphore(%dma_wait3A_82 : memref<!tpu.dma_semaphore, #tpu.memory_space<semaphore_mem>>) src(%dma_wait3A_86 : memref<3x120xi32, #tpu.memory_space<hbm>>) dst(%arg6 : memref<3x120xi32, #tpu.memory_space<vmem>>)
    %dma_wait3A_87 = arith.constant 0 : i32
    %dma_wait3A_88 = arith.constant 0 : i32
    %dma_wait3A_89 = arith.constant 0 : i32
    %dma_wait3A_90 = arith.constant 0 : i32
    %dma_wait3A_91 = tpu.memref_slice %arg4[%add3A, %dma_wait3A_87, %dma_wait3A_89, %dma_wait3A_90] : memref<32x28x3x120xi32, #tpu.memory_space<hbm>> -> memref<1x1x3x120xi32, #tpu.memory_space<hbm>>
    %dma_wait3A_92 = tpu.memref_squeeze %dma_wait3A_91 : memref<1x1x3x120xi32, #tpu.memory_space<hbm>> -> memref<3x120xi32, #tpu.memory_space<hbm>>
    %dma_wait3A_93 = tpu.memref_slice %arg13[%dma_wait3A_88] : memref<2x!tpu.dma_semaphore, #tpu.memory_space<semaphore_mem>> -> memref<1x!tpu.dma_semaphore, #tpu.memory_space<semaphore_mem>>
    %dma_wait3A_94 = tpu.memref_squeeze %dma_wait3A_93 : memref<1x!tpu.dma_semaphore, #tpu.memory_space<semaphore_mem>> -> memref<!tpu.dma_semaphore, #tpu.memory_space<semaphore_mem>>
    %dma_wait3A_95 = arith.constant 0 : i32
    %dma_wait3A_96 = arith.constant 0 : i32
    %dma_wait3A_97 = tpu.memref_slice %arg4[%add3A, %dma_wait3A_87, %dma_wait3A_95, %dma_wait3A_96] : memref<32x28x3x120xi32, #tpu.memory_space<hbm>> -> memref<1x1x3x120xi32, #tpu.memory_space<hbm>>
    %dma_wait3A_98 = tpu.memref_squeeze %dma_wait3A_97 : memref<1x1x3x120xi32, #tpu.memory_space<hbm>> -> memref<3x120xi32, #tpu.memory_space<hbm>>
    tpu.wait_dma2 semaphore(%dma_wait3A_94 : memref<!tpu.dma_semaphore, #tpu.memory_space<semaphore_mem>>) src(%dma_wait3A_98 : memref<3x120xi32, #tpu.memory_space<hbm>>) dst(%arg8 : memref<3x120xi32, #tpu.memory_space<vmem>>)
    %dma_start3A_99 = arith.constant 0 : i32
    %dma_start3A_100 = arith.constant 0 : i32
    %dma_start3A_101 = arith.constant 0 : i32
    %dma_start3A_102 = tpu.memref_slice %arg6[%dma_start3A_99, %dma_start3A_101] : memref<3x120xi32, #tpu.memory_space<vmem>> -> memref<1x120xi32, #tpu.memory_space<vmem>>
    %dma_start3A_103 = tpu.memref_squeeze %dma_start3A_102 : memref<1x120xi32, #tpu.memory_space<vmem>> -> memref<120xi32, #tpu.memory_space<vmem>>
    %dma_start3A_104 = arith.constant 0 : i32
    %dma_start3A_105 = arith.constant 0 : i32
    %dma_start3A_106 = tpu.memref_slice %arg2[%dma_start3A_104, %dma_start3A_105] : memref<10000x128xf32, #tpu.memory_space<hbm>> -> memref<10000x128xf32, #tpu.memory_space<hbm>>
    %dma_start3A_107 = tpu.memref_slice %arg14[%dma_start3A_100] : memref<3x!tpu.dma_semaphore, #tpu.memory_space<semaphore_mem>> -> memref<1x!tpu.dma_semaphore, #tpu.memory_space<semaphore_mem>>
    %dma_start3A_108 = tpu.memref_squeeze %dma_start3A_107 : memref<1x!tpu.dma_semaphore, #tpu.memory_space<semaphore_mem>> -> memref<!tpu.dma_semaphore, #tpu.memory_space<semaphore_mem>>
    tpu.enqueue_indirect_dma source(%dma_start3A_106 : memref<10000x128xf32, #tpu.memory_space<hbm>>) target(%arg10 : memref<120x128xf32, #tpu.memory_space<vmem>>) offsets(%dma_start3A_103 : memref<120xi32, #tpu.memory_space<vmem>>) semaphore(%dma_start3A_108 : memref<!tpu.dma_semaphore, #tpu.memory_space<semaphore_mem>>)
    %dma_start3A_109 = arith.constant 1 : i32
    %dma_start3A_110 = arith.constant 1 : i32
    %dma_start3A_111 = arith.constant 0 : i32
    %dma_start3A_112 = tpu.memref_slice %arg6[%dma_start3A_109, %dma_start3A_111] : memref<3x120xi32, #tpu.memory_space<vmem>> -> memref<1x120xi32, #tpu.memory_space<vmem>>
    %dma_start3A_113 = tpu.memref_squeeze %dma_start3A_112 : memref<1x120xi32, #tpu.memory_space<vmem>> -> memref<120xi32, #tpu.memory_space<vmem>>
    %dma_start3A_114 = arith.constant 0 : i32
    %dma_start3A_115 = arith.constant 0 : i32
    %dma_start3A_116 = tpu.memref_slice %arg2[%dma_start3A_114, %dma_start3A_115] : memref<10000x128xf32, #tpu.memory_space<hbm>> -> memref<10000x128xf32, #tpu.memory_space<hbm>>
    %dma_start3A_117 = tpu.memref_slice %arg14[%dma_start3A_110] : memref<3x!tpu.dma_semaphore, #tpu.memory_space<semaphore_mem>> -> memref<1x!tpu.dma_semaphore, #tpu.memory_space<semaphore_mem>>
    %dma_start3A_118 = tpu.memref_squeeze %dma_start3A_117 : memref<1x!tpu.dma_semaphore, #tpu.memory_space<semaphore_mem>> -> memref<!tpu.dma_semaphore, #tpu.memory_space<semaphore_mem>>
    tpu.enqueue_indirect_dma source(%dma_start3A_116 : memref<10000x128xf32, #tpu.memory_space<hbm>>) target(%arg11 : memref<120x128xf32, #tpu.memory_space<vmem>>) offsets(%dma_start3A_113 : memref<120xi32, #tpu.memory_space<vmem>>) semaphore(%dma_start3A_118 : memref<!tpu.dma_semaphore, #tpu.memory_space<semaphore_mem>>)
    %dma_start3A_119 = arith.constant 2 : i32
    %dma_start3A_120 = arith.constant 2 : i32
    %dma_start3A_121 = arith.constant 0 : i32
    %dma_start3A_122 = tpu.memref_slice %arg6[%dma_start3A_119, %dma_start3A_121] : memref<3x120xi32, #tpu.memory_space<vmem>> -> memref<1x120xi32, #tpu.memory_space<vmem>>
    %dma_start3A_123 = tpu.memref_squeeze %dma_start3A_122 : memref<1x120xi32, #tpu.memory_space<vmem>> -> memref<120xi32, #tpu.memory_space<vmem>>
    %dma_start3A_124 = arith.constant 0 : i32
    %dma_start3A_125 = arith.constant 0 : i32
    %dma_start3A_126 = tpu.memref_slice %arg2[%dma_start3A_124, %dma_start3A_125] : memref<10000x128xf32, #tpu.memory_space<hbm>> -> memref<10000x128xf32, #tpu.memory_space<hbm>>
    %dma_start3A_127 = tpu.memref_slice %arg14[%dma_start3A_120] : memref<3x!tpu.dma_semaphore, #tpu.memory_space<semaphore_mem>> -> memref<1x!tpu.dma_semaphore, #tpu.memory_space<semaphore_mem>>
    %dma_start3A_128 = tpu.memref_squeeze %dma_start3A_127 : memref<1x!tpu.dma_semaphore, #tpu.memory_space<semaphore_mem>> -> memref<!tpu.dma_semaphore, #tpu.memory_space<semaphore_mem>>
    tpu.enqueue_indirect_dma source(%dma_start3A_126 : memref<10000x128xf32, #tpu.memory_space<hbm>>) target(%arg12 : memref<120x128xf32, #tpu.memory_space<vmem>>) offsets(%dma_start3A_123 : memref<120xi32, #tpu.memory_space<vmem>>) semaphore(%dma_start3A_128 : memref<!tpu.dma_semaphore, #tpu.memory_space<semaphore_mem>>)
    %scan3A_129 = arith.constant 0 : i32
    %scan3A_130 = arith.constant 12 : i32
    %scan3A_131 = arith.addi %scan3A_129, %scan3A_130 : i32
    %scan3A_132 = arith.constant 1 : i32
    scf.for %scan3A_711 = %scan3A_129 to %scan3A_131 step %scan3A_132  : i32 {
      %mul3A_712 = arith.constant 2 : i32
      %mul3A_713 = arith.muli %scan3A_711, %mul3A_712 : i32
      %add3A_714 = arith.constant 0 : i32
      %add3A_715 = arith.addi %add3A_714, %mul3A_713 : i32
      %dma_wait3A_716 = arith.constant 0 : i32
      %dma_wait3A_717 = arith.constant 0 : i32
      %dma_wait3A_718 = arith.constant 0 : i32
      %dma_wait3A_719 = tpu.memref_slice %arg6[%dma_wait3A_716, %dma_wait3A_718] : memref<3x120xi32, #tpu.memory_space<vmem>> -> memref<1x120xi32, #tpu.memory_space<vmem>>
      %dma_wait3A_720 = tpu.memref_squeeze %dma_wait3A_719 : memref<1x120xi32, #tpu.memory_space<vmem>> -> memref<120xi32, #tpu.memory_space<vmem>>
      %dma_wait3A_721 = arith.constant 0 : i32
      %dma_wait3A_722 = arith.constant 0 : i32
      %dma_wait3A_723 = tpu.memref_slice %arg2[%dma_wait3A_721, %dma_wait3A_722] : memref<10000x128xf32, #tpu.memory_space<hbm>> -> memref<10000x128xf32, #tpu.memory_space<hbm>>
      %dma_wait3A_724 = tpu.memref_slice %arg14[%dma_wait3A_717] : memref<3x!tpu.dma_semaphore, #tpu.memory_space<semaphore_mem>> -> memref<1x!tpu.dma_semaphore, #tpu.memory_space<semaphore_mem>>
      %dma_wait3A_725 = tpu.memref_squeeze %dma_wait3A_724 : memref<1x!tpu.dma_semaphore, #tpu.memory_space<semaphore_mem>> -> memref<!tpu.dma_semaphore, #tpu.memory_space<semaphore_mem>>
      tpu.wait_indirect_dma semaphore(%dma_wait3A_725 : memref<!tpu.dma_semaphore, #tpu.memory_space<semaphore_mem>>) src(%dma_wait3A_723 : memref<10000x128xf32, #tpu.memory_space<hbm>>) dst(%arg10 : memref<120x128xf32, #tpu.memory_space<vmem>>)
      %dma_start3A_726 = arith.constant 0 : i32
      %dma_start3A_727 = arith.constant 0 : i32
      %dma_start3A_728 = arith.constant 0 : i32
      %dma_start3A_729 = tpu.memref_slice %arg8[%dma_start3A_726, %dma_start3A_728] : memref<3x120xi32, #tpu.memory_space<vmem>> -> memref<1x120xi32, #tpu.memory_space<vmem>>
      %dma_start3A_730 = tpu.memref_squeeze %dma_start3A_729 : memref<1x120xi32, #tpu.memory_space<vmem>> -> memref<120xi32, #tpu.memory_space<vmem>>
      %dma_start3A_731 = arith.constant 0 : i32
      %dma_start3A_732 = arith.constant 0 : i32
      %dma_start3A_733 = tpu.memref_slice %arg16[%dma_start3A_731, %dma_start3A_732] : memref<10000x128xf32, #tpu.memory_space<vmem_shared>> -> memref<10000x128xf32, #tpu.memory_space<vmem_shared>>
      %dma_start3A_734 = tpu.memref_slice %arg15[%dma_start3A_727] : memref<3x!tpu.dma_semaphore, #tpu.memory_space<semaphore_mem>> -> memref<1x!tpu.dma_semaphore, #tpu.memory_space<semaphore_mem>>
      %dma_start3A_735 = tpu.memref_squeeze %dma_start3A_734 : memref<1x!tpu.dma_semaphore, #tpu.memory_space<semaphore_mem>> -> memref<!tpu.dma_semaphore, #tpu.memory_space<semaphore_mem>>
      tpu.enqueue_indirect_dma source(%arg10 : memref<120x128xf32, #tpu.memory_space<vmem>>) target(%dma_start3A_733 : memref<10000x128xf32, #tpu.memory_space<vmem_shared>>) offsets(%dma_start3A_730 : memref<120xi32, #tpu.memory_space<vmem>>) semaphore(%dma_start3A_735 : memref<!tpu.dma_semaphore, #tpu.memory_space<semaphore_mem>>) {add = true}
      %dma_wait3A_736 = arith.constant 1 : i32
      %dma_wait3A_737 = arith.constant 1 : i32
      %dma_wait3A_738 = arith.constant 0 : i32
      %dma_wait3A_739 = tpu.memref_slice %arg6[%dma_wait3A_736, %dma_wait3A_738] : memref<3x120xi32, #tpu.memory_space<vmem>> -> memref<1x120xi32, #tpu.memory_space<vmem>>
      %dma_wait3A_740 = tpu.memref_squeeze %dma_wait3A_739 : memref<1x120xi32, #tpu.memory_space<vmem>> -> memref<120xi32, #tpu.memory_space<vmem>>
      %dma_wait3A_741 = arith.constant 0 : i32
      %dma_wait3A_742 = arith.constant 0 : i32
      %dma_wait3A_743 = tpu.memref_slice %arg2[%dma_wait3A_741, %dma_wait3A_742] : memref<10000x128xf32, #tpu.memory_space<hbm>> -> memref<10000x128xf32, #tpu.memory_space<hbm>>
      %dma_wait3A_744 = tpu.memref_slice %arg14[%dma_wait3A_737] : memref<3x!tpu.dma_semaphore, #tpu.memory_space<semaphore_mem>> -> memref<1x!tpu.dma_semaphore, #tpu.memory_space<semaphore_mem>>
      %dma_wait3A_745 = tpu.memref_squeeze %dma_wait3A_744 : memref<1x!tpu.dma_semaphore, #tpu.memory_space<semaphore_mem>> -> memref<!tpu.dma_semaphore, #tpu.memory_space<semaphore_mem>>
      tpu.wait_indirect_dma semaphore(%dma_wait3A_745 : memref<!tpu.dma_semaphore, #tpu.memory_space<semaphore_mem>>) src(%dma_wait3A_743 : memref<10000x128xf32, #tpu.memory_space<hbm>>) dst(%arg11 : memref<120x128xf32, #tpu.memory_space<vmem>>)
      %dma_start3A_746 = arith.constant 1 : i32
      %dma_start3A_747 = arith.constant 1 : i32
      %dma_start3A_748 = arith.constant 0 : i32
      %dma_start3A_749 = tpu.memref_slice %arg8[%dma_start3A_746, %dma_start3A_748] : memref<3x120xi32, #tpu.memory_space<vmem>> -> memref<1x120xi32, #tpu.memory_space<vmem>>
      %dma_start3A_750 = tpu.memref_squeeze %dma_start3A_749 : memref<1x120xi32, #tpu.memory_space<vmem>> -> memref<120xi32, #tpu.memory_space<vmem>>
      %dma_start3A_751 = arith.constant 0 : i32
      %dma_start3A_752 = arith.constant 0 : i32
      %dma_start3A_753 = tpu.memref_slice %arg16[%dma_start3A_751, %dma_start3A_752] : memref<10000x128xf32, #tpu.memory_space<vmem_shared>> -> memref<10000x128xf32, #tpu.memory_space<vmem_shared>>
      %dma_start3A_754 = tpu.memref_slice %arg15[%dma_start3A_747] : memref<3x!tpu.dma_semaphore, #tpu.memory_space<semaphore_mem>> -> memref<1x!tpu.dma_semaphore, #tpu.memory_space<semaphore_mem>>
      %dma_start3A_755 = tpu.memref_squeeze %dma_start3A_754 : memref<1x!tpu.dma_semaphore, #tpu.memory_space<semaphore_mem>> -> memref<!tpu.dma_semaphore, #tpu.memory_space<semaphore_mem>>
      tpu.enqueue_indirect_dma source(%arg11 : memref<120x128xf32, #tpu.memory_space<vmem>>) target(%dma_start3A_753 : memref<10000x128xf32, #tpu.memory_space<vmem_shared>>) offsets(%dma_start3A_750 : memref<120xi32, #tpu.memory_space<vmem>>) semaphore(%dma_start3A_755 : memref<!tpu.dma_semaphore, #tpu.memory_space<semaphore_mem>>) {add = true}
      %dma_wait3A_756 = arith.constant 2 : i32
      %dma_wait3A_757 = arith.constant 2 : i32
      %dma_wait3A_758 = arith.constant 0 : i32
      %dma_wait3A_759 = tpu.memref_slice %arg6[%dma_wait3A_756, %dma_wait3A_758] : memref<3x120xi32, #tpu.memory_space<vmem>> -> memref<1x120xi32, #tpu.memory_space<vmem>>
      %dma_wait3A_760 = tpu.memref_squeeze %dma_wait3A_759 : memref<1x120xi32, #tpu.memory_space<vmem>> -> memref<120xi32, #tpu.memory_space<vmem>>
      %dma_wait3A_761 = arith.constant 0 : i32
      %dma_wait3A_762 = arith.constant 0 : i32
      %dma_wait3A_763 = tpu.memref_slice %arg2[%dma_wait3A_761, %dma_wait3A_762] : memref<10000x128xf32, #tpu.memory_space<hbm>> -> memref<10000x128xf32, #tpu.memory_space<hbm>>
      %dma_wait3A_764 = tpu.memref_slice %arg14[%dma_wait3A_757] : memref<3x!tpu.dma_semaphore, #tpu.memory_space<semaphore_mem>> -> memref<1x!tpu.dma_semaphore, #tpu.memory_space<semaphore_mem>>
      %dma_wait3A_765 = tpu.memref_squeeze %dma_wait3A_764 : memref<1x!tpu.dma_semaphore, #tpu.memory_space<semaphore_mem>> -> memref<!tpu.dma_semaphore, #tpu.memory_space<semaphore_mem>>
      tpu.wait_indirect_dma semaphore(%dma_wait3A_765 : memref<!tpu.dma_semaphore, #tpu.memory_space<semaphore_mem>>) src(%dma_wait3A_763 : memref<10000x128xf32, #tpu.memory_space<hbm>>) dst(%arg12 : memref<120x128xf32, #tpu.memory_space<vmem>>)
      %dma_start3A_766 = arith.constant 2 : i32
      %dma_start3A_767 = arith.constant 2 : i32
      %dma_start3A_768 = arith.constant 0 : i32
      %dma_start3A_769 = tpu.memref_slice %arg8[%dma_start3A_766, %dma_start3A_768] : memref<3x120xi32, #tpu.memory_space<vmem>> -> memref<1x120xi32, #tpu.memory_space<vmem>>
      %dma_start3A_770 = tpu.memref_squeeze %dma_start3A_769 : memref<1x120xi32, #tpu.memory_space<vmem>> -> memref<120xi32, #tpu.memory_space<vmem>>
      %dma_start3A_771 = arith.constant 0 : i32
      %dma_start3A_772 = arith.constant 0 : i32
      %dma_start3A_773 = tpu.memref_slice %arg16[%dma_start3A_771, %dma_start3A_772] : memref<10000x128xf32, #tpu.memory_space<vmem_shared>> -> memref<10000x128xf32, #tpu.memory_space<vmem_shared>>
      %dma_start3A_774 = tpu.memref_slice %arg15[%dma_start3A_767] : memref<3x!tpu.dma_semaphore, #tpu.memory_space<semaphore_mem>> -> memref<1x!tpu.dma_semaphore, #tpu.memory_space<semaphore_mem>>
      %dma_start3A_775 = tpu.memref_squeeze %dma_start3A_774 : memref<1x!tpu.dma_semaphore, #tpu.memory_space<semaphore_mem>> -> memref<!tpu.dma_semaphore, #tpu.memory_space<semaphore_mem>>
      tpu.enqueue_indirect_dma source(%arg12 : memref<120x128xf32, #tpu.memory_space<vmem>>) target(%dma_start3A_773 : memref<10000x128xf32, #tpu.memory_space<vmem_shared>>) offsets(%dma_start3A_770 : memref<120xi32, #tpu.memory_space<vmem>>) semaphore(%dma_start3A_775 : memref<!tpu.dma_semaphore, #tpu.memory_space<semaphore_mem>>) {add = true}
      %add3A_776 = arith.constant 1 : i32
      %add3A_777 = arith.addi %add3A_715, %add3A_776 : i32
      %dma_wait3A_778 = arith.constant 1 : i32
      %dma_wait3A_779 = arith.constant 0 : i32
      %dma_wait3A_780 = arith.constant 0 : i32
      %dma_wait3A_781 = tpu.memref_slice %arg3[%add3A, %add3A_777, %dma_wait3A_779, %dma_wait3A_780] : memref<32x28x3x120xi32, #tpu.memory_space<hbm>> -> memref<1x1x3x120xi32, #tpu.memory_space<hbm>>
      %dma_wait3A_782 = tpu.memref_squeeze %dma_wait3A_781 : memref<1x1x3x120xi32, #tpu.memory_space<hbm>> -> memref<3x120xi32, #tpu.memory_space<hbm>>
      %dma_wait3A_783 = tpu.memref_slice %arg13[%dma_wait3A_778] : memref<2x!tpu.dma_semaphore, #tpu.memory_space<semaphore_mem>> -> memref<1x!tpu.dma_semaphore, #tpu.memory_space<semaphore_mem>>
      %dma_wait3A_784 = tpu.memref_squeeze %dma_wait3A_783 : memref<1x!tpu.dma_semaphore, #tpu.memory_space<semaphore_mem>> -> memref<!tpu.dma_semaphore, #tpu.memory_space<semaphore_mem>>
      %dma_wait3A_785 = arith.constant 0 : i32
      %dma_wait3A_786 = arith.constant 0 : i32
      %dma_wait3A_787 = tpu.memref_slice %arg3[%add3A, %add3A_777, %dma_wait3A_785, %dma_wait3A_786] : memref<32x28x3x120xi32, #tpu.memory_space<hbm>> -> memref<1x1x3x120xi32, #tpu.memory_space<hbm>>
      %dma_wait3A_788 = tpu.memref_squeeze %dma_wait3A_787 : memref<1x1x3x120xi32, #tpu.memory_space<hbm>> -> memref<3x120xi32, #tpu.memory_space<hbm>>
      tpu.wait_dma2 semaphore(%dma_wait3A_784 : memref<!tpu.dma_semaphore, #tpu.memory_space<semaphore_mem>>) src(%dma_wait3A_788 : memref<3x120xi32, #tpu.memory_space<hbm>>) dst(%arg7 : memref<3x120xi32, #tpu.memory_space<vmem>>)
      %dma_wait3A_789 = arith.constant 1 : i32
      %dma_wait3A_790 = arith.constant 0 : i32
      %dma_wait3A_791 = arith.constant 0 : i32
      %dma_wait3A_792 = tpu.memref_slice %arg4[%add3A, %add3A_777, %dma_wait3A_790, %dma_wait3A_791] : memref<32x28x3x120xi32, #tpu.memory_space<hbm>> -> memref<1x1x3x120xi32, #tpu.memory_space<hbm>>
      %dma_wait3A_793 = tpu.memref_squeeze %dma_wait3A_792 : memref<1x1x3x120xi32, #tpu.memory_space<hbm>> -> memref<3x120xi32, #tpu.memory_space<hbm>>
      %dma_wait3A_794 = tpu.memref_slice %arg13[%dma_wait3A_789] : memref<2x!tpu.dma_semaphore, #tpu.memory_space<semaphore_mem>> -> memref<1x!tpu.dma_semaphore, #tpu.memory_space<semaphore_mem>>
      %dma_wait3A_795 = tpu.memref_squeeze %dma_wait3A_794 : memref<1x!tpu.dma_semaphore, #tpu.memory_space<semaphore_mem>> -> memref<!tpu.dma_semaphore, #tpu.memory_space<semaphore_mem>>
      %dma_wait3A_796 = arith.constant 0 : i32
      %dma_wait3A_797 = arith.constant 0 : i32
      %dma_wait3A_798 = tpu.memref_slice %arg4[%add3A, %add3A_777, %dma_wait3A_796, %dma_wait3A_797] : memref<32x28x3x120xi32, #tpu.memory_space<hbm>> -> memref<1x1x3x120xi32, #tpu.memory_space<hbm>>
      %dma_wait3A_799 = tpu.memref_squeeze %dma_wait3A_798 : memref<1x1x3x120xi32, #tpu.memory_space<hbm>> -> memref<3x120xi32, #tpu.memory_space<hbm>>
      tpu.wait_dma2 semaphore(%dma_wait3A_795 : memref<!tpu.dma_semaphore, #tpu.memory_space<semaphore_mem>>) src(%dma_wait3A_799 : memref<3x120xi32, #tpu.memory_space<hbm>>) dst(%arg9 : memref<3x120xi32, #tpu.memory_space<vmem>>)
      %dma_wait3A_800 = arith.constant 0 : i32
      %dma_wait3A_801 = arith.constant 0 : i32
      %dma_wait3A_802 = arith.constant 0 : i32
      %dma_wait3A_803 = tpu.memref_slice %arg8[%dma_wait3A_800, %dma_wait3A_802] : memref<3x120xi32, #tpu.memory_space<vmem>> -> memref<1x120xi32, #tpu.memory_space<vmem>>
      %dma_wait3A_804 = tpu.memref_squeeze %dma_wait3A_803 : memref<1x120xi32, #tpu.memory_space<vmem>> -> memref<120xi32, #tpu.memory_space<vmem>>
      %dma_wait3A_805 = arith.constant 0 : i32
      %dma_wait3A_806 = arith.constant 0 : i32
      %dma_wait3A_807 = tpu.memref_slice %arg16[%dma_wait3A_805, %dma_wait3A_806] : memref<10000x128xf32, #tpu.memory_space<vmem_shared>> -> memref<10000x128xf32, #tpu.memory_space<vmem_shared>>
      %dma_wait3A_808 = tpu.memref_slice %arg15[%dma_wait3A_801] : memref<3x!tpu.dma_semaphore, #tpu.memory_space<semaphore_mem>> -> memref<1x!tpu.dma_semaphore, #tpu.memory_space<semaphore_mem>>
      %dma_wait3A_809 = tpu.memref_squeeze %dma_wait3A_808 : memref<1x!tpu.dma_semaphore, #tpu.memory_space<semaphore_mem>> -> memref<!tpu.dma_semaphore, #tpu.memory_space<semaphore_mem>>
      tpu.wait_indirect_dma semaphore(%dma_wait3A_809 : memref<!tpu.dma_semaphore, #tpu.memory_space<semaphore_mem>>) src(%arg10 : memref<120x128xf32, #tpu.memory_space<vmem>>) dst(%dma_wait3A_807 : memref<10000x128xf32, #tpu.memory_space<vmem_shared>>)
      %dma_start3A_810 = arith.constant 0 : i32
      %dma_start3A_811 = arith.constant 0 : i32
      %dma_start3A_812 = arith.constant 0 : i32
      %dma_start3A_813 = tpu.memref_slice %arg7[%dma_start3A_810, %dma_start3A_812] : memref<3x120xi32, #tpu.memory_space<vmem>> -> memref<1x120xi32, #tpu.memory_space<vmem>>
      %dma_start3A_814 = tpu.memref_squeeze %dma_start3A_813 : memref<1x120xi32, #tpu.memory_space<vmem>> -> memref<120xi32, #tpu.memory_space<vmem>>
      %dma_start3A_815 = arith.constant 0 : i32
      %dma_start3A_816 = arith.constant 0 : i32
      %dma_start3A_817 = tpu.memref_slice %arg2[%dma_start3A_815, %dma_start3A_816] : memref<10000x128xf32, #tpu.memory_space<hbm>> -> memref<10000x128xf32, #tpu.memory_space<hbm>>
      %dma_start3A_818 = tpu.memref_slice %arg14[%dma_start3A_811] : memref<3x!tpu.dma_semaphore, #tpu.memory_space<semaphore_mem>> -> memref<1x!tpu.dma_semaphore, #tpu.memory_space<semaphore_mem>>
      %dma_start3A_819 = tpu.memref_squeeze %dma_start3A_818 : memref<1x!tpu.dma_semaphore, #tpu.memory_space<semaphore_mem>> -> memref<!tpu.dma_semaphore, #tpu.memory_space<semaphore_mem>>
      tpu.enqueue_indirect_dma source(%dma_start3A_817 : memref<10000x128xf32, #tpu.memory_space<hbm>>) target(%arg10 : memref<120x128xf32, #tpu.memory_space<vmem>>) offsets(%dma_start3A_814 : memref<120xi32, #tpu.memory_space<vmem>>) semaphore(%dma_start3A_819 : memref<!tpu.dma_semaphore, #tpu.memory_space<semaphore_mem>>)
      %dma_wait3A_820 = arith.constant 1 : i32
      %dma_wait3A_821 = arith.constant 1 : i32
      %dma_wait3A_822 = arith.constant 0 : i32
      %dma_wait3A_823 = tpu.memref_slice %arg8[%dma_wait3A_820, %dma_wait3A_822] : memref<3x120xi32, #tpu.memory_space<vmem>> -> memref<1x120xi32, #tpu.memory_space<vmem>>
      %dma_wait3A_824 = tpu.memref_squeeze %dma_wait3A_823 : memref<1x120xi32, #tpu.memory_space<vmem>> -> memref<120xi32, #tpu.memory_space<vmem>>
      %dma_wait3A_825 = arith.constant 0 : i32
      %dma_wait3A_826 = arith.constant 0 : i32
      %dma_wait3A_827 = tpu.memref_slice %arg16[%dma_wait3A_825, %dma_wait3A_826] : memref<10000x128xf32, #tpu.memory_space<vmem_shared>> -> memref<10000x128xf32, #tpu.memory_space<vmem_shared>>
      %dma_wait3A_828 = tpu.memref_slice %arg15[%dma_wait3A_821] : memref<3x!tpu.dma_semaphore, #tpu.memory_space<semaphore_mem>> -> memref<1x!tpu.dma_semaphore, #tpu.memory_space<semaphore_mem>>
      %dma_wait3A_829 = tpu.memref_squeeze %dma_wait3A_828 : memref<1x!tpu.dma_semaphore, #tpu.memory_space<semaphore_mem>> -> memref<!tpu.dma_semaphore, #tpu.memory_space<semaphore_mem>>
      tpu.wait_indirect_dma semaphore(%dma_wait3A_829 : memref<!tpu.dma_semaphore, #tpu.memory_space<semaphore_mem>>) src(%arg11 : memref<120x128xf32, #tpu.memory_space<vmem>>) dst(%dma_wait3A_827 : memref<10000x128xf32, #tpu.memory_space<vmem_shared>>)
      %dma_start3A_830 = arith.constant 1 : i32
      %dma_start3A_831 = arith.constant 1 : i32
      %dma_start3A_832 = arith.constant 0 : i32
      %dma_start3A_833 = tpu.memref_slice %arg7[%dma_start3A_830, %dma_start3A_832] : memref<3x120xi32, #tpu.memory_space<vmem>> -> memref<1x120xi32, #tpu.memory_space<vmem>>
      %dma_start3A_834 = tpu.memref_squeeze %dma_start3A_833 : memref<1x120xi32, #tpu.memory_space<vmem>> -> memref<120xi32, #tpu.memory_space<vmem>>
      %dma_start3A_835 = arith.constant 0 : i32
      %dma_start3A_836 = arith.constant 0 : i32
      %dma_start3A_837 = tpu.memref_slice %arg2[%dma_start3A_835, %dma_start3A_836] : memref<10000x128xf32, #tpu.memory_space<hbm>> -> memref<10000x128xf32, #tpu.memory_space<hbm>>
      %dma_start3A_838 = tpu.memref_slice %arg14[%dma_start3A_831] : memref<3x!tpu.dma_semaphore, #tpu.memory_space<semaphore_mem>> -> memref<1x!tpu.dma_semaphore, #tpu.memory_space<semaphore_mem>>
      %dma_start3A_839 = tpu.memref_squeeze %dma_start3A_838 : memref<1x!tpu.dma_semaphore, #tpu.memory_space<semaphore_mem>> -> memref<!tpu.dma_semaphore, #tpu.memory_space<semaphore_mem>>
      tpu.enqueue_indirect_dma source(%dma_start3A_837 : memref<10000x128xf32, #tpu.memory_space<hbm>>) target(%arg11 : memref<120x128xf32, #tpu.memory_space<vmem>>) offsets(%dma_start3A_834 : memref<120xi32, #tpu.memory_space<vmem>>) semaphore(%dma_start3A_839 : memref<!tpu.dma_semaphore, #tpu.memory_space<semaphore_mem>>)
      %dma_wait3A_840 = arith.constant 2 : i32
      %dma_wait3A_841 = arith.constant 2 : i32
      %dma_wait3A_842 = arith.constant 0 : i32
      %dma_wait3A_843 = tpu.memref_slice %arg8[%dma_wait3A_840, %dma_wait3A_842] : memref<3x120xi32, #tpu.memory_space<vmem>> -> memref<1x120xi32, #tpu.memory_space<vmem>>
      %dma_wait3A_844 = tpu.memref_squeeze %dma_wait3A_843 : memref<1x120xi32, #tpu.memory_space<vmem>> -> memref<120xi32, #tpu.memory_space<vmem>>
      %dma_wait3A_845 = arith.constant 0 : i32
      %dma_wait3A_846 = arith.constant 0 : i32
      %dma_wait3A_847 = tpu.memref_slice %arg16[%dma_wait3A_845, %dma_wait3A_846] : memref<10000x128xf32, #tpu.memory_space<vmem_shared>> -> memref<10000x128xf32, #tpu.memory_space<vmem_shared>>
      %dma_wait3A_848 = tpu.memref_slice %arg15[%dma_wait3A_841] : memref<3x!tpu.dma_semaphore, #tpu.memory_space<semaphore_mem>> -> memref<1x!tpu.dma_semaphore, #tpu.memory_space<semaphore_mem>>
      %dma_wait3A_849 = tpu.memref_squeeze %dma_wait3A_848 : memref<1x!tpu.dma_semaphore, #tpu.memory_space<semaphore_mem>> -> memref<!tpu.dma_semaphore, #tpu.memory_space<semaphore_mem>>
      tpu.wait_indirect_dma semaphore(%dma_wait3A_849 : memref<!tpu.dma_semaphore, #tpu.memory_space<semaphore_mem>>) src(%arg12 : memref<120x128xf32, #tpu.memory_space<vmem>>) dst(%dma_wait3A_847 : memref<10000x128xf32, #tpu.memory_space<vmem_shared>>)
      %dma_start3A_850 = arith.constant 2 : i32
      %dma_start3A_851 = arith.constant 2 : i32
      %dma_start3A_852 = arith.constant 0 : i32
      %dma_start3A_853 = tpu.memref_slice %arg7[%dma_start3A_850, %dma_start3A_852] : memref<3x120xi32, #tpu.memory_space<vmem>> -> memref<1x120xi32, #tpu.memory_space<vmem>>
      %dma_start3A_854 = tpu.memref_squeeze %dma_start3A_853 : memref<1x120xi32, #tpu.memory_space<vmem>> -> memref<120xi32, #tpu.memory_space<vmem>>
      %dma_start3A_855 = arith.constant 0 : i32
      %dma_start3A_856 = arith.constant 0 : i32
      %dma_start3A_857 = tpu.memref_slice %arg2[%dma_start3A_855, %dma_start3A_856] : memref<10000x128xf32, #tpu.memory_space<hbm>> -> memref<10000x128xf32, #tpu.memory_space<hbm>>
      %dma_start3A_858 = tpu.memref_slice %arg14[%dma_start3A_851] : memref<3x!tpu.dma_semaphore, #tpu.memory_space<semaphore_mem>> -> memref<1x!tpu.dma_semaphore, #tpu.memory_space<semaphore_mem>>
      %dma_start3A_859 = tpu.memref_squeeze %dma_start3A_858 : memref<1x!tpu.dma_semaphore, #tpu.memory_space<semaphore_mem>> -> memref<!tpu.dma_semaphore, #tpu.memory_space<semaphore_mem>>
      tpu.enqueue_indirect_dma source(%dma_start3A_857 : memref<10000x128xf32, #tpu.memory_space<hbm>>) target(%arg12 : memref<120x128xf32, #tpu.memory_space<vmem>>) offsets(%dma_start3A_854 : memref<120xi32, #tpu.memory_space<vmem>>) semaphore(%dma_start3A_859 : memref<!tpu.dma_semaphore, #tpu.memory_space<semaphore_mem>>)
      %add3A_860 = arith.constant 2 : i32
      %add3A_861 = arith.addi %add3A_715, %add3A_860 : i32
      %dma_start3A_862 = arith.constant 0 : i32
      %dma_start3A_863 = arith.constant 0 : i32
      %dma_start3A_864 = arith.constant 0 : i32
      %dma_start3A_865 = tpu.memref_slice %arg3[%add3A, %add3A_861, %dma_start3A_863, %dma_start3A_864] : memref<32x28x3x120xi32, #tpu.memory_space<hbm>> -> memref<1x1x3x120xi32, #tpu.memory_space<hbm>>
      %dma_start3A_866 = tpu.memref_squeeze %dma_start3A_865 : memref<1x1x3x120xi32, #tpu.memory_space<hbm>> -> memref<3x120xi32, #tpu.memory_space<hbm>>
      %dma_start3A_867 = tpu.memref_slice %arg13[%dma_start3A_862] : memref<2x!tpu.dma_semaphore, #tpu.memory_space<semaphore_mem>> -> memref<1x!tpu.dma_semaphore, #tpu.memory_space<semaphore_mem>>
      %dma_start3A_868 = tpu.memref_squeeze %dma_start3A_867 : memref<1x!tpu.dma_semaphore, #tpu.memory_space<semaphore_mem>> -> memref<!tpu.dma_semaphore, #tpu.memory_space<semaphore_mem>>
      %dma_start3A_869 = arith.constant 0 : i32
      %dma_start3A_870 = arith.constant 0 : i32
      %dma_start3A_871 = tpu.memref_slice %arg3[%add3A, %add3A_861, %dma_start3A_869, %dma_start3A_870] : memref<32x28x3x120xi32, #tpu.memory_space<hbm>> -> memref<1x1x3x120xi32, #tpu.memory_space<hbm>>
      %dma_start3A_872 = tpu.memref_squeeze %dma_start3A_871 : memref<1x1x3x120xi32, #tpu.memory_space<hbm>> -> memref<3x120xi32, #tpu.memory_space<hbm>>
      tpu.enqueue_dma source(%dma_start3A_872 : memref<3x120xi32, #tpu.memory_space<hbm>>) target(%arg6 : memref<3x120xi32, #tpu.memory_space<vmem>>) target_semaphore(%dma_start3A_868 : memref<!tpu.dma_semaphore, #tpu.memory_space<semaphore_mem>>)
      %dma_start3A_873 = arith.constant 0 : i32
      %dma_start3A_874 = arith.constant 0 : i32
      %dma_start3A_875 = arith.constant 0 : i32
      %dma_start3A_876 = tpu.memref_slice %arg4[%add3A, %add3A_861, %dma_start3A_874, %dma_start3A_875] : memref<32x28x3x120xi32, #tpu.memory_space<hbm>> -> memref<1x1x3x120xi32, #tpu.memory_space<hbm>>
      %dma_start3A_877 = tpu.memref_squeeze %dma_start3A_876 : memref<1x1x3x120xi32, #tpu.memory_space<hbm>> -> memref<3x120xi32, #tpu.memory_space<hbm>>
      %dma_start3A_878 = tpu.memref_slice %arg13[%dma_start3A_873] : memref<2x!tpu.dma_semaphore, #tpu.memory_space<semaphore_mem>> -> memref<1x!tpu.dma_semaphore, #tpu.memory_space<semaphore_mem>>
      %dma_start3A_879 = tpu.memref_squeeze %dma_start3A_878 : memref<1x!tpu.dma_semaphore, #tpu.memory_space<semaphore_mem>> -> memref<!tpu.dma_semaphore, #tpu.memory_space<semaphore_mem>>
      %dma_start3A_880 = arith.constant 0 : i32
      %dma_start3A_881 = arith.constant 0 : i32
      %dma_start3A_882 = tpu.memref_slice %arg4[%add3A, %add3A_861, %dma_start3A_880, %dma_start3A_881] : memref<32x28x3x120xi32, #tpu.memory_space<hbm>> -> memref<1x1x3x120xi32, #tpu.memory_space<hbm>>
      %dma_start3A_883 = tpu.memref_squeeze %dma_start3A_882 : memref<1x1x3x120xi32, #tpu.memory_space<hbm>> -> memref<3x120xi32, #tpu.memory_space<hbm>>
      tpu.enqueue_dma source(%dma_start3A_883 : memref<3x120xi32, #tpu.memory_space<hbm>>) target(%arg8 : memref<3x120xi32, #tpu.memory_space<vmem>>) target_semaphore(%dma_start3A_879 : memref<!tpu.dma_semaphore, #tpu.memory_space<semaphore_mem>>)
      %add3A_884 = arith.constant 1 : i32
      %add3A_885 = arith.addi %add3A_715, %add3A_884 : i32
      %dma_wait3A_886 = arith.constant 0 : i32
      %dma_wait3A_887 = arith.constant 0 : i32
      %dma_wait3A_888 = arith.constant 0 : i32
      %dma_wait3A_889 = tpu.memref_slice %arg7[%dma_wait3A_886, %dma_wait3A_888] : memref<3x120xi32, #tpu.memory_space<vmem>> -> memref<1x120xi32, #tpu.memory_space<vmem>>
      %dma_wait3A_890 = tpu.memref_squeeze %dma_wait3A_889 : memref<1x120xi32, #tpu.memory_space<vmem>> -> memref<120xi32, #tpu.memory_space<vmem>>
      %dma_wait3A_891 = arith.constant 0 : i32
      %dma_wait3A_892 = arith.constant 0 : i32
      %dma_wait3A_893 = tpu.memref_slice %arg2[%dma_wait3A_891, %dma_wait3A_892] : memref<10000x128xf32, #tpu.memory_space<hbm>> -> memref<10000x128xf32, #tpu.memory_space<hbm>>
      %dma_wait3A_894 = tpu.memref_slice %arg14[%dma_wait3A_887] : memref<3x!tpu.dma_semaphore, #tpu.memory_space<semaphore_mem>> -> memref<1x!tpu.dma_semaphore, #tpu.memory_space<semaphore_mem>>
      %dma_wait3A_895 = tpu.memref_squeeze %dma_wait3A_894 : memref<1x!tpu.dma_semaphore, #tpu.memory_space<semaphore_mem>> -> memref<!tpu.dma_semaphore, #tpu.memory_space<semaphore_mem>>
      tpu.wait_indirect_dma semaphore(%dma_wait3A_895 : memref<!tpu.dma_semaphore, #tpu.memory_space<semaphore_mem>>) src(%dma_wait3A_893 : memref<10000x128xf32, #tpu.memory_space<hbm>>) dst(%arg10 : memref<120x128xf32, #tpu.memory_space<vmem>>)
      %dma_start3A_896 = arith.constant 0 : i32
      %dma_start3A_897 = arith.constant 0 : i32
      %dma_start3A_898 = arith.constant 0 : i32
      %dma_start3A_899 = tpu.memref_slice %arg9[%dma_start3A_896, %dma_start3A_898] : memref<3x120xi32, #tpu.memory_space<vmem>> -> memref<1x120xi32, #tpu.memory_space<vmem>>
      %dma_start3A_900 = tpu.memref_squeeze %dma_start3A_899 : memref<1x120xi32, #tpu.memory_space<vmem>> -> memref<120xi32, #tpu.memory_space<vmem>>
      %dma_start3A_901 = arith.constant 0 : i32
      %dma_start3A_902 = arith.constant 0 : i32
      %dma_start3A_903 = tpu.memref_slice %arg16[%dma_start3A_901, %dma_start3A_902] : memref<10000x128xf32, #tpu.memory_space<vmem_shared>> -> memref<10000x128xf32, #tpu.memory_space<vmem_shared>>
      %dma_start3A_904 = tpu.memref_slice %arg15[%dma_start3A_897] : memref<3x!tpu.dma_semaphore, #tpu.memory_space<semaphore_mem>> -> memref<1x!tpu.dma_semaphore, #tpu.memory_space<semaphore_mem>>
      %dma_start3A_905 = tpu.memref_squeeze %dma_start3A_904 : memref<1x!tpu.dma_semaphore, #tpu.memory_space<semaphore_mem>> -> memref<!tpu.dma_semaphore, #tpu.memory_space<semaphore_mem>>
      tpu.enqueue_indirect_dma source(%arg10 : memref<120x128xf32, #tpu.memory_space<vmem>>) target(%dma_start3A_903 : memref<10000x128xf32, #tpu.memory_space<vmem_shared>>) offsets(%dma_start3A_900 : memref<120xi32, #tpu.memory_space<vmem>>) semaphore(%dma_start3A_905 : memref<!tpu.dma_semaphore, #tpu.memory_space<semaphore_mem>>) {add = true}
      %dma_wait3A_906 = arith.constant 1 : i32
      %dma_wait3A_907 = arith.constant 1 : i32
      %dma_wait3A_908 = arith.constant 0 : i32
      %dma_wait3A_909 = tpu.memref_slice %arg7[%dma_wait3A_906, %dma_wait3A_908] : memref<3x120xi32, #tpu.memory_space<vmem>> -> memref<1x120xi32, #tpu.memory_space<vmem>>
      %dma_wait3A_910 = tpu.memref_squeeze %dma_wait3A_909 : memref<1x120xi32, #tpu.memory_space<vmem>> -> memref<120xi32, #tpu.memory_space<vmem>>
      %dma_wait3A_911 = arith.constant 0 : i32
      %dma_wait3A_912 = arith.constant 0 : i32
      %dma_wait3A_913 = tpu.memref_slice %arg2[%dma_wait3A_911, %dma_wait3A_912] : memref<10000x128xf32, #tpu.memory_space<hbm>> -> memref<10000x128xf32, #tpu.memory_space<hbm>>
      %dma_wait3A_914 = tpu.memref_slice %arg14[%dma_wait3A_907] : memref<3x!tpu.dma_semaphore, #tpu.memory_space<semaphore_mem>> -> memref<1x!tpu.dma_semaphore, #tpu.memory_space<semaphore_mem>>
      %dma_wait3A_915 = tpu.memref_squeeze %dma_wait3A_914 : memref<1x!tpu.dma_semaphore, #tpu.memory_space<semaphore_mem>> -> memref<!tpu.dma_semaphore, #tpu.memory_space<semaphore_mem>>
      tpu.wait_indirect_dma semaphore(%dma_wait3A_915 : memref<!tpu.dma_semaphore, #tpu.memory_space<semaphore_mem>>) src(%dma_wait3A_913 : memref<10000x128xf32, #tpu.memory_space<hbm>>) dst(%arg11 : memref<120x128xf32, #tpu.memory_space<vmem>>)
      %dma_start3A_916 = arith.constant 1 : i32
      %dma_start3A_917 = arith.constant 1 : i32
      %dma_start3A_918 = arith.constant 0 : i32
      %dma_start3A_919 = tpu.memref_slice %arg9[%dma_start3A_916, %dma_start3A_918] : memref<3x120xi32, #tpu.memory_space<vmem>> -> memref<1x120xi32, #tpu.memory_space<vmem>>
      %dma_start3A_920 = tpu.memref_squeeze %dma_start3A_919 : memref<1x120xi32, #tpu.memory_space<vmem>> -> memref<120xi32, #tpu.memory_space<vmem>>
      %dma_start3A_921 = arith.constant 0 : i32
      %dma_start3A_922 = arith.constant 0 : i32
      %dma_start3A_923 = tpu.memref_slice %arg16[%dma_start3A_921, %dma_start3A_922] : memref<10000x128xf32, #tpu.memory_space<vmem_shared>> -> memref<10000x128xf32, #tpu.memory_space<vmem_shared>>
      %dma_start3A_924 = tpu.memref_slice %arg15[%dma_start3A_917] : memref<3x!tpu.dma_semaphore, #tpu.memory_space<semaphore_mem>> -> memref<1x!tpu.dma_semaphore, #tpu.memory_space<semaphore_mem>>
      %dma_start3A_925 = tpu.memref_squeeze %dma_start3A_924 : memref<1x!tpu.dma_semaphore, #tpu.memory_space<semaphore_mem>> -> memref<!tpu.dma_semaphore, #tpu.memory_space<semaphore_mem>>
      tpu.enqueue_indirect_dma source(%arg11 : memref<120x128xf32, #tpu.memory_space<vmem>>) target(%dma_start3A_923 : memref<10000x128xf32, #tpu.memory_space<vmem_shared>>) offsets(%dma_start3A_920 : memref<120xi32, #tpu.memory_space<vmem>>) semaphore(%dma_start3A_925 : memref<!tpu.dma_semaphore, #tpu.memory_space<semaphore_mem>>) {add = true}
      %dma_wait3A_926 = arith.constant 2 : i32
      %dma_wait3A_927 = arith.constant 2 : i32
      %dma_wait3A_928 = arith.constant 0 : i32
      %dma_wait3A_929 = tpu.memref_slice %arg7[%dma_wait3A_926, %dma_wait3A_928] : memref<3x120xi32, #tpu.memory_space<vmem>> -> memref<1x120xi32, #tpu.memory_space<vmem>>
      %dma_wait3A_930 = tpu.memref_squeeze %dma_wait3A_929 : memref<1x120xi32, #tpu.memory_space<vmem>> -> memref<120xi32, #tpu.memory_space<vmem>>
      %dma_wait3A_931 = arith.constant 0 : i32
      %dma_wait3A_932 = arith.constant 0 : i32
      %dma_wait3A_933 = tpu.memref_slice %arg2[%dma_wait3A_931, %dma_wait3A_932] : memref<10000x128xf32, #tpu.memory_space<hbm>> -> memref<10000x128xf32, #tpu.memory_space<hbm>>
      %dma_wait3A_934 = tpu.memref_slice %arg14[%dma_wait3A_927] : memref<3x!tpu.dma_semaphore, #tpu.memory_space<semaphore_mem>> -> memref<1x!tpu.dma_semaphore, #tpu.memory_space<semaphore_mem>>
      %dma_wait3A_935 = tpu.memref_squeeze %dma_wait3A_934 : memref<1x!tpu.dma_semaphore, #tpu.memory_space<semaphore_mem>> -> memref<!tpu.dma_semaphore, #tpu.memory_space<semaphore_mem>>
      tpu.wait_indirect_dma semaphore(%dma_wait3A_935 : memref<!tpu.dma_semaphore, #tpu.memory_space<semaphore_mem>>) src(%dma_wait3A_933 : memref<10000x128xf32, #tpu.memory_space<hbm>>) dst(%arg12 : memref<120x128xf32, #tpu.memory_space<vmem>>)
      %dma_start3A_936 = arith.constant 2 : i32
      %dma_start3A_937 = arith.constant 2 : i32
      %dma_start3A_938 = arith.constant 0 : i32
      %dma_start3A_939 = tpu.memref_slice %arg9[%dma_start3A_936, %dma_start3A_938] : memref<3x120xi32, #tpu.memory_space<vmem>> -> memref<1x120xi32, #tpu.memory_space<vmem>>
      %dma_start3A_940 = tpu.memref_squeeze %dma_start3A_939 : memref<1x120xi32, #tpu.memory_space<vmem>> -> memref<120xi32, #tpu.memory_space<vmem>>
      %dma_start3A_941 = arith.constant 0 : i32
      %dma_start3A_942 = arith.constant 0 : i32
      %dma_start3A_943 = tpu.memref_slice %arg16[%dma_start3A_941, %dma_start3A_942] : memref<10000x128xf32, #tpu.memory_space<vmem_shared>> -> memref<10000x128xf32, #tpu.memory_space<vmem_shared>>
      %dma_start3A_944 = tpu.memref_slice %arg15[%dma_start3A_937] : memref<3x!tpu.dma_semaphore, #tpu.memory_space<semaphore_mem>> -> memref<1x!tpu.dma_semaphore, #tpu.memory_space<semaphore_mem>>
      %dma_start3A_945 = tpu.memref_squeeze %dma_start3A_944 : memref<1x!tpu.dma_semaphore, #tpu.memory_space<semaphore_mem>> -> memref<!tpu.dma_semaphore, #tpu.memory_space<semaphore_mem>>
      tpu.enqueue_indirect_dma source(%arg12 : memref<120x128xf32, #tpu.memory_space<vmem>>) target(%dma_start3A_943 : memref<10000x128xf32, #tpu.memory_space<vmem_shared>>) offsets(%dma_start3A_940 : memref<120xi32, #tpu.memory_space<vmem>>) semaphore(%dma_start3A_945 : memref<!tpu.dma_semaphore, #tpu.memory_space<semaphore_mem>>) {add = true}
      %add3A_946 = arith.constant 1 : i32
      %add3A_947 = arith.addi %add3A_885, %add3A_946 : i32
      %dma_wait3A_948 = arith.constant 0 : i32
      %dma_wait3A_949 = arith.constant 0 : i32
      %dma_wait3A_950 = arith.constant 0 : i32
      %dma_wait3A_951 = tpu.memref_slice %arg3[%add3A, %add3A_947, %dma_wait3A_949, %dma_wait3A_950] : memref<32x28x3x120xi32, #tpu.memory_space<hbm>> -> memref<1x1x3x120xi32, #tpu.memory_space<hbm>>
      %dma_wait3A_952 = tpu.memref_squeeze %dma_wait3A_951 : memref<1x1x3x120xi32, #tpu.memory_space<hbm>> -> memref<3x120xi32, #tpu.memory_space<hbm>>
      %dma_wait3A_953 = tpu.memref_slice %arg13[%dma_wait3A_948] : memref<2x!tpu.dma_semaphore, #tpu.memory_space<semaphore_mem>> -> memref<1x!tpu.dma_semaphore, #tpu.memory_space<semaphore_mem>>
      %dma_wait3A_954 = tpu.memref_squeeze %dma_wait3A_953 : memref<1x!tpu.dma_semaphore, #tpu.memory_space<semaphore_mem>> -> memref<!tpu.dma_semaphore, #tpu.memory_space<semaphore_mem>>
      %dma_wait3A_955 = arith.constant 0 : i32
      %dma_wait3A_956 = arith.constant 0 : i32
      %dma_wait3A_957 = tpu.memref_slice %arg3[%add3A, %add3A_947, %dma_wait3A_955, %dma_wait3A_956] : memref<32x28x3x120xi32, #tpu.memory_space<hbm>> -> memref<1x1x3x120xi32, #tpu.memory_space<hbm>>
      %dma_wait3A_958 = tpu.memref_squeeze %dma_wait3A_957 : memref<1x1x3x120xi32, #tpu.memory_space<hbm>> -> memref<3x120xi32, #tpu.memory_space<hbm>>
      tpu.wait_dma2 semaphore(%dma_wait3A_954 : memref<!tpu.dma_semaphore, #tpu.memory_space<semaphore_mem>>) src(%dma_wait3A_958 : memref<3x120xi32, #tpu.memory_space<hbm>>) dst(%arg6 : memref<3x120xi32, #tpu.memory_space<vmem>>)
      %dma_wait3A_959 = arith.constant 0 : i32
      %dma_wait3A_960 = arith.constant 0 : i32
      %dma_wait3A_961 = arith.constant 0 : i32
      %dma_wait3A_962 = tpu.memref_slice %arg4[%add3A, %add3A_947, %dma_wait3A_960, %dma_wait3A_961] : memref<32x28x3x120xi32, #tpu.memory_space<hbm>> -> memref<1x1x3x120xi32, #tpu.memory_space<hbm>>
      %dma_wait3A_963 = tpu.memref_squeeze %dma_wait3A_962 : memref<1x1x3x120xi32, #tpu.memory_space<hbm>> -> memref<3x120xi32, #tpu.memory_space<hbm>>
      %dma_wait3A_964 = tpu.memref_slice %arg13[%dma_wait3A_959] : memref<2x!tpu.dma_semaphore, #tpu.memory_space<semaphore_mem>> -> memref<1x!tpu.dma_semaphore, #tpu.memory_space<semaphore_mem>>
      %dma_wait3A_965 = tpu.memref_squeeze %dma_wait3A_964 : memref<1x!tpu.dma_semaphore, #tpu.memory_space<semaphore_mem>> -> memref<!tpu.dma_semaphore, #tpu.memory_space<semaphore_mem>>
      %dma_wait3A_966 = arith.constant 0 : i32
      %dma_wait3A_967 = arith.constant 0 : i32
      %dma_wait3A_968 = tpu.memref_slice %arg4[%add3A, %add3A_947, %dma_wait3A_966, %dma_wait3A_967] : memref<32x28x3x120xi32, #tpu.memory_space<hbm>> -> memref<1x1x3x120xi32, #tpu.memory_space<hbm>>
      %dma_wait3A_969 = tpu.memref_squeeze %dma_wait3A_968 : memref<1x1x3x120xi32, #tpu.memory_space<hbm>> -> memref<3x120xi32, #tpu.memory_space<hbm>>
      tpu.wait_dma2 semaphore(%dma_wait3A_965 : memref<!tpu.dma_semaphore, #tpu.memory_space<semaphore_mem>>) src(%dma_wait3A_969 : memref<3x120xi32, #tpu.memory_space<hbm>>) dst(%arg8 : memref<3x120xi32, #tpu.memory_space<vmem>>)
      %dma_wait3A_970 = arith.constant 0 : i32
      %dma_wait3A_971 = arith.constant 0 : i32
      %dma_wait3A_972 = arith.constant 0 : i32
      %dma_wait3A_973 = tpu.memref_slice %arg9[%dma_wait3A_970, %dma_wait3A_972] : memref<3x120xi32, #tpu.memory_space<vmem>> -> memref<1x120xi32, #tpu.memory_space<vmem>>
      %dma_wait3A_974 = tpu.memref_squeeze %dma_wait3A_973 : memref<1x120xi32, #tpu.memory_space<vmem>> -> memref<120xi32, #tpu.memory_space<vmem>>
      %dma_wait3A_975 = arith.constant 0 : i32
      %dma_wait3A_976 = arith.constant 0 : i32
      %dma_wait3A_977 = tpu.memref_slice %arg16[%dma_wait3A_975, %dma_wait3A_976] : memref<10000x128xf32, #tpu.memory_space<vmem_shared>> -> memref<10000x128xf32, #tpu.memory_space<vmem_shared>>
      %dma_wait3A_978 = tpu.memref_slice %arg15[%dma_wait3A_971] : memref<3x!tpu.dma_semaphore, #tpu.memory_space<semaphore_mem>> -> memref<1x!tpu.dma_semaphore, #tpu.memory_space<semaphore_mem>>
      %dma_wait3A_979 = tpu.memref_squeeze %dma_wait3A_978 : memref<1x!tpu.dma_semaphore, #tpu.memory_space<semaphore_mem>> -> memref<!tpu.dma_semaphore, #tpu.memory_space<semaphore_mem>>
      tpu.wait_indirect_dma semaphore(%dma_wait3A_979 : memref<!tpu.dma_semaphore, #tpu.memory_space<semaphore_mem>>) src(%arg10 : memref<120x128xf32, #tpu.memory_space<vmem>>) dst(%dma_wait3A_977 : memref<10000x128xf32, #tpu.memory_space<vmem_shared>>)
      %dma_start3A_980 = arith.constant 0 : i32
      %dma_start3A_981 = arith.constant 0 : i32
      %dma_start3A_982 = arith.constant 0 : i32
      %dma_start3A_983 = tpu.memref_slice %arg6[%dma_start3A_980, %dma_start3A_982] : memref<3x120xi32, #tpu.memory_space<vmem>> -> memref<1x120xi32, #tpu.memory_space<vmem>>
      %dma_start3A_984 = tpu.memref_squeeze %dma_start3A_983 : memref<1x120xi32, #tpu.memory_space<vmem>> -> memref<120xi32, #tpu.memory_space<vmem>>
      %dma_start3A_985 = arith.constant 0 : i32
      %dma_start3A_986 = arith.constant 0 : i32
      %dma_start3A_987 = tpu.memref_slice %arg2[%dma_start3A_985, %dma_start3A_986] : memref<10000x128xf32, #tpu.memory_space<hbm>> -> memref<10000x128xf32, #tpu.memory_space<hbm>>
      %dma_start3A_988 = tpu.memref_slice %arg14[%dma_start3A_981] : memref<3x!tpu.dma_semaphore, #tpu.memory_space<semaphore_mem>> -> memref<1x!tpu.dma_semaphore, #tpu.memory_space<semaphore_mem>>
      %dma_start3A_989 = tpu.memref_squeeze %dma_start3A_988 : memref<1x!tpu.dma_semaphore, #tpu.memory_space<semaphore_mem>> -> memref<!tpu.dma_semaphore, #tpu.memory_space<semaphore_mem>>
      tpu.enqueue_indirect_dma source(%dma_start3A_987 : memref<10000x128xf32, #tpu.memory_space<hbm>>) target(%arg10 : memref<120x128xf32, #tpu.memory_space<vmem>>) offsets(%dma_start3A_984 : memref<120xi32, #tpu.memory_space<vmem>>) semaphore(%dma_start3A_989 : memref<!tpu.dma_semaphore, #tpu.memory_space<semaphore_mem>>)
      %dma_wait3A_990 = arith.constant 1 : i32
      %dma_wait3A_991 = arith.constant 1 : i32
      %dma_wait3A_992 = arith.constant 0 : i32
      %dma_wait3A_993 = tpu.memref_slice %arg9[%dma_wait3A_990, %dma_wait3A_992] : memref<3x120xi32, #tpu.memory_space<vmem>> -> memref<1x120xi32, #tpu.memory_space<vmem>>
      %dma_wait3A_994 = tpu.memref_squeeze %dma_wait3A_993 : memref<1x120xi32, #tpu.memory_space<vmem>> -> memref<120xi32, #tpu.memory_space<vmem>>
      %dma_wait3A_995 = arith.constant 0 : i32
      %dma_wait3A_996 = arith.constant 0 : i32
      %dma_wait3A_997 = tpu.memref_slice %arg16[%dma_wait3A_995, %dma_wait3A_996] : memref<10000x128xf32, #tpu.memory_space<vmem_shared>> -> memref<10000x128xf32, #tpu.memory_space<vmem_shared>>
      %dma_wait3A_998 = tpu.memref_slice %arg15[%dma_wait3A_991] : memref<3x!tpu.dma_semaphore, #tpu.memory_space<semaphore_mem>> -> memref<1x!tpu.dma_semaphore, #tpu.memory_space<semaphore_mem>>
      %dma_wait3A_999 = tpu.memref_squeeze %dma_wait3A_998 : memref<1x!tpu.dma_semaphore, #tpu.memory_space<semaphore_mem>> -> memref<!tpu.dma_semaphore, #tpu.memory_space<semaphore_mem>>
      tpu.wait_indirect_dma semaphore(%dma_wait3A_999 : memref<!tpu.dma_semaphore, #tpu.memory_space<semaphore_mem>>) src(%arg11 : memref<120x128xf32, #tpu.memory_space<vmem>>) dst(%dma_wait3A_997 : memref<10000x128xf32, #tpu.memory_space<vmem_shared>>)
      %dma_start3A_1000 = arith.constant 1 : i32
      %dma_start3A_1001 = arith.constant 1 : i32
      %dma_start3A_1002 = arith.constant 0 : i32
      %dma_start3A_1003 = tpu.memref_slice %arg6[%dma_start3A_1000, %dma_start3A_1002] : memref<3x120xi32, #tpu.memory_space<vmem>> -> memref<1x120xi32, #tpu.memory_space<vmem>>
      %dma_start3A_1004 = tpu.memref_squeeze %dma_start3A_1003 : memref<1x120xi32, #tpu.memory_space<vmem>> -> memref<120xi32, #tpu.memory_space<vmem>>
      %dma_start3A_1005 = arith.constant 0 : i32
      %dma_start3A_1006 = arith.constant 0 : i32
      %dma_start3A_1007 = tpu.memref_slice %arg2[%dma_start3A_1005, %dma_start3A_1006] : memref<10000x128xf32, #tpu.memory_space<hbm>> -> memref<10000x128xf32, #tpu.memory_space<hbm>>
      %dma_start3A_1008 = tpu.memref_slice %arg14[%dma_start3A_1001] : memref<3x!tpu.dma_semaphore, #tpu.memory_space<semaphore_mem>> -> memref<1x!tpu.dma_semaphore, #tpu.memory_space<semaphore_mem>>
      %dma_start3A_1009 = tpu.memref_squeeze %dma_start3A_1008 : memref<1x!tpu.dma_semaphore, #tpu.memory_space<semaphore_mem>> -> memref<!tpu.dma_semaphore, #tpu.memory_space<semaphore_mem>>
      tpu.enqueue_indirect_dma source(%dma_start3A_1007 : memref<10000x128xf32, #tpu.memory_space<hbm>>) target(%arg11 : memref<120x128xf32, #tpu.memory_space<vmem>>) offsets(%dma_start3A_1004 : memref<120xi32, #tpu.memory_space<vmem>>) semaphore(%dma_start3A_1009 : memref<!tpu.dma_semaphore, #tpu.memory_space<semaphore_mem>>)
      %dma_wait3A_1010 = arith.constant 2 : i32
      %dma_wait3A_1011 = arith.constant 2 : i32
      %dma_wait3A_1012 = arith.constant 0 : i32
      %dma_wait3A_1013 = tpu.memref_slice %arg9[%dma_wait3A_1010, %dma_wait3A_1012] : memref<3x120xi32, #tpu.memory_space<vmem>> -> memref<1x120xi32, #tpu.memory_space<vmem>>
      %dma_wait3A_1014 = tpu.memref_squeeze %dma_wait3A_1013 : memref<1x120xi32, #tpu.memory_space<vmem>> -> memref<120xi32, #tpu.memory_space<vmem>>
      %dma_wait3A_1015 = arith.constant 0 : i32
      %dma_wait3A_1016 = arith.constant 0 : i32
      %dma_wait3A_1017 = tpu.memref_slice %arg16[%dma_wait3A_1015, %dma_wait3A_1016] : memref<10000x128xf32, #tpu.memory_space<vmem_shared>> -> memref<10000x128xf32, #tpu.memory_space<vmem_shared>>
      %dma_wait3A_1018 = tpu.memref_slice %arg15[%dma_wait3A_1011] : memref<3x!tpu.dma_semaphore, #tpu.memory_space<semaphore_mem>> -> memref<1x!tpu.dma_semaphore, #tpu.memory_space<semaphore_mem>>
      %dma_wait3A_1019 = tpu.memref_squeeze %dma_wait3A_1018 : memref<1x!tpu.dma_semaphore, #tpu.memory_space<semaphore_mem>> -> memref<!tpu.dma_semaphore, #tpu.memory_space<semaphore_mem>>
      tpu.wait_indirect_dma semaphore(%dma_wait3A_1019 : memref<!tpu.dma_semaphore, #tpu.memory_space<semaphore_mem>>) src(%arg12 : memref<120x128xf32, #tpu.memory_space<vmem>>) dst(%dma_wait3A_1017 : memref<10000x128xf32, #tpu.memory_space<vmem_shared>>)
      %dma_start3A_1020 = arith.constant 2 : i32
      %dma_start3A_1021 = arith.constant 2 : i32
      %dma_start3A_1022 = arith.constant 0 : i32
      %dma_start3A_1023 = tpu.memref_slice %arg6[%dma_start3A_1020, %dma_start3A_1022] : memref<3x120xi32, #tpu.memory_space<vmem>> -> memref<1x120xi32, #tpu.memory_space<vmem>>
      %dma_start3A_1024 = tpu.memref_squeeze %dma_start3A_1023 : memref<1x120xi32, #tpu.memory_space<vmem>> -> memref<120xi32, #tpu.memory_space<vmem>>
      %dma_start3A_1025 = arith.constant 0 : i32
      %dma_start3A_1026 = arith.constant 0 : i32
      %dma_start3A_1027 = tpu.memref_slice %arg2[%dma_start3A_1025, %dma_start3A_1026] : memref<10000x128xf32, #tpu.memory_space<hbm>> -> memref<10000x128xf32, #tpu.memory_space<hbm>>
      %dma_start3A_1028 = tpu.memref_slice %arg14[%dma_start3A_1021] : memref<3x!tpu.dma_semaphore, #tpu.memory_space<semaphore_mem>> -> memref<1x!tpu.dma_semaphore, #tpu.memory_space<semaphore_mem>>
      %dma_start3A_1029 = tpu.memref_squeeze %dma_start3A_1028 : memref<1x!tpu.dma_semaphore, #tpu.memory_space<semaphore_mem>> -> memref<!tpu.dma_semaphore, #tpu.memory_space<semaphore_mem>>
      tpu.enqueue_indirect_dma source(%dma_start3A_1027 : memref<10000x128xf32, #tpu.memory_space<hbm>>) target(%arg12 : memref<120x128xf32, #tpu.memory_space<vmem>>) offsets(%dma_start3A_1024 : memref<120xi32, #tpu.memory_space<vmem>>) semaphore(%dma_start3A_1029 : memref<!tpu.dma_semaphore, #tpu.memory_space<semaphore_mem>>)
      %add3A_1030 = arith.constant 2 : i32
      %add3A_1031 = arith.addi %add3A_885, %add3A_1030 : i32
      %dma_start3A_1032 = arith.constant 1 : i32
      %dma_start3A_1033 = arith.constant 0 : i32
      %dma_start3A_1034 = arith.constant 0 : i32
      %dma_start3A_1035 = tpu.memref_slice %arg3[%add3A, %add3A_1031, %dma_start3A_1033, %dma_start3A_1034] : memref<32x28x3x120xi32, #tpu.memory_space<hbm>> -> memref<1x1x3x120xi32, #tpu.memory_space<hbm>>
      %dma_start3A_1036 = tpu.memref_squeeze %dma_start3A_1035 : memref<1x1x3x120xi32, #tpu.memory_space<hbm>> -> memref<3x120xi32, #tpu.memory_space<hbm>>
      %dma_start3A_1037 = tpu.memref_slice %arg13[%dma_start3A_1032] : memref<2x!tpu.dma_semaphore, #tpu.memory_space<semaphore_mem>> -> memref<1x!tpu.dma_semaphore, #tpu.memory_space<semaphore_mem>>
      %dma_start3A_1038 = tpu.memref_squeeze %dma_start3A_1037 : memref<1x!tpu.dma_semaphore, #tpu.memory_space<semaphore_mem>> -> memref<!tpu.dma_semaphore, #tpu.memory_space<semaphore_mem>>
      %dma_start3A_1039 = arith.constant 0 : i32
      %dma_start3A_1040 = arith.constant 0 : i32
      %dma_start3A_1041 = tpu.memref_slice %arg3[%add3A, %add3A_1031, %dma_start3A_1039, %dma_start3A_1040] : memref<32x28x3x120xi32, #tpu.memory_space<hbm>> -> memref<1x1x3x120xi32, #tpu.memory_space<hbm>>
      %dma_start3A_1042 = tpu.memref_squeeze %dma_start3A_1041 : memref<1x1x3x120xi32, #tpu.memory_space<hbm>> -> memref<3x120xi32, #tpu.memory_space<hbm>>
      tpu.enqueue_dma source(%dma_start3A_1042 : memref<3x120xi32, #tpu.memory_space<hbm>>) target(%arg7 : memref<3x120xi32, #tpu.memory_space<vmem>>) target_semaphore(%dma_start3A_1038 : memref<!tpu.dma_semaphore, #tpu.memory_space<semaphore_mem>>)
      %dma_start3A_1043 = arith.constant 1 : i32
      %dma_start3A_1044 = arith.constant 0 : i32
      %dma_start3A_1045 = arith.constant 0 : i32
      %dma_start3A_1046 = tpu.memref_slice %arg4[%add3A, %add3A_1031, %dma_start3A_1044, %dma_start3A_1045] : memref<32x28x3x120xi32, #tpu.memory_space<hbm>> -> memref<1x1x3x120xi32, #tpu.memory_space<hbm>>
      %dma_start3A_1047 = tpu.memref_squeeze %dma_start3A_1046 : memref<1x1x3x120xi32, #tpu.memory_space<hbm>> -> memref<3x120xi32, #tpu.memory_space<hbm>>
      %dma_start3A_1048 = tpu.memref_slice %arg13[%dma_start3A_1043] : memref<2x!tpu.dma_semaphore, #tpu.memory_space<semaphore_mem>> -> memref<1x!tpu.dma_semaphore, #tpu.memory_space<semaphore_mem>>
      %dma_start3A_1049 = tpu.memref_squeeze %dma_start3A_1048 : memref<1x!tpu.dma_semaphore, #tpu.memory_space<semaphore_mem>> -> memref<!tpu.dma_semaphore, #tpu.memory_space<semaphore_mem>>
      %dma_start3A_1050 = arith.constant 0 : i32
      %dma_start3A_1051 = arith.constant 0 : i32
      %dma_start3A_1052 = tpu.memref_slice %arg4[%add3A, %add3A_1031, %dma_start3A_1050, %dma_start3A_1051] : memref<32x28x3x120xi32, #tpu.memory_space<hbm>> -> memref<1x1x3x120xi32, #tpu.memory_space<hbm>>
      %dma_start3A_1053 = tpu.memref_squeeze %dma_start3A_1052 : memref<1x1x3x120xi32, #tpu.memory_space<hbm>> -> memref<3x120xi32, #tpu.memory_space<hbm>>
      tpu.enqueue_dma source(%dma_start3A_1053 : memref<3x120xi32, #tpu.memory_space<hbm>>) target(%arg9 : memref<3x120xi32, #tpu.memory_space<vmem>>) target_semaphore(%dma_start3A_1049 : memref<!tpu.dma_semaphore, #tpu.memory_space<semaphore_mem>>)
    }
    %scan3A_133 = arith.constant 12 : i32
    %dma_wait3A_134 = arith.constant 0 : i32
    %dma_wait3A_135 = arith.constant 0 : i32
    %dma_wait3A_136 = arith.constant 0 : i32
    %dma_wait3A_137 = tpu.memref_slice %arg6[%dma_wait3A_134, %dma_wait3A_136] : memref<3x120xi32, #tpu.memory_space<vmem>> -> memref<1x120xi32, #tpu.memory_space<vmem>>
    %dma_wait3A_138 = tpu.memref_squeeze %dma_wait3A_137 : memref<1x120xi32, #tpu.memory_space<vmem>> -> memref<120xi32, #tpu.memory_space<vmem>>
    %dma_wait3A_139 = arith.constant 0 : i32
    %dma_wait3A_140 = arith.constant 0 : i32
    %dma_wait3A_141 = tpu.memref_slice %arg2[%dma_wait3A_139, %dma_wait3A_140] : memref<10000x128xf32, #tpu.memory_space<hbm>> -> memref<10000x128xf32, #tpu.memory_space<hbm>>
    %dma_wait3A_142 = tpu.memref_slice %arg14[%dma_wait3A_135] : memref<3x!tpu.dma_semaphore, #tpu.memory_space<semaphore_mem>> -> memref<1x!tpu.dma_semaphore, #tpu.memory_space<semaphore_mem>>
    %dma_wait3A_143 = tpu.memref_squeeze %dma_wait3A_142 : memref<1x!tpu.dma_semaphore, #tpu.memory_space<semaphore_mem>> -> memref<!tpu.dma_semaphore, #tpu.memory_space<semaphore_mem>>
    tpu.wait_indirect_dma semaphore(%dma_wait3A_143 : memref<!tpu.dma_semaphore, #tpu.memory_space<semaphore_mem>>) src(%dma_wait3A_141 : memref<10000x128xf32, #tpu.memory_space<hbm>>) dst(%arg10 : memref<120x128xf32, #tpu.memory_space<vmem>>)
    %dma_start3A_144 = arith.constant 0 : i32
    %dma_start3A_145 = arith.constant 0 : i32
    %dma_start3A_146 = arith.constant 0 : i32
    %dma_start3A_147 = tpu.memref_slice %arg8[%dma_start3A_144, %dma_start3A_146] : memref<3x120xi32, #tpu.memory_space<vmem>> -> memref<1x120xi32, #tpu.memory_space<vmem>>
    %dma_start3A_148 = tpu.memref_squeeze %dma_start3A_147 : memref<1x120xi32, #tpu.memory_space<vmem>> -> memref<120xi32, #tpu.memory_space<vmem>>
    %dma_start3A_149 = arith.constant 0 : i32
    %dma_start3A_150 = arith.constant 0 : i32
    %dma_start3A_151 = tpu.memref_slice %arg16[%dma_start3A_149, %dma_start3A_150] : memref<10000x128xf32, #tpu.memory_space<vmem_shared>> -> memref<10000x128xf32, #tpu.memory_space<vmem_shared>>
    %dma_start3A_152 = tpu.memref_slice %arg15[%dma_start3A_145] : memref<3x!tpu.dma_semaphore, #tpu.memory_space<semaphore_mem>> -> memref<1x!tpu.dma_semaphore, #tpu.memory_space<semaphore_mem>>
    %dma_start3A_153 = tpu.memref_squeeze %dma_start3A_152 : memref<1x!tpu.dma_semaphore, #tpu.memory_space<semaphore_mem>> -> memref<!tpu.dma_semaphore, #tpu.memory_space<semaphore_mem>>
    tpu.enqueue_indirect_dma source(%arg10 : memref<120x128xf32, #tpu.memory_space<vmem>>) target(%dma_start3A_151 : memref<10000x128xf32, #tpu.memory_space<vmem_shared>>) offsets(%dma_start3A_148 : memref<120xi32, #tpu.memory_space<vmem>>) semaphore(%dma_start3A_153 : memref<!tpu.dma_semaphore, #tpu.memory_space<semaphore_mem>>) {add = true}
    %dma_wait3A_154 = arith.constant 1 : i32
    %dma_wait3A_155 = arith.constant 1 : i32
    %dma_wait3A_156 = arith.constant 0 : i32
    %dma_wait3A_157 = tpu.memref_slice %arg6[%dma_wait3A_154, %dma_wait3A_156] : memref<3x120xi32, #tpu.memory_space<vmem>> -> memref<1x120xi32, #tpu.memory_space<vmem>>
    %dma_wait3A_158 = tpu.memref_squeeze %dma_wait3A_157 : memref<1x120xi32, #tpu.memory_space<vmem>> -> memref<120xi32, #tpu.memory_space<vmem>>
    %dma_wait3A_159 = arith.constant 0 : i32
    %dma_wait3A_160 = arith.constant 0 : i32
    %dma_wait3A_161 = tpu.memref_slice %arg2[%dma_wait3A_159, %dma_wait3A_160] : memref<10000x128xf32, #tpu.memory_space<hbm>> -> memref<10000x128xf32, #tpu.memory_space<hbm>>
    %dma_wait3A_162 = tpu.memref_slice %arg14[%dma_wait3A_155] : memref<3x!tpu.dma_semaphore, #tpu.memory_space<semaphore_mem>> -> memref<1x!tpu.dma_semaphore, #tpu.memory_space<semaphore_mem>>
    %dma_wait3A_163 = tpu.memref_squeeze %dma_wait3A_162 : memref<1x!tpu.dma_semaphore, #tpu.memory_space<semaphore_mem>> -> memref<!tpu.dma_semaphore, #tpu.memory_space<semaphore_mem>>
    tpu.wait_indirect_dma semaphore(%dma_wait3A_163 : memref<!tpu.dma_semaphore, #tpu.memory_space<semaphore_mem>>) src(%dma_wait3A_161 : memref<10000x128xf32, #tpu.memory_space<hbm>>) dst(%arg11 : memref<120x128xf32, #tpu.memory_space<vmem>>)
    %dma_start3A_164 = arith.constant 1 : i32
    %dma_start3A_165 = arith.constant 1 : i32
    %dma_start3A_166 = arith.constant 0 : i32
    %dma_start3A_167 = tpu.memref_slice %arg8[%dma_start3A_164, %dma_start3A_166] : memref<3x120xi32, #tpu.memory_space<vmem>> -> memref<1x120xi32, #tpu.memory_space<vmem>>
    %dma_start3A_168 = tpu.memref_squeeze %dma_start3A_167 : memref<1x120xi32, #tpu.memory_space<vmem>> -> memref<120xi32, #tpu.memory_space<vmem>>
    %dma_start3A_169 = arith.constant 0 : i32
    %dma_start3A_170 = arith.constant 0 : i32
    %dma_start3A_171 = tpu.memref_slice %arg16[%dma_start3A_169, %dma_start3A_170] : memref<10000x128xf32, #tpu.memory_space<vmem_shared>> -> memref<10000x128xf32, #tpu.memory_space<vmem_shared>>
    %dma_start3A_172 = tpu.memref_slice %arg15[%dma_start3A_165] : memref<3x!tpu.dma_semaphore, #tpu.memory_space<semaphore_mem>> -> memref<1x!tpu.dma_semaphore, #tpu.memory_space<semaphore_mem>>
    %dma_start3A_173 = tpu.memref_squeeze %dma_start3A_172 : memref<1x!tpu.dma_semaphore, #tpu.memory_space<semaphore_mem>> -> memref<!tpu.dma_semaphore, #tpu.memory_space<semaphore_mem>>
    tpu.enqueue_indirect_dma source(%arg11 : memref<120x128xf32, #tpu.memory_space<vmem>>) target(%dma_start3A_171 : memref<10000x128xf32, #tpu.memory_space<vmem_shared>>) offsets(%dma_start3A_168 : memref<120xi32, #tpu.memory_space<vmem>>) semaphore(%dma_start3A_173 : memref<!tpu.dma_semaphore, #tpu.memory_space<semaphore_mem>>) {add = true}
    %dma_wait3A_174 = arith.constant 2 : i32
    %dma_wait3A_175 = arith.constant 2 : i32
    %dma_wait3A_176 = arith.constant 0 : i32
    %dma_wait3A_177 = tpu.memref_slice %arg6[%dma_wait3A_174, %dma_wait3A_176] : memref<3x120xi32, #tpu.memory_space<vmem>> -> memref<1x120xi32, #tpu.memory_space<vmem>>
    %dma_wait3A_178 = tpu.memref_squeeze %dma_wait3A_177 : memref<1x120xi32, #tpu.memory_space<vmem>> -> memref<120xi32, #tpu.memory_space<vmem>>
    %dma_wait3A_179 = arith.constant 0 : i32
    %dma_wait3A_180 = arith.constant 0 : i32
    %dma_wait3A_181 = tpu.memref_slice %arg2[%dma_wait3A_179, %dma_wait3A_180] : memref<10000x128xf32, #tpu.memory_space<hbm>> -> memref<10000x128xf32, #tpu.memory_space<hbm>>
    %dma_wait3A_182 = tpu.memref_slice %arg14[%dma_wait3A_175] : memref<3x!tpu.dma_semaphore, #tpu.memory_space<semaphore_mem>> -> memref<1x!tpu.dma_semaphore, #tpu.memory_space<semaphore_mem>>
    %dma_wait3A_183 = tpu.memref_squeeze %dma_wait3A_182 : memref<1x!tpu.dma_semaphore, #tpu.memory_space<semaphore_mem>> -> memref<!tpu.dma_semaphore, #tpu.memory_space<semaphore_mem>>
    tpu.wait_indirect_dma semaphore(%dma_wait3A_183 : memref<!tpu.dma_semaphore, #tpu.memory_space<semaphore_mem>>) src(%dma_wait3A_181 : memref<10000x128xf32, #tpu.memory_space<hbm>>) dst(%arg12 : memref<120x128xf32, #tpu.memory_space<vmem>>)
    %dma_start3A_184 = arith.constant 2 : i32
    %dma_start3A_185 = arith.constant 2 : i32
    %dma_start3A_186 = arith.constant 0 : i32
    %dma_start3A_187 = tpu.memref_slice %arg8[%dma_start3A_184, %dma_start3A_186] : memref<3x120xi32, #tpu.memory_space<vmem>> -> memref<1x120xi32, #tpu.memory_space<vmem>>
    %dma_start3A_188 = tpu.memref_squeeze %dma_start3A_187 : memref<1x120xi32, #tpu.memory_space<vmem>> -> memref<120xi32, #tpu.memory_space<vmem>>
    %dma_start3A_189 = arith.constant 0 : i32
    %dma_start3A_190 = arith.constant 0 : i32
    %dma_start3A_191 = tpu.memref_slice %arg16[%dma_start3A_189, %dma_start3A_190] : memref<10000x128xf32, #tpu.memory_space<vmem_shared>> -> memref<10000x128xf32, #tpu.memory_space<vmem_shared>>
    %dma_start3A_192 = tpu.memref_slice %arg15[%dma_start3A_185] : memref<3x!tpu.dma_semaphore, #tpu.memory_space<semaphore_mem>> -> memref<1x!tpu.dma_semaphore, #tpu.memory_space<semaphore_mem>>
    %dma_start3A_193 = tpu.memref_squeeze %dma_start3A_192 : memref<1x!tpu.dma_semaphore, #tpu.memory_space<semaphore_mem>> -> memref<!tpu.dma_semaphore, #tpu.memory_space<semaphore_mem>>
    tpu.enqueue_indirect_dma source(%arg12 : memref<120x128xf32, #tpu.memory_space<vmem>>) target(%dma_start3A_191 : memref<10000x128xf32, #tpu.memory_space<vmem_shared>>) offsets(%dma_start3A_188 : memref<120xi32, #tpu.memory_space<vmem>>) semaphore(%dma_start3A_193 : memref<!tpu.dma_semaphore, #tpu.memory_space<semaphore_mem>>) {add = true}
    %dma_wait3A_194 = arith.constant 25 : i32
    %dma_wait3A_195 = arith.constant 1 : i32
    %dma_wait3A_196 = arith.constant 0 : i32
    %dma_wait3A_197 = arith.constant 0 : i32
    %dma_wait3A_198 = tpu.memref_slice %arg3[%add3A, %dma_wait3A_194, %dma_wait3A_196, %dma_wait3A_197] : memref<32x28x3x120xi32, #tpu.memory_space<hbm>> -> memref<1x1x3x120xi32, #tpu.memory_space<hbm>>
    %dma_wait3A_199 = tpu.memref_squeeze %dma_wait3A_198 : memref<1x1x3x120xi32, #tpu.memory_space<hbm>> -> memref<3x120xi32, #tpu.memory_space<hbm>>
    %dma_wait3A_200 = tpu.memref_slice %arg13[%dma_wait3A_195] : memref<2x!tpu.dma_semaphore, #tpu.memory_space<semaphore_mem>> -> memref<1x!tpu.dma_semaphore, #tpu.memory_space<semaphore_mem>>
    %dma_wait3A_201 = tpu.memref_squeeze %dma_wait3A_200 : memref<1x!tpu.dma_semaphore, #tpu.memory_space<semaphore_mem>> -> memref<!tpu.dma_semaphore, #tpu.memory_space<semaphore_mem>>
    %dma_wait3A_202 = arith.constant 0 : i32
    %dma_wait3A_203 = arith.constant 0 : i32
    %dma_wait3A_204 = tpu.memref_slice %arg3[%add3A, %dma_wait3A_194, %dma_wait3A_202, %dma_wait3A_203] : memref<32x28x3x120xi32, #tpu.memory_space<hbm>> -> memref<1x1x3x120xi32, #tpu.memory_space<hbm>>
    %dma_wait3A_205 = tpu.memref_squeeze %dma_wait3A_204 : memref<1x1x3x120xi32, #tpu.memory_space<hbm>> -> memref<3x120xi32, #tpu.memory_space<hbm>>
    tpu.wait_dma2 semaphore(%dma_wait3A_201 : memref<!tpu.dma_semaphore, #tpu.memory_space<semaphore_mem>>) src(%dma_wait3A_205 : memref<3x120xi32, #tpu.memory_space<hbm>>) dst(%arg7 : memref<3x120xi32, #tpu.memory_space<vmem>>)
    %dma_wait3A_206 = arith.constant 25 : i32
    %dma_wait3A_207 = arith.constant 1 : i32
    %dma_wait3A_208 = arith.constant 0 : i32
    %dma_wait3A_209 = arith.constant 0 : i32
    %dma_wait3A_210 = tpu.memref_slice %arg4[%add3A, %dma_wait3A_206, %dma_wait3A_208, %dma_wait3A_209] : memref<32x28x3x120xi32, #tpu.memory_space<hbm>> -> memref<1x1x3x120xi32, #tpu.memory_space<hbm>>
    %dma_wait3A_211 = tpu.memref_squeeze %dma_wait3A_210 : memref<1x1x3x120xi32, #tpu.memory_space<hbm>> -> memref<3x120xi32, #tpu.memory_space<hbm>>
    %dma_wait3A_212 = tpu.memref_slice %arg13[%dma_wait3A_207] : memref<2x!tpu.dma_semaphore, #tpu.memory_space<semaphore_mem>> -> memref<1x!tpu.dma_semaphore, #tpu.memory_space<semaphore_mem>>
    %dma_wait3A_213 = tpu.memref_squeeze %dma_wait3A_212 : memref<1x!tpu.dma_semaphore, #tpu.memory_space<semaphore_mem>> -> memref<!tpu.dma_semaphore, #tpu.memory_space<semaphore_mem>>
    %dma_wait3A_214 = arith.constant 0 : i32
    %dma_wait3A_215 = arith.constant 0 : i32
    %dma_wait3A_216 = tpu.memref_slice %arg4[%add3A, %dma_wait3A_206, %dma_wait3A_214, %dma_wait3A_215] : memref<32x28x3x120xi32, #tpu.memory_space<hbm>> -> memref<1x1x3x120xi32, #tpu.memory_space<hbm>>
    %dma_wait3A_217 = tpu.memref_squeeze %dma_wait3A_216 : memref<1x1x3x120xi32, #tpu.memory_space<hbm>> -> memref<3x120xi32, #tpu.memory_space<hbm>>
    tpu.wait_dma2 semaphore(%dma_wait3A_213 : memref<!tpu.dma_semaphore, #tpu.memory_space<semaphore_mem>>) src(%dma_wait3A_217 : memref<3x120xi32, #tpu.memory_space<hbm>>) dst(%arg9 : memref<3x120xi32, #tpu.memory_space<vmem>>)
    %dma_wait3A_218 = arith.constant 0 : i32
    %dma_wait3A_219 = arith.constant 0 : i32
    %dma_wait3A_220 = arith.constant 0 : i32
    %dma_wait3A_221 = tpu.memref_slice %arg8[%dma_wait3A_218, %dma_wait3A_220] : memref<3x120xi32, #tpu.memory_space<vmem>> -> memref<1x120xi32, #tpu.memory_space<vmem>>
    %dma_wait3A_222 = tpu.memref_squeeze %dma_wait3A_221 : memref<1x120xi32, #tpu.memory_space<vmem>> -> memref<120xi32, #tpu.memory_space<vmem>>
    %dma_wait3A_223 = arith.constant 0 : i32
    %dma_wait3A_224 = arith.constant 0 : i32
    %dma_wait3A_225 = tpu.memref_slice %arg16[%dma_wait3A_223, %dma_wait3A_224] : memref<10000x128xf32, #tpu.memory_space<vmem_shared>> -> memref<10000x128xf32, #tpu.memory_space<vmem_shared>>
    %dma_wait3A_226 = tpu.memref_slice %arg15[%dma_wait3A_219] : memref<3x!tpu.dma_semaphore, #tpu.memory_space<semaphore_mem>> -> memref<1x!tpu.dma_semaphore, #tpu.memory_space<semaphore_mem>>
    %dma_wait3A_227 = tpu.memref_squeeze %dma_wait3A_226 : memref<1x!tpu.dma_semaphore, #tpu.memory_space<semaphore_mem>> -> memref<!tpu.dma_semaphore, #tpu.memory_space<semaphore_mem>>
    tpu.wait_indirect_dma semaphore(%dma_wait3A_227 : memref<!tpu.dma_semaphore, #tpu.memory_space<semaphore_mem>>) src(%arg10 : memref<120x128xf32, #tpu.memory_space<vmem>>) dst(%dma_wait3A_225 : memref<10000x128xf32, #tpu.memory_space<vmem_shared>>)
    %dma_start3A_228 = arith.constant 0 : i32
    %dma_start3A_229 = arith.constant 0 : i32
    %dma_start3A_230 = arith.constant 0 : i32
    %dma_start3A_231 = tpu.memref_slice %arg7[%dma_start3A_228, %dma_start3A_230] : memref<3x120xi32, #tpu.memory_space<vmem>> -> memref<1x120xi32, #tpu.memory_space<vmem>>
    %dma_start3A_232 = tpu.memref_squeeze %dma_start3A_231 : memref<1x120xi32, #tpu.memory_space<vmem>> -> memref<120xi32, #tpu.memory_space<vmem>>
    %dma_start3A_233 = arith.constant 0 : i32
    %dma_start3A_234 = arith.constant 0 : i32
    %dma_start3A_235 = tpu.memref_slice %arg2[%dma_start3A_233, %dma_start3A_234] : memref<10000x128xf32, #tpu.memory_space<hbm>> -> memref<10000x128xf32, #tpu.memory_space<hbm>>
    %dma_start3A_236 = tpu.memref_slice %arg14[%dma_start3A_229] : memref<3x!tpu.dma_semaphore, #tpu.memory_space<semaphore_mem>> -> memref<1x!tpu.dma_semaphore, #tpu.memory_space<semaphore_mem>>
    %dma_start3A_237 = tpu.memref_squeeze %dma_start3A_236 : memref<1x!tpu.dma_semaphore, #tpu.memory_space<semaphore_mem>> -> memref<!tpu.dma_semaphore, #tpu.memory_space<semaphore_mem>>
    tpu.enqueue_indirect_dma source(%dma_start3A_235 : memref<10000x128xf32, #tpu.memory_space<hbm>>) target(%arg10 : memref<120x128xf32, #tpu.memory_space<vmem>>) offsets(%dma_start3A_232 : memref<120xi32, #tpu.memory_space<vmem>>) semaphore(%dma_start3A_237 : memref<!tpu.dma_semaphore, #tpu.memory_space<semaphore_mem>>)
    %dma_wait3A_238 = arith.constant 1 : i32
    %dma_wait3A_239 = arith.constant 1 : i32
    %dma_wait3A_240 = arith.constant 0 : i32
    %dma_wait3A_241 = tpu.memref_slice %arg8[%dma_wait3A_238, %dma_wait3A_240] : memref<3x120xi32, #tpu.memory_space<vmem>> -> memref<1x120xi32, #tpu.memory_space<vmem>>
    %dma_wait3A_242 = tpu.memref_squeeze %dma_wait3A_241 : memref<1x120xi32, #tpu.memory_space<vmem>> -> memref<120xi32, #tpu.memory_space<vmem>>
    %dma_wait3A_243 = arith.constant 0 : i32
    %dma_wait3A_244 = arith.constant 0 : i32
    %dma_wait3A_245 = tpu.memref_slice %arg16[%dma_wait3A_243, %dma_wait3A_244] : memref<10000x128xf32, #tpu.memory_space<vmem_shared>> -> memref<10000x128xf32, #tpu.memory_space<vmem_shared>>
    %dma_wait3A_246 = tpu.memref_slice %arg15[%dma_wait3A_239] : memref<3x!tpu.dma_semaphore, #tpu.memory_space<semaphore_mem>> -> memref<1x!tpu.dma_semaphore, #tpu.memory_space<semaphore_mem>>
    %dma_wait3A_247 = tpu.memref_squeeze %dma_wait3A_246 : memref<1x!tpu.dma_semaphore, #tpu.memory_space<semaphore_mem>> -> memref<!tpu.dma_semaphore, #tpu.memory_space<semaphore_mem>>
    tpu.wait_indirect_dma semaphore(%dma_wait3A_247 : memref<!tpu.dma_semaphore, #tpu.memory_space<semaphore_mem>>) src(%arg11 : memref<120x128xf32, #tpu.memory_space<vmem>>) dst(%dma_wait3A_245 : memref<10000x128xf32, #tpu.memory_space<vmem_shared>>)
    %dma_start3A_248 = arith.constant 1 : i32
    %dma_start3A_249 = arith.constant 1 : i32
    %dma_start3A_250 = arith.constant 0 : i32
    %dma_start3A_251 = tpu.memref_slice %arg7[%dma_start3A_248, %dma_start3A_250] : memref<3x120xi32, #tpu.memory_space<vmem>> -> memref<1x120xi32, #tpu.memory_space<vmem>>
    %dma_start3A_252 = tpu.memref_squeeze %dma_start3A_251 : memref<1x120xi32, #tpu.memory_space<vmem>> -> memref<120xi32, #tpu.memory_space<vmem>>
    %dma_start3A_253 = arith.constant 0 : i32
    %dma_start3A_254 = arith.constant 0 : i32
    %dma_start3A_255 = tpu.memref_slice %arg2[%dma_start3A_253, %dma_start3A_254] : memref<10000x128xf32, #tpu.memory_space<hbm>> -> memref<10000x128xf32, #tpu.memory_space<hbm>>
    %dma_start3A_256 = tpu.memref_slice %arg14[%dma_start3A_249] : memref<3x!tpu.dma_semaphore, #tpu.memory_space<semaphore_mem>> -> memref<1x!tpu.dma_semaphore, #tpu.memory_space<semaphore_mem>>
    %dma_start3A_257 = tpu.memref_squeeze %dma_start3A_256 : memref<1x!tpu.dma_semaphore, #tpu.memory_space<semaphore_mem>> -> memref<!tpu.dma_semaphore, #tpu.memory_space<semaphore_mem>>
    tpu.enqueue_indirect_dma source(%dma_start3A_255 : memref<10000x128xf32, #tpu.memory_space<hbm>>) target(%arg11 : memref<120x128xf32, #tpu.memory_space<vmem>>) offsets(%dma_start3A_252 : memref<120xi32, #tpu.memory_space<vmem>>) semaphore(%dma_start3A_257 : memref<!tpu.dma_semaphore, #tpu.memory_space<semaphore_mem>>)
    %dma_wait3A_258 = arith.constant 2 : i32
    %dma_wait3A_259 = arith.constant 2 : i32
    %dma_wait3A_260 = arith.constant 0 : i32
    %dma_wait3A_261 = tpu.memref_slice %arg8[%dma_wait3A_258, %dma_wait3A_260] : memref<3x120xi32, #tpu.memory_space<vmem>> -> memref<1x120xi32, #tpu.memory_space<vmem>>
    %dma_wait3A_262 = tpu.memref_squeeze %dma_wait3A_261 : memref<1x120xi32, #tpu.memory_space<vmem>> -> memref<120xi32, #tpu.memory_space<vmem>>
    %dma_wait3A_263 = arith.constant 0 : i32
    %dma_wait3A_264 = arith.constant 0 : i32
    %dma_wait3A_265 = tpu.memref_slice %arg16[%dma_wait3A_263, %dma_wait3A_264] : memref<10000x128xf32, #tpu.memory_space<vmem_shared>> -> memref<10000x128xf32, #tpu.memory_space<vmem_shared>>
    %dma_wait3A_266 = tpu.memref_slice %arg15[%dma_wait3A_259] : memref<3x!tpu.dma_semaphore, #tpu.memory_space<semaphore_mem>> -> memref<1x!tpu.dma_semaphore, #tpu.memory_space<semaphore_mem>>
    %dma_wait3A_267 = tpu.memref_squeeze %dma_wait3A_266 : memref<1x!tpu.dma_semaphore, #tpu.memory_space<semaphore_mem>> -> memref<!tpu.dma_semaphore, #tpu.memory_space<semaphore_mem>>
    tpu.wait_indirect_dma semaphore(%dma_wait3A_267 : memref<!tpu.dma_semaphore, #tpu.memory_space<semaphore_mem>>) src(%arg12 : memref<120x128xf32, #tpu.memory_space<vmem>>) dst(%dma_wait3A_265 : memref<10000x128xf32, #tpu.memory_space<vmem_shared>>)
    %dma_start3A_268 = arith.constant 2 : i32
    %dma_start3A_269 = arith.constant 2 : i32
    %dma_start3A_270 = arith.constant 0 : i32
    %dma_start3A_271 = tpu.memref_slice %arg7[%dma_start3A_268, %dma_start3A_270] : memref<3x120xi32, #tpu.memory_space<vmem>> -> memref<1x120xi32, #tpu.memory_space<vmem>>
    %dma_start3A_272 = tpu.memref_squeeze %dma_start3A_271 : memref<1x120xi32, #tpu.memory_space<vmem>> -> memref<120xi32, #tpu.memory_space<vmem>>
    %dma_start3A_273 = arith.constant 0 : i32
    %dma_start3A_274 = arith.constant 0 : i32
    %dma_start3A_275 = tpu.memref_slice %arg2[%dma_start3A_273, %dma_start3A_274] : memref<10000x128xf32, #tpu.memory_space<hbm>> -> memref<10000x128xf32, #tpu.memory_space<hbm>>
    %dma_start3A_276 = tpu.memref_slice %arg14[%dma_start3A_269] : memref<3x!tpu.dma_semaphore, #tpu.memory_space<semaphore_mem>> -> memref<1x!tpu.dma_semaphore, #tpu.memory_space<semaphore_mem>>
    %dma_start3A_277 = tpu.memref_squeeze %dma_start3A_276 : memref<1x!tpu.dma_semaphore, #tpu.memory_space<semaphore_mem>> -> memref<!tpu.dma_semaphore, #tpu.memory_space<semaphore_mem>>
    tpu.enqueue_indirect_dma source(%dma_start3A_275 : memref<10000x128xf32, #tpu.memory_space<hbm>>) target(%arg12 : memref<120x128xf32, #tpu.memory_space<vmem>>) offsets(%dma_start3A_272 : memref<120xi32, #tpu.memory_space<vmem>>) semaphore(%dma_start3A_277 : memref<!tpu.dma_semaphore, #tpu.memory_space<semaphore_mem>>)
    %dma_start3A_278 = arith.constant 26 : i32
    %dma_start3A_279 = arith.constant 0 : i32
    %dma_start3A_280 = arith.constant 0 : i32
    %dma_start3A_281 = arith.constant 0 : i32
    %dma_start3A_282 = tpu.memref_slice %arg3[%add3A, %dma_start3A_278, %dma_start3A_280, %dma_start3A_281] : memref<32x28x3x120xi32, #tpu.memory_space<hbm>> -> memref<1x1x3x120xi32, #tpu.memory_space<hbm>>
    %dma_start3A_283 = tpu.memref_squeeze %dma_start3A_282 : memref<1x1x3x120xi32, #tpu.memory_space<hbm>> -> memref<3x120xi32, #tpu.memory_space<hbm>>
    %dma_start3A_284 = tpu.memref_slice %arg13[%dma_start3A_279] : memref<2x!tpu.dma_semaphore, #tpu.memory_space<semaphore_mem>> -> memref<1x!tpu.dma_semaphore, #tpu.memory_space<semaphore_mem>>
    %dma_start3A_285 = tpu.memref_squeeze %dma_start3A_284 : memref<1x!tpu.dma_semaphore, #tpu.memory_space<semaphore_mem>> -> memref<!tpu.dma_semaphore, #tpu.memory_space<semaphore_mem>>
    %dma_start3A_286 = arith.constant 0 : i32
    %dma_start3A_287 = arith.constant 0 : i32
    %dma_start3A_288 = tpu.memref_slice %arg3[%add3A, %dma_start3A_278, %dma_start3A_286, %dma_start3A_287] : memref<32x28x3x120xi32, #tpu.memory_space<hbm>> -> memref<1x1x3x120xi32, #tpu.memory_space<hbm>>
    %dma_start3A_289 = tpu.memref_squeeze %dma_start3A_288 : memref<1x1x3x120xi32, #tpu.memory_space<hbm>> -> memref<3x120xi32, #tpu.memory_space<hbm>>
    tpu.enqueue_dma source(%dma_start3A_289 : memref<3x120xi32, #tpu.memory_space<hbm>>) target(%arg6 : memref<3x120xi32, #tpu.memory_space<vmem>>) target_semaphore(%dma_start3A_285 : memref<!tpu.dma_semaphore, #tpu.memory_space<semaphore_mem>>)
    %dma_start3A_290 = arith.constant 26 : i32
    %dma_start3A_291 = arith.constant 0 : i32
    %dma_start3A_292 = arith.constant 0 : i32
    %dma_start3A_293 = arith.constant 0 : i32
    %dma_start3A_294 = tpu.memref_slice %arg4[%add3A, %dma_start3A_290, %dma_start3A_292, %dma_start3A_293] : memref<32x28x3x120xi32, #tpu.memory_space<hbm>> -> memref<1x1x3x120xi32, #tpu.memory_space<hbm>>
    %dma_start3A_295 = tpu.memref_squeeze %dma_start3A_294 : memref<1x1x3x120xi32, #tpu.memory_space<hbm>> -> memref<3x120xi32, #tpu.memory_space<hbm>>
    %dma_start3A_296 = tpu.memref_slice %arg13[%dma_start3A_291] : memref<2x!tpu.dma_semaphore, #tpu.memory_space<semaphore_mem>> -> memref<1x!tpu.dma_semaphore, #tpu.memory_space<semaphore_mem>>
    %dma_start3A_297 = tpu.memref_squeeze %dma_start3A_296 : memref<1x!tpu.dma_semaphore, #tpu.memory_space<semaphore_mem>> -> memref<!tpu.dma_semaphore, #tpu.memory_space<semaphore_mem>>
    %dma_start3A_298 = arith.constant 0 : i32
    %dma_start3A_299 = arith.constant 0 : i32
    %dma_start3A_300 = tpu.memref_slice %arg4[%add3A, %dma_start3A_290, %dma_start3A_298, %dma_start3A_299] : memref<32x28x3x120xi32, #tpu.memory_space<hbm>> -> memref<1x1x3x120xi32, #tpu.memory_space<hbm>>
    %dma_start3A_301 = tpu.memref_squeeze %dma_start3A_300 : memref<1x1x3x120xi32, #tpu.memory_space<hbm>> -> memref<3x120xi32, #tpu.memory_space<hbm>>
    tpu.enqueue_dma source(%dma_start3A_301 : memref<3x120xi32, #tpu.memory_space<hbm>>) target(%arg8 : memref<3x120xi32, #tpu.memory_space<vmem>>) target_semaphore(%dma_start3A_297 : memref<!tpu.dma_semaphore, #tpu.memory_space<semaphore_mem>>)
    %dma_wait3A_302 = arith.constant 0 : i32
    %dma_wait3A_303 = arith.constant 0 : i32
    %dma_wait3A_304 = arith.constant 0 : i32
    %dma_wait3A_305 = tpu.memref_slice %arg7[%dma_wait3A_302, %dma_wait3A_304] : memref<3x120xi32, #tpu.memory_space<vmem>> -> memref<1x120xi32, #tpu.memory_space<vmem>>
    %dma_wait3A_306 = tpu.memref_squeeze %dma_wait3A_305 : memref<1x120xi32, #tpu.memory_space<vmem>> -> memref<120xi32, #tpu.memory_space<vmem>>
    %dma_wait3A_307 = arith.constant 0 : i32
    %dma_wait3A_308 = arith.constant 0 : i32
    %dma_wait3A_309 = tpu.memref_slice %arg2[%dma_wait3A_307, %dma_wait3A_308] : memref<10000x128xf32, #tpu.memory_space<hbm>> -> memref<10000x128xf32, #tpu.memory_space<hbm>>
    %dma_wait3A_310 = tpu.memref_slice %arg14[%dma_wait3A_303] : memref<3x!tpu.dma_semaphore, #tpu.memory_space<semaphore_mem>> -> memref<1x!tpu.dma_semaphore, #tpu.memory_space<semaphore_mem>>
    %dma_wait3A_311 = tpu.memref_squeeze %dma_wait3A_310 : memref<1x!tpu.dma_semaphore, #tpu.memory_space<semaphore_mem>> -> memref<!tpu.dma_semaphore, #tpu.memory_space<semaphore_mem>>
    tpu.wait_indirect_dma semaphore(%dma_wait3A_311 : memref<!tpu.dma_semaphore, #tpu.memory_space<semaphore_mem>>) src(%dma_wait3A_309 : memref<10000x128xf32, #tpu.memory_space<hbm>>) dst(%arg10 : memref<120x128xf32, #tpu.memory_space<vmem>>)
    %dma_start3A_312 = arith.constant 0 : i32
    %dma_start3A_313 = arith.constant 0 : i32
    %dma_start3A_314 = arith.constant 0 : i32
    %dma_start3A_315 = tpu.memref_slice %arg9[%dma_start3A_312, %dma_start3A_314] : memref<3x120xi32, #tpu.memory_space<vmem>> -> memref<1x120xi32, #tpu.memory_space<vmem>>
    %dma_start3A_316 = tpu.memref_squeeze %dma_start3A_315 : memref<1x120xi32, #tpu.memory_space<vmem>> -> memref<120xi32, #tpu.memory_space<vmem>>
    %dma_start3A_317 = arith.constant 0 : i32
    %dma_start3A_318 = arith.constant 0 : i32
    %dma_start3A_319 = tpu.memref_slice %arg16[%dma_start3A_317, %dma_start3A_318] : memref<10000x128xf32, #tpu.memory_space<vmem_shared>> -> memref<10000x128xf32, #tpu.memory_space<vmem_shared>>
    %dma_start3A_320 = tpu.memref_slice %arg15[%dma_start3A_313] : memref<3x!tpu.dma_semaphore, #tpu.memory_space<semaphore_mem>> -> memref<1x!tpu.dma_semaphore, #tpu.memory_space<semaphore_mem>>
    %dma_start3A_321 = tpu.memref_squeeze %dma_start3A_320 : memref<1x!tpu.dma_semaphore, #tpu.memory_space<semaphore_mem>> -> memref<!tpu.dma_semaphore, #tpu.memory_space<semaphore_mem>>
    tpu.enqueue_indirect_dma source(%arg10 : memref<120x128xf32, #tpu.memory_space<vmem>>) target(%dma_start3A_319 : memref<10000x128xf32, #tpu.memory_space<vmem_shared>>) offsets(%dma_start3A_316 : memref<120xi32, #tpu.memory_space<vmem>>) semaphore(%dma_start3A_321 : memref<!tpu.dma_semaphore, #tpu.memory_space<semaphore_mem>>) {add = true}
    %dma_wait3A_322 = arith.constant 1 : i32
    %dma_wait3A_323 = arith.constant 1 : i32
    %dma_wait3A_324 = arith.constant 0 : i32
    %dma_wait3A_325 = tpu.memref_slice %arg7[%dma_wait3A_322, %dma_wait3A_324] : memref<3x120xi32, #tpu.memory_space<vmem>> -> memref<1x120xi32, #tpu.memory_space<vmem>>
    %dma_wait3A_326 = tpu.memref_squeeze %dma_wait3A_325 : memref<1x120xi32, #tpu.memory_space<vmem>> -> memref<120xi32, #tpu.memory_space<vmem>>
    %dma_wait3A_327 = arith.constant 0 : i32
    %dma_wait3A_328 = arith.constant 0 : i32
    %dma_wait3A_329 = tpu.memref_slice %arg2[%dma_wait3A_327, %dma_wait3A_328] : memref<10000x128xf32, #tpu.memory_space<hbm>> -> memref<10000x128xf32, #tpu.memory_space<hbm>>
    %dma_wait3A_330 = tpu.memref_slice %arg14[%dma_wait3A_323] : memref<3x!tpu.dma_semaphore, #tpu.memory_space<semaphore_mem>> -> memref<1x!tpu.dma_semaphore, #tpu.memory_space<semaphore_mem>>
    %dma_wait3A_331 = tpu.memref_squeeze %dma_wait3A_330 : memref<1x!tpu.dma_semaphore, #tpu.memory_space<semaphore_mem>> -> memref<!tpu.dma_semaphore, #tpu.memory_space<semaphore_mem>>
    tpu.wait_indirect_dma semaphore(%dma_wait3A_331 : memref<!tpu.dma_semaphore, #tpu.memory_space<semaphore_mem>>) src(%dma_wait3A_329 : memref<10000x128xf32, #tpu.memory_space<hbm>>) dst(%arg11 : memref<120x128xf32, #tpu.memory_space<vmem>>)
    %dma_start3A_332 = arith.constant 1 : i32
    %dma_start3A_333 = arith.constant 1 : i32
    %dma_start3A_334 = arith.constant 0 : i32
    %dma_start3A_335 = tpu.memref_slice %arg9[%dma_start3A_332, %dma_start3A_334] : memref<3x120xi32, #tpu.memory_space<vmem>> -> memref<1x120xi32, #tpu.memory_space<vmem>>
    %dma_start3A_336 = tpu.memref_squeeze %dma_start3A_335 : memref<1x120xi32, #tpu.memory_space<vmem>> -> memref<120xi32, #tpu.memory_space<vmem>>
    %dma_start3A_337 = arith.constant 0 : i32
    %dma_start3A_338 = arith.constant 0 : i32
    %dma_start3A_339 = tpu.memref_slice %arg16[%dma_start3A_337, %dma_start3A_338] : memref<10000x128xf32, #tpu.memory_space<vmem_shared>> -> memref<10000x128xf32, #tpu.memory_space<vmem_shared>>
    %dma_start3A_340 = tpu.memref_slice %arg15[%dma_start3A_333] : memref<3x!tpu.dma_semaphore, #tpu.memory_space<semaphore_mem>> -> memref<1x!tpu.dma_semaphore, #tpu.memory_space<semaphore_mem>>
    %dma_start3A_341 = tpu.memref_squeeze %dma_start3A_340 : memref<1x!tpu.dma_semaphore, #tpu.memory_space<semaphore_mem>> -> memref<!tpu.dma_semaphore, #tpu.memory_space<semaphore_mem>>
    tpu.enqueue_indirect_dma source(%arg11 : memref<120x128xf32, #tpu.memory_space<vmem>>) target(%dma_start3A_339 : memref<10000x128xf32, #tpu.memory_space<vmem_shared>>) offsets(%dma_start3A_336 : memref<120xi32, #tpu.memory_space<vmem>>) semaphore(%dma_start3A_341 : memref<!tpu.dma_semaphore, #tpu.memory_space<semaphore_mem>>) {add = true}
    %dma_wait3A_342 = arith.constant 2 : i32
    %dma_wait3A_343 = arith.constant 2 : i32
    %dma_wait3A_344 = arith.constant 0 : i32
    %dma_wait3A_345 = tpu.memref_slice %arg7[%dma_wait3A_342, %dma_wait3A_344] : memref<3x120xi32, #tpu.memory_space<vmem>> -> memref<1x120xi32, #tpu.memory_space<vmem>>
    %dma_wait3A_346 = tpu.memref_squeeze %dma_wait3A_345 : memref<1x120xi32, #tpu.memory_space<vmem>> -> memref<120xi32, #tpu.memory_space<vmem>>
    %dma_wait3A_347 = arith.constant 0 : i32
    %dma_wait3A_348 = arith.constant 0 : i32
    %dma_wait3A_349 = tpu.memref_slice %arg2[%dma_wait3A_347, %dma_wait3A_348] : memref<10000x128xf32, #tpu.memory_space<hbm>> -> memref<10000x128xf32, #tpu.memory_space<hbm>>
    %dma_wait3A_350 = tpu.memref_slice %arg14[%dma_wait3A_343] : memref<3x!tpu.dma_semaphore, #tpu.memory_space<semaphore_mem>> -> memref<1x!tpu.dma_semaphore, #tpu.memory_space<semaphore_mem>>
    %dma_wait3A_351 = tpu.memref_squeeze %dma_wait3A_350 : memref<1x!tpu.dma_semaphore, #tpu.memory_space<semaphore_mem>> -> memref<!tpu.dma_semaphore, #tpu.memory_space<semaphore_mem>>
    tpu.wait_indirect_dma semaphore(%dma_wait3A_351 : memref<!tpu.dma_semaphore, #tpu.memory_space<semaphore_mem>>) src(%dma_wait3A_349 : memref<10000x128xf32, #tpu.memory_space<hbm>>) dst(%arg12 : memref<120x128xf32, #tpu.memory_space<vmem>>)
    %dma_start3A_352 = arith.constant 2 : i32
    %dma_start3A_353 = arith.constant 2 : i32
    %dma_start3A_354 = arith.constant 0 : i32
    %dma_start3A_355 = tpu.memref_slice %arg9[%dma_start3A_352, %dma_start3A_354] : memref<3x120xi32, #tpu.memory_space<vmem>> -> memref<1x120xi32, #tpu.memory_space<vmem>>
    %dma_start3A_356 = tpu.memref_squeeze %dma_start3A_355 : memref<1x120xi32, #tpu.memory_space<vmem>> -> memref<120xi32, #tpu.memory_space<vmem>>
    %dma_start3A_357 = arith.constant 0 : i32
    %dma_start3A_358 = arith.constant 0 : i32
    %dma_start3A_359 = tpu.memref_slice %arg16[%dma_start3A_357, %dma_start3A_358] : memref<10000x128xf32, #tpu.memory_space<vmem_shared>> -> memref<10000x128xf32, #tpu.memory_space<vmem_shared>>
    %dma_start3A_360 = tpu.memref_slice %arg15[%dma_start3A_353] : memref<3x!tpu.dma_semaphore, #tpu.memory_space<semaphore_mem>> -> memref<1x!tpu.dma_semaphore, #tpu.memory_space<semaphore_mem>>
    %dma_start3A_361 = tpu.memref_squeeze %dma_start3A_360 : memref<1x!tpu.dma_semaphore, #tpu.memory_space<semaphore_mem>> -> memref<!tpu.dma_semaphore, #tpu.memory_space<semaphore_mem>>
    tpu.enqueue_indirect_dma source(%arg12 : memref<120x128xf32, #tpu.memory_space<vmem>>) target(%dma_start3A_359 : memref<10000x128xf32, #tpu.memory_space<vmem_shared>>) offsets(%dma_start3A_356 : memref<120xi32, #tpu.memory_space<vmem>>) semaphore(%dma_start3A_361 : memref<!tpu.dma_semaphore, #tpu.memory_space<semaphore_mem>>) {add = true}
    %dma_wait3A_362 = arith.constant 26 : i32
    %dma_wait3A_363 = arith.constant 0 : i32
    %dma_wait3A_364 = arith.constant 0 : i32
    %dma_wait3A_365 = arith.constant 0 : i32
    %dma_wait3A_366 = tpu.memref_slice %arg3[%add3A, %dma_wait3A_362, %dma_wait3A_364, %dma_wait3A_365] : memref<32x28x3x120xi32, #tpu.memory_space<hbm>> -> memref<1x1x3x120xi32, #tpu.memory_space<hbm>>
    %dma_wait3A_367 = tpu.memref_squeeze %dma_wait3A_366 : memref<1x1x3x120xi32, #tpu.memory_space<hbm>> -> memref<3x120xi32, #tpu.memory_space<hbm>>
    %dma_wait3A_368 = tpu.memref_slice %arg13[%dma_wait3A_363] : memref<2x!tpu.dma_semaphore, #tpu.memory_space<semaphore_mem>> -> memref<1x!tpu.dma_semaphore, #tpu.memory_space<semaphore_mem>>
    %dma_wait3A_369 = tpu.memref_squeeze %dma_wait3A_368 : memref<1x!tpu.dma_semaphore, #tpu.memory_space<semaphore_mem>> -> memref<!tpu.dma_semaphore, #tpu.memory_space<semaphore_mem>>
    %dma_wait3A_370 = arith.constant 0 : i32
    %dma_wait3A_371 = arith.constant 0 : i32
    %dma_wait3A_372 = tpu.memref_slice %arg3[%add3A, %dma_wait3A_362, %dma_wait3A_370, %dma_wait3A_371] : memref<32x28x3x120xi32, #tpu.memory_space<hbm>> -> memref<1x1x3x120xi32, #tpu.memory_space<hbm>>
    %dma_wait3A_373 = tpu.memref_squeeze %dma_wait3A_372 : memref<1x1x3x120xi32, #tpu.memory_space<hbm>> -> memref<3x120xi32, #tpu.memory_space<hbm>>
    tpu.wait_dma2 semaphore(%dma_wait3A_369 : memref<!tpu.dma_semaphore, #tpu.memory_space<semaphore_mem>>) src(%dma_wait3A_373 : memref<3x120xi32, #tpu.memory_space<hbm>>) dst(%arg6 : memref<3x120xi32, #tpu.memory_space<vmem>>)
    %dma_wait3A_374 = arith.constant 26 : i32
    %dma_wait3A_375 = arith.constant 0 : i32
    %dma_wait3A_376 = arith.constant 0 : i32
    %dma_wait3A_377 = arith.constant 0 : i32
    %dma_wait3A_378 = tpu.memref_slice %arg4[%add3A, %dma_wait3A_374, %dma_wait3A_376, %dma_wait3A_377] : memref<32x28x3x120xi32, #tpu.memory_space<hbm>> -> memref<1x1x3x120xi32, #tpu.memory_space<hbm>>
    %dma_wait3A_379 = tpu.memref_squeeze %dma_wait3A_378 : memref<1x1x3x120xi32, #tpu.memory_space<hbm>> -> memref<3x120xi32, #tpu.memory_space<hbm>>
    %dma_wait3A_380 = tpu.memref_slice %arg13[%dma_wait3A_375] : memref<2x!tpu.dma_semaphore, #tpu.memory_space<semaphore_mem>> -> memref<1x!tpu.dma_semaphore, #tpu.memory_space<semaphore_mem>>
    %dma_wait3A_381 = tpu.memref_squeeze %dma_wait3A_380 : memref<1x!tpu.dma_semaphore, #tpu.memory_space<semaphore_mem>> -> memref<!tpu.dma_semaphore, #tpu.memory_space<semaphore_mem>>
    %dma_wait3A_382 = arith.constant 0 : i32
    %dma_wait3A_383 = arith.constant 0 : i32
    %dma_wait3A_384 = tpu.memref_slice %arg4[%add3A, %dma_wait3A_374, %dma_wait3A_382, %dma_wait3A_383] : memref<32x28x3x120xi32, #tpu.memory_space<hbm>> -> memref<1x1x3x120xi32, #tpu.memory_space<hbm>>
    %dma_wait3A_385 = tpu.memref_squeeze %dma_wait3A_384 : memref<1x1x3x120xi32, #tpu.memory_space<hbm>> -> memref<3x120xi32, #tpu.memory_space<hbm>>
    tpu.wait_dma2 semaphore(%dma_wait3A_381 : memref<!tpu.dma_semaphore, #tpu.memory_space<semaphore_mem>>) src(%dma_wait3A_385 : memref<3x120xi32, #tpu.memory_space<hbm>>) dst(%arg8 : memref<3x120xi32, #tpu.memory_space<vmem>>)
    %dma_wait3A_386 = arith.constant 0 : i32
    %dma_wait3A_387 = arith.constant 0 : i32
    %dma_wait3A_388 = arith.constant 0 : i32
    %dma_wait3A_389 = tpu.memref_slice %arg9[%dma_wait3A_386, %dma_wait3A_388] : memref<3x120xi32, #tpu.memory_space<vmem>> -> memref<1x120xi32, #tpu.memory_space<vmem>>
    %dma_wait3A_390 = tpu.memref_squeeze %dma_wait3A_389 : memref<1x120xi32, #tpu.memory_space<vmem>> -> memref<120xi32, #tpu.memory_space<vmem>>
    %dma_wait3A_391 = arith.constant 0 : i32
    %dma_wait3A_392 = arith.constant 0 : i32
    %dma_wait3A_393 = tpu.memref_slice %arg16[%dma_wait3A_391, %dma_wait3A_392] : memref<10000x128xf32, #tpu.memory_space<vmem_shared>> -> memref<10000x128xf32, #tpu.memory_space<vmem_shared>>
    %dma_wait3A_394 = tpu.memref_slice %arg15[%dma_wait3A_387] : memref<3x!tpu.dma_semaphore, #tpu.memory_space<semaphore_mem>> -> memref<1x!tpu.dma_semaphore, #tpu.memory_space<semaphore_mem>>
    %dma_wait3A_395 = tpu.memref_squeeze %dma_wait3A_394 : memref<1x!tpu.dma_semaphore, #tpu.memory_space<semaphore_mem>> -> memref<!tpu.dma_semaphore, #tpu.memory_space<semaphore_mem>>
    tpu.wait_indirect_dma semaphore(%dma_wait3A_395 : memref<!tpu.dma_semaphore, #tpu.memory_space<semaphore_mem>>) src(%arg10 : memref<120x128xf32, #tpu.memory_space<vmem>>) dst(%dma_wait3A_393 : memref<10000x128xf32, #tpu.memory_space<vmem_shared>>)
    %dma_start3A_396 = arith.constant 0 : i32
    %dma_start3A_397 = arith.constant 0 : i32
    %dma_start3A_398 = arith.constant 0 : i32
    %dma_start3A_399 = tpu.memref_slice %arg6[%dma_start3A_396, %dma_start3A_398] : memref<3x120xi32, #tpu.memory_space<vmem>> -> memref<1x120xi32, #tpu.memory_space<vmem>>
    %dma_start3A_400 = tpu.memref_squeeze %dma_start3A_399 : memref<1x120xi32, #tpu.memory_space<vmem>> -> memref<120xi32, #tpu.memory_space<vmem>>
    %dma_start3A_401 = arith.constant 0 : i32
    %dma_start3A_402 = arith.constant 0 : i32
    %dma_start3A_403 = tpu.memref_slice %arg2[%dma_start3A_401, %dma_start3A_402] : memref<10000x128xf32, #tpu.memory_space<hbm>> -> memref<10000x128xf32, #tpu.memory_space<hbm>>
    %dma_start3A_404 = tpu.memref_slice %arg14[%dma_start3A_397] : memref<3x!tpu.dma_semaphore, #tpu.memory_space<semaphore_mem>> -> memref<1x!tpu.dma_semaphore, #tpu.memory_space<semaphore_mem>>
    %dma_start3A_405 = tpu.memref_squeeze %dma_start3A_404 : memref<1x!tpu.dma_semaphore, #tpu.memory_space<semaphore_mem>> -> memref<!tpu.dma_semaphore, #tpu.memory_space<semaphore_mem>>
    tpu.enqueue_indirect_dma source(%dma_start3A_403 : memref<10000x128xf32, #tpu.memory_space<hbm>>) target(%arg10 : memref<120x128xf32, #tpu.memory_space<vmem>>) offsets(%dma_start3A_400 : memref<120xi32, #tpu.memory_space<vmem>>) semaphore(%dma_start3A_405 : memref<!tpu.dma_semaphore, #tpu.memory_space<semaphore_mem>>)
    %dma_wait3A_406 = arith.constant 1 : i32
    %dma_wait3A_407 = arith.constant 1 : i32
    %dma_wait3A_408 = arith.constant 0 : i32
    %dma_wait3A_409 = tpu.memref_slice %arg9[%dma_wait3A_406, %dma_wait3A_408] : memref<3x120xi32, #tpu.memory_space<vmem>> -> memref<1x120xi32, #tpu.memory_space<vmem>>
    %dma_wait3A_410 = tpu.memref_squeeze %dma_wait3A_409 : memref<1x120xi32, #tpu.memory_space<vmem>> -> memref<120xi32, #tpu.memory_space<vmem>>
    %dma_wait3A_411 = arith.constant 0 : i32
    %dma_wait3A_412 = arith.constant 0 : i32
    %dma_wait3A_413 = tpu.memref_slice %arg16[%dma_wait3A_411, %dma_wait3A_412] : memref<10000x128xf32, #tpu.memory_space<vmem_shared>> -> memref<10000x128xf32, #tpu.memory_space<vmem_shared>>
    %dma_wait3A_414 = tpu.memref_slice %arg15[%dma_wait3A_407] : memref<3x!tpu.dma_semaphore, #tpu.memory_space<semaphore_mem>> -> memref<1x!tpu.dma_semaphore, #tpu.memory_space<semaphore_mem>>
    %dma_wait3A_415 = tpu.memref_squeeze %dma_wait3A_414 : memref<1x!tpu.dma_semaphore, #tpu.memory_space<semaphore_mem>> -> memref<!tpu.dma_semaphore, #tpu.memory_space<semaphore_mem>>
    tpu.wait_indirect_dma semaphore(%dma_wait3A_415 : memref<!tpu.dma_semaphore, #tpu.memory_space<semaphore_mem>>) src(%arg11 : memref<120x128xf32, #tpu.memory_space<vmem>>) dst(%dma_wait3A_413 : memref<10000x128xf32, #tpu.memory_space<vmem_shared>>)
    %dma_start3A_416 = arith.constant 1 : i32
    %dma_start3A_417 = arith.constant 1 : i32
    %dma_start3A_418 = arith.constant 0 : i32
    %dma_start3A_419 = tpu.memref_slice %arg6[%dma_start3A_416, %dma_start3A_418] : memref<3x120xi32, #tpu.memory_space<vmem>> -> memref<1x120xi32, #tpu.memory_space<vmem>>
    %dma_start3A_420 = tpu.memref_squeeze %dma_start3A_419 : memref<1x120xi32, #tpu.memory_space<vmem>> -> memref<120xi32, #tpu.memory_space<vmem>>
    %dma_start3A_421 = arith.constant 0 : i32
    %dma_start3A_422 = arith.constant 0 : i32
    %dma_start3A_423 = tpu.memref_slice %arg2[%dma_start3A_421, %dma_start3A_422] : memref<10000x128xf32, #tpu.memory_space<hbm>> -> memref<10000x128xf32, #tpu.memory_space<hbm>>
    %dma_start3A_424 = tpu.memref_slice %arg14[%dma_start3A_417] : memref<3x!tpu.dma_semaphore, #tpu.memory_space<semaphore_mem>> -> memref<1x!tpu.dma_semaphore, #tpu.memory_space<semaphore_mem>>
    %dma_start3A_425 = tpu.memref_squeeze %dma_start3A_424 : memref<1x!tpu.dma_semaphore, #tpu.memory_space<semaphore_mem>> -> memref<!tpu.dma_semaphore, #tpu.memory_space<semaphore_mem>>
    tpu.enqueue_indirect_dma source(%dma_start3A_423 : memref<10000x128xf32, #tpu.memory_space<hbm>>) target(%arg11 : memref<120x128xf32, #tpu.memory_space<vmem>>) offsets(%dma_start3A_420 : memref<120xi32, #tpu.memory_space<vmem>>) semaphore(%dma_start3A_425 : memref<!tpu.dma_semaphore, #tpu.memory_space<semaphore_mem>>)
    %dma_wait3A_426 = arith.constant 2 : i32
    %dma_wait3A_427 = arith.constant 2 : i32
    %dma_wait3A_428 = arith.constant 0 : i32
    %dma_wait3A_429 = tpu.memref_slice %arg9[%dma_wait3A_426, %dma_wait3A_428] : memref<3x120xi32, #tpu.memory_space<vmem>> -> memref<1x120xi32, #tpu.memory_space<vmem>>
    %dma_wait3A_430 = tpu.memref_squeeze %dma_wait3A_429 : memref<1x120xi32, #tpu.memory_space<vmem>> -> memref<120xi32, #tpu.memory_space<vmem>>
    %dma_wait3A_431 = arith.constant 0 : i32
    %dma_wait3A_432 = arith.constant 0 : i32
    %dma_wait3A_433 = tpu.memref_slice %arg16[%dma_wait3A_431, %dma_wait3A_432] : memref<10000x128xf32, #tpu.memory_space<vmem_shared>> -> memref<10000x128xf32, #tpu.memory_space<vmem_shared>>
    %dma_wait3A_434 = tpu.memref_slice %arg15[%dma_wait3A_427] : memref<3x!tpu.dma_semaphore, #tpu.memory_space<semaphore_mem>> -> memref<1x!tpu.dma_semaphore, #tpu.memory_space<semaphore_mem>>
    %dma_wait3A_435 = tpu.memref_squeeze %dma_wait3A_434 : memref<1x!tpu.dma_semaphore, #tpu.memory_space<semaphore_mem>> -> memref<!tpu.dma_semaphore, #tpu.memory_space<semaphore_mem>>
    tpu.wait_indirect_dma semaphore(%dma_wait3A_435 : memref<!tpu.dma_semaphore, #tpu.memory_space<semaphore_mem>>) src(%arg12 : memref<120x128xf32, #tpu.memory_space<vmem>>) dst(%dma_wait3A_433 : memref<10000x128xf32, #tpu.memory_space<vmem_shared>>)
    %dma_start3A_436 = arith.constant 2 : i32
    %dma_start3A_437 = arith.constant 2 : i32
    %dma_start3A_438 = arith.constant 0 : i32
    %dma_start3A_439 = tpu.memref_slice %arg6[%dma_start3A_436, %dma_start3A_438] : memref<3x120xi32, #tpu.memory_space<vmem>> -> memref<1x120xi32, #tpu.memory_space<vmem>>
    %dma_start3A_440 = tpu.memref_squeeze %dma_start3A_439 : memref<1x120xi32, #tpu.memory_space<vmem>> -> memref<120xi32, #tpu.memory_space<vmem>>
    %dma_start3A_441 = arith.constant 0 : i32
    %dma_start3A_442 = arith.constant 0 : i32
    %dma_start3A_443 = tpu.memref_slice %arg2[%dma_start3A_441, %dma_start3A_442] : memref<10000x128xf32, #tpu.memory_space<hbm>> -> memref<10000x128xf32, #tpu.memory_space<hbm>>
    %dma_start3A_444 = tpu.memref_slice %arg14[%dma_start3A_437] : memref<3x!tpu.dma_semaphore, #tpu.memory_space<semaphore_mem>> -> memref<1x!tpu.dma_semaphore, #tpu.memory_space<semaphore_mem>>
    %dma_start3A_445 = tpu.memref_squeeze %dma_start3A_444 : memref<1x!tpu.dma_semaphore, #tpu.memory_space<semaphore_mem>> -> memref<!tpu.dma_semaphore, #tpu.memory_space<semaphore_mem>>
    tpu.enqueue_indirect_dma source(%dma_start3A_443 : memref<10000x128xf32, #tpu.memory_space<hbm>>) target(%arg12 : memref<120x128xf32, #tpu.memory_space<vmem>>) offsets(%dma_start3A_440 : memref<120xi32, #tpu.memory_space<vmem>>) semaphore(%dma_start3A_445 : memref<!tpu.dma_semaphore, #tpu.memory_space<semaphore_mem>>)
    %dma_start3A_446 = arith.constant 27 : i32
    %dma_start3A_447 = arith.constant 1 : i32
    %dma_start3A_448 = arith.constant 0 : i32
    %dma_start3A_449 = arith.constant 0 : i32
    %dma_start3A_450 = tpu.memref_slice %arg3[%add3A, %dma_start3A_446, %dma_start3A_448, %dma_start3A_449] : memref<32x28x3x120xi32, #tpu.memory_space<hbm>> -> memref<1x1x3x120xi32, #tpu.memory_space<hbm>>
    %dma_start3A_451 = tpu.memref_squeeze %dma_start3A_450 : memref<1x1x3x120xi32, #tpu.memory_space<hbm>> -> memref<3x120xi32, #tpu.memory_space<hbm>>
    %dma_start3A_452 = tpu.memref_slice %arg13[%dma_start3A_447] : memref<2x!tpu.dma_semaphore, #tpu.memory_space<semaphore_mem>> -> memref<1x!tpu.dma_semaphore, #tpu.memory_space<semaphore_mem>>
    %dma_start3A_453 = tpu.memref_squeeze %dma_start3A_452 : memref<1x!tpu.dma_semaphore, #tpu.memory_space<semaphore_mem>> -> memref<!tpu.dma_semaphore, #tpu.memory_space<semaphore_mem>>
    %dma_start3A_454 = arith.constant 0 : i32
    %dma_start3A_455 = arith.constant 0 : i32
    %dma_start3A_456 = tpu.memref_slice %arg3[%add3A, %dma_start3A_446, %dma_start3A_454, %dma_start3A_455] : memref<32x28x3x120xi32, #tpu.memory_space<hbm>> -> memref<1x1x3x120xi32, #tpu.memory_space<hbm>>
    %dma_start3A_457 = tpu.memref_squeeze %dma_start3A_456 : memref<1x1x3x120xi32, #tpu.memory_space<hbm>> -> memref<3x120xi32, #tpu.memory_space<hbm>>
    tpu.enqueue_dma source(%dma_start3A_457 : memref<3x120xi32, #tpu.memory_space<hbm>>) target(%arg7 : memref<3x120xi32, #tpu.memory_space<vmem>>) target_semaphore(%dma_start3A_453 : memref<!tpu.dma_semaphore, #tpu.memory_space<semaphore_mem>>)
    %dma_start3A_458 = arith.constant 27 : i32
    %dma_start3A_459 = arith.constant 1 : i32
    %dma_start3A_460 = arith.constant 0 : i32
    %dma_start3A_461 = arith.constant 0 : i32
    %dma_start3A_462 = tpu.memref_slice %arg4[%add3A, %dma_start3A_458, %dma_start3A_460, %dma_start3A_461] : memref<32x28x3x120xi32, #tpu.memory_space<hbm>> -> memref<1x1x3x120xi32, #tpu.memory_space<hbm>>
    %dma_start3A_463 = tpu.memref_squeeze %dma_start3A_462 : memref<1x1x3x120xi32, #tpu.memory_space<hbm>> -> memref<3x120xi32, #tpu.memory_space<hbm>>
    %dma_start3A_464 = tpu.memref_slice %arg13[%dma_start3A_459] : memref<2x!tpu.dma_semaphore, #tpu.memory_space<semaphore_mem>> -> memref<1x!tpu.dma_semaphore, #tpu.memory_space<semaphore_mem>>
    %dma_start3A_465 = tpu.memref_squeeze %dma_start3A_464 : memref<1x!tpu.dma_semaphore, #tpu.memory_space<semaphore_mem>> -> memref<!tpu.dma_semaphore, #tpu.memory_space<semaphore_mem>>
    %dma_start3A_466 = arith.constant 0 : i32
    %dma_start3A_467 = arith.constant 0 : i32
    %dma_start3A_468 = tpu.memref_slice %arg4[%add3A, %dma_start3A_458, %dma_start3A_466, %dma_start3A_467] : memref<32x28x3x120xi32, #tpu.memory_space<hbm>> -> memref<1x1x3x120xi32, #tpu.memory_space<hbm>>
    %dma_start3A_469 = tpu.memref_squeeze %dma_start3A_468 : memref<1x1x3x120xi32, #tpu.memory_space<hbm>> -> memref<3x120xi32, #tpu.memory_space<hbm>>
    tpu.enqueue_dma source(%dma_start3A_469 : memref<3x120xi32, #tpu.memory_space<hbm>>) target(%arg9 : memref<3x120xi32, #tpu.memory_space<vmem>>) target_semaphore(%dma_start3A_465 : memref<!tpu.dma_semaphore, #tpu.memory_space<semaphore_mem>>)
    %dma_wait3A_470 = arith.constant 0 : i32
    %dma_wait3A_471 = arith.constant 0 : i32
    %dma_wait3A_472 = arith.constant 0 : i32
    %dma_wait3A_473 = tpu.memref_slice %arg6[%dma_wait3A_470, %dma_wait3A_472] : memref<3x120xi32, #tpu.memory_space<vmem>> -> memref<1x120xi32, #tpu.memory_space<vmem>>
    %dma_wait3A_474 = tpu.memref_squeeze %dma_wait3A_473 : memref<1x120xi32, #tpu.memory_space<vmem>> -> memref<120xi32, #tpu.memory_space<vmem>>
    %dma_wait3A_475 = arith.constant 0 : i32
    %dma_wait3A_476 = arith.constant 0 : i32
    %dma_wait3A_477 = tpu.memref_slice %arg2[%dma_wait3A_475, %dma_wait3A_476] : memref<10000x128xf32, #tpu.memory_space<hbm>> -> memref<10000x128xf32, #tpu.memory_space<hbm>>
    %dma_wait3A_478 = tpu.memref_slice %arg14[%dma_wait3A_471] : memref<3x!tpu.dma_semaphore, #tpu.memory_space<semaphore_mem>> -> memref<1x!tpu.dma_semaphore, #tpu.memory_space<semaphore_mem>>
    %dma_wait3A_479 = tpu.memref_squeeze %dma_wait3A_478 : memref<1x!tpu.dma_semaphore, #tpu.memory_space<semaphore_mem>> -> memref<!tpu.dma_semaphore, #tpu.memory_space<semaphore_mem>>
    tpu.wait_indirect_dma semaphore(%dma_wait3A_479 : memref<!tpu.dma_semaphore, #tpu.memory_space<semaphore_mem>>) src(%dma_wait3A_477 : memref<10000x128xf32, #tpu.memory_space<hbm>>) dst(%arg10 : memref<120x128xf32, #tpu.memory_space<vmem>>)
    %dma_start3A_480 = arith.constant 0 : i32
    %dma_start3A_481 = arith.constant 0 : i32
    %dma_start3A_482 = arith.constant 0 : i32
    %dma_start3A_483 = tpu.memref_slice %arg8[%dma_start3A_480, %dma_start3A_482] : memref<3x120xi32, #tpu.memory_space<vmem>> -> memref<1x120xi32, #tpu.memory_space<vmem>>
    %dma_start3A_484 = tpu.memref_squeeze %dma_start3A_483 : memref<1x120xi32, #tpu.memory_space<vmem>> -> memref<120xi32, #tpu.memory_space<vmem>>
    %dma_start3A_485 = arith.constant 0 : i32
    %dma_start3A_486 = arith.constant 0 : i32
    %dma_start3A_487 = tpu.memref_slice %arg16[%dma_start3A_485, %dma_start3A_486] : memref<10000x128xf32, #tpu.memory_space<vmem_shared>> -> memref<10000x128xf32, #tpu.memory_space<vmem_shared>>
    %dma_start3A_488 = tpu.memref_slice %arg15[%dma_start3A_481] : memref<3x!tpu.dma_semaphore, #tpu.memory_space<semaphore_mem>> -> memref<1x!tpu.dma_semaphore, #tpu.memory_space<semaphore_mem>>
    %dma_start3A_489 = tpu.memref_squeeze %dma_start3A_488 : memref<1x!tpu.dma_semaphore, #tpu.memory_space<semaphore_mem>> -> memref<!tpu.dma_semaphore, #tpu.memory_space<semaphore_mem>>
    tpu.enqueue_indirect_dma source(%arg10 : memref<120x128xf32, #tpu.memory_space<vmem>>) target(%dma_start3A_487 : memref<10000x128xf32, #tpu.memory_space<vmem_shared>>) offsets(%dma_start3A_484 : memref<120xi32, #tpu.memory_space<vmem>>) semaphore(%dma_start3A_489 : memref<!tpu.dma_semaphore, #tpu.memory_space<semaphore_mem>>) {add = true}
    %dma_wait3A_490 = arith.constant 1 : i32
    %dma_wait3A_491 = arith.constant 1 : i32
    %dma_wait3A_492 = arith.constant 0 : i32
    %dma_wait3A_493 = tpu.memref_slice %arg6[%dma_wait3A_490, %dma_wait3A_492] : memref<3x120xi32, #tpu.memory_space<vmem>> -> memref<1x120xi32, #tpu.memory_space<vmem>>
    %dma_wait3A_494 = tpu.memref_squeeze %dma_wait3A_493 : memref<1x120xi32, #tpu.memory_space<vmem>> -> memref<120xi32, #tpu.memory_space<vmem>>
    %dma_wait3A_495 = arith.constant 0 : i32
    %dma_wait3A_496 = arith.constant 0 : i32
    %dma_wait3A_497 = tpu.memref_slice %arg2[%dma_wait3A_495, %dma_wait3A_496] : memref<10000x128xf32, #tpu.memory_space<hbm>> -> memref<10000x128xf32, #tpu.memory_space<hbm>>
    %dma_wait3A_498 = tpu.memref_slice %arg14[%dma_wait3A_491] : memref<3x!tpu.dma_semaphore, #tpu.memory_space<semaphore_mem>> -> memref<1x!tpu.dma_semaphore, #tpu.memory_space<semaphore_mem>>
    %dma_wait3A_499 = tpu.memref_squeeze %dma_wait3A_498 : memref<1x!tpu.dma_semaphore, #tpu.memory_space<semaphore_mem>> -> memref<!tpu.dma_semaphore, #tpu.memory_space<semaphore_mem>>
    tpu.wait_indirect_dma semaphore(%dma_wait3A_499 : memref<!tpu.dma_semaphore, #tpu.memory_space<semaphore_mem>>) src(%dma_wait3A_497 : memref<10000x128xf32, #tpu.memory_space<hbm>>) dst(%arg11 : memref<120x128xf32, #tpu.memory_space<vmem>>)
    %dma_start3A_500 = arith.constant 1 : i32
    %dma_start3A_501 = arith.constant 1 : i32
    %dma_start3A_502 = arith.constant 0 : i32
    %dma_start3A_503 = tpu.memref_slice %arg8[%dma_start3A_500, %dma_start3A_502] : memref<3x120xi32, #tpu.memory_space<vmem>> -> memref<1x120xi32, #tpu.memory_space<vmem>>
    %dma_start3A_504 = tpu.memref_squeeze %dma_start3A_503 : memref<1x120xi32, #tpu.memory_space<vmem>> -> memref<120xi32, #tpu.memory_space<vmem>>
    %dma_start3A_505 = arith.constant 0 : i32
    %dma_start3A_506 = arith.constant 0 : i32
    %dma_start3A_507 = tpu.memref_slice %arg16[%dma_start3A_505, %dma_start3A_506] : memref<10000x128xf32, #tpu.memory_space<vmem_shared>> -> memref<10000x128xf32, #tpu.memory_space<vmem_shared>>
    %dma_start3A_508 = tpu.memref_slice %arg15[%dma_start3A_501] : memref<3x!tpu.dma_semaphore, #tpu.memory_space<semaphore_mem>> -> memref<1x!tpu.dma_semaphore, #tpu.memory_space<semaphore_mem>>
    %dma_start3A_509 = tpu.memref_squeeze %dma_start3A_508 : memref<1x!tpu.dma_semaphore, #tpu.memory_space<semaphore_mem>> -> memref<!tpu.dma_semaphore, #tpu.memory_space<semaphore_mem>>
    tpu.enqueue_indirect_dma source(%arg11 : memref<120x128xf32, #tpu.memory_space<vmem>>) target(%dma_start3A_507 : memref<10000x128xf32, #tpu.memory_space<vmem_shared>>) offsets(%dma_start3A_504 : memref<120xi32, #tpu.memory_space<vmem>>) semaphore(%dma_start3A_509 : memref<!tpu.dma_semaphore, #tpu.memory_space<semaphore_mem>>) {add = true}
    %dma_wait3A_510 = arith.constant 2 : i32
    %dma_wait3A_511 = arith.constant 2 : i32
    %dma_wait3A_512 = arith.constant 0 : i32
    %dma_wait3A_513 = tpu.memref_slice %arg6[%dma_wait3A_510, %dma_wait3A_512] : memref<3x120xi32, #tpu.memory_space<vmem>> -> memref<1x120xi32, #tpu.memory_space<vmem>>
    %dma_wait3A_514 = tpu.memref_squeeze %dma_wait3A_513 : memref<1x120xi32, #tpu.memory_space<vmem>> -> memref<120xi32, #tpu.memory_space<vmem>>
    %dma_wait3A_515 = arith.constant 0 : i32
    %dma_wait3A_516 = arith.constant 0 : i32
    %dma_wait3A_517 = tpu.memref_slice %arg2[%dma_wait3A_515, %dma_wait3A_516] : memref<10000x128xf32, #tpu.memory_space<hbm>> -> memref<10000x128xf32, #tpu.memory_space<hbm>>
    %dma_wait3A_518 = tpu.memref_slice %arg14[%dma_wait3A_511] : memref<3x!tpu.dma_semaphore, #tpu.memory_space<semaphore_mem>> -> memref<1x!tpu.dma_semaphore, #tpu.memory_space<semaphore_mem>>
    %dma_wait3A_519 = tpu.memref_squeeze %dma_wait3A_518 : memref<1x!tpu.dma_semaphore, #tpu.memory_space<semaphore_mem>> -> memref<!tpu.dma_semaphore, #tpu.memory_space<semaphore_mem>>
    tpu.wait_indirect_dma semaphore(%dma_wait3A_519 : memref<!tpu.dma_semaphore, #tpu.memory_space<semaphore_mem>>) src(%dma_wait3A_517 : memref<10000x128xf32, #tpu.memory_space<hbm>>) dst(%arg12 : memref<120x128xf32, #tpu.memory_space<vmem>>)
    %dma_start3A_520 = arith.constant 2 : i32
    %dma_start3A_521 = arith.constant 2 : i32
    %dma_start3A_522 = arith.constant 0 : i32
    %dma_start3A_523 = tpu.memref_slice %arg8[%dma_start3A_520, %dma_start3A_522] : memref<3x120xi32, #tpu.memory_space<vmem>> -> memref<1x120xi32, #tpu.memory_space<vmem>>
    %dma_start3A_524 = tpu.memref_squeeze %dma_start3A_523 : memref<1x120xi32, #tpu.memory_space<vmem>> -> memref<120xi32, #tpu.memory_space<vmem>>
    %dma_start3A_525 = arith.constant 0 : i32
    %dma_start3A_526 = arith.constant 0 : i32
    %dma_start3A_527 = tpu.memref_slice %arg16[%dma_start3A_525, %dma_start3A_526] : memref<10000x128xf32, #tpu.memory_space<vmem_shared>> -> memref<10000x128xf32, #tpu.memory_space<vmem_shared>>
    %dma_start3A_528 = tpu.memref_slice %arg15[%dma_start3A_521] : memref<3x!tpu.dma_semaphore, #tpu.memory_space<semaphore_mem>> -> memref<1x!tpu.dma_semaphore, #tpu.memory_space<semaphore_mem>>
    %dma_start3A_529 = tpu.memref_squeeze %dma_start3A_528 : memref<1x!tpu.dma_semaphore, #tpu.memory_space<semaphore_mem>> -> memref<!tpu.dma_semaphore, #tpu.memory_space<semaphore_mem>>
    tpu.enqueue_indirect_dma source(%arg12 : memref<120x128xf32, #tpu.memory_space<vmem>>) target(%dma_start3A_527 : memref<10000x128xf32, #tpu.memory_space<vmem_shared>>) offsets(%dma_start3A_524 : memref<120xi32, #tpu.memory_space<vmem>>) semaphore(%dma_start3A_529 : memref<!tpu.dma_semaphore, #tpu.memory_space<semaphore_mem>>) {add = true}
    %dma_wait3A_530 = arith.constant 27 : i32
    %dma_wait3A_531 = arith.constant 1 : i32
    %dma_wait3A_532 = arith.constant 0 : i32
    %dma_wait3A_533 = arith.constant 0 : i32
    %dma_wait3A_534 = tpu.memref_slice %arg3[%add3A, %dma_wait3A_530, %dma_wait3A_532, %dma_wait3A_533] : memref<32x28x3x120xi32, #tpu.memory_space<hbm>> -> memref<1x1x3x120xi32, #tpu.memory_space<hbm>>
    %dma_wait3A_535 = tpu.memref_squeeze %dma_wait3A_534 : memref<1x1x3x120xi32, #tpu.memory_space<hbm>> -> memref<3x120xi32, #tpu.memory_space<hbm>>
    %dma_wait3A_536 = tpu.memref_slice %arg13[%dma_wait3A_531] : memref<2x!tpu.dma_semaphore, #tpu.memory_space<semaphore_mem>> -> memref<1x!tpu.dma_semaphore, #tpu.memory_space<semaphore_mem>>
    %dma_wait3A_537 = tpu.memref_squeeze %dma_wait3A_536 : memref<1x!tpu.dma_semaphore, #tpu.memory_space<semaphore_mem>> -> memref<!tpu.dma_semaphore, #tpu.memory_space<semaphore_mem>>
    %dma_wait3A_538 = arith.constant 0 : i32
    %dma_wait3A_539 = arith.constant 0 : i32
    %dma_wait3A_540 = tpu.memref_slice %arg3[%add3A, %dma_wait3A_530, %dma_wait3A_538, %dma_wait3A_539] : memref<32x28x3x120xi32, #tpu.memory_space<hbm>> -> memref<1x1x3x120xi32, #tpu.memory_space<hbm>>
    %dma_wait3A_541 = tpu.memref_squeeze %dma_wait3A_540 : memref<1x1x3x120xi32, #tpu.memory_space<hbm>> -> memref<3x120xi32, #tpu.memory_space<hbm>>
    tpu.wait_dma2 semaphore(%dma_wait3A_537 : memref<!tpu.dma_semaphore, #tpu.memory_space<semaphore_mem>>) src(%dma_wait3A_541 : memref<3x120xi32, #tpu.memory_space<hbm>>) dst(%arg7 : memref<3x120xi32, #tpu.memory_space<vmem>>)
    %dma_wait3A_542 = arith.constant 27 : i32
    %dma_wait3A_543 = arith.constant 1 : i32
    %dma_wait3A_544 = arith.constant 0 : i32
    %dma_wait3A_545 = arith.constant 0 : i32
    %dma_wait3A_546 = tpu.memref_slice %arg4[%add3A, %dma_wait3A_542, %dma_wait3A_544, %dma_wait3A_545] : memref<32x28x3x120xi32, #tpu.memory_space<hbm>> -> memref<1x1x3x120xi32, #tpu.memory_space<hbm>>
    %dma_wait3A_547 = tpu.memref_squeeze %dma_wait3A_546 : memref<1x1x3x120xi32, #tpu.memory_space<hbm>> -> memref<3x120xi32, #tpu.memory_space<hbm>>
    %dma_wait3A_548 = tpu.memref_slice %arg13[%dma_wait3A_543] : memref<2x!tpu.dma_semaphore, #tpu.memory_space<semaphore_mem>> -> memref<1x!tpu.dma_semaphore, #tpu.memory_space<semaphore_mem>>
    %dma_wait3A_549 = tpu.memref_squeeze %dma_wait3A_548 : memref<1x!tpu.dma_semaphore, #tpu.memory_space<semaphore_mem>> -> memref<!tpu.dma_semaphore, #tpu.memory_space<semaphore_mem>>
    %dma_wait3A_550 = arith.constant 0 : i32
    %dma_wait3A_551 = arith.constant 0 : i32
    %dma_wait3A_552 = tpu.memref_slice %arg4[%add3A, %dma_wait3A_542, %dma_wait3A_550, %dma_wait3A_551] : memref<32x28x3x120xi32, #tpu.memory_space<hbm>> -> memref<1x1x3x120xi32, #tpu.memory_space<hbm>>
    %dma_wait3A_553 = tpu.memref_squeeze %dma_wait3A_552 : memref<1x1x3x120xi32, #tpu.memory_space<hbm>> -> memref<3x120xi32, #tpu.memory_space<hbm>>
    tpu.wait_dma2 semaphore(%dma_wait3A_549 : memref<!tpu.dma_semaphore, #tpu.memory_space<semaphore_mem>>) src(%dma_wait3A_553 : memref<3x120xi32, #tpu.memory_space<hbm>>) dst(%arg9 : memref<3x120xi32, #tpu.memory_space<vmem>>)
    %dma_wait3A_554 = arith.constant 0 : i32
    %dma_wait3A_555 = arith.constant 0 : i32
    %dma_wait3A_556 = arith.constant 0 : i32
    %dma_wait3A_557 = tpu.memref_slice %arg8[%dma_wait3A_554, %dma_wait3A_556] : memref<3x120xi32, #tpu.memory_space<vmem>> -> memref<1x120xi32, #tpu.memory_space<vmem>>
    %dma_wait3A_558 = tpu.memref_squeeze %dma_wait3A_557 : memref<1x120xi32, #tpu.memory_space<vmem>> -> memref<120xi32, #tpu.memory_space<vmem>>
    %dma_wait3A_559 = arith.constant 0 : i32
    %dma_wait3A_560 = arith.constant 0 : i32
    %dma_wait3A_561 = tpu.memref_slice %arg16[%dma_wait3A_559, %dma_wait3A_560] : memref<10000x128xf32, #tpu.memory_space<vmem_shared>> -> memref<10000x128xf32, #tpu.memory_space<vmem_shared>>
    %dma_wait3A_562 = tpu.memref_slice %arg15[%dma_wait3A_555] : memref<3x!tpu.dma_semaphore, #tpu.memory_space<semaphore_mem>> -> memref<1x!tpu.dma_semaphore, #tpu.memory_space<semaphore_mem>>
    %dma_wait3A_563 = tpu.memref_squeeze %dma_wait3A_562 : memref<1x!tpu.dma_semaphore, #tpu.memory_space<semaphore_mem>> -> memref<!tpu.dma_semaphore, #tpu.memory_space<semaphore_mem>>
    tpu.wait_indirect_dma semaphore(%dma_wait3A_563 : memref<!tpu.dma_semaphore, #tpu.memory_space<semaphore_mem>>) src(%arg10 : memref<120x128xf32, #tpu.memory_space<vmem>>) dst(%dma_wait3A_561 : memref<10000x128xf32, #tpu.memory_space<vmem_shared>>)
    %dma_start3A_564 = arith.constant 0 : i32
    %dma_start3A_565 = arith.constant 0 : i32
    %dma_start3A_566 = arith.constant 0 : i32
    %dma_start3A_567 = tpu.memref_slice %arg7[%dma_start3A_564, %dma_start3A_566] : memref<3x120xi32, #tpu.memory_space<vmem>> -> memref<1x120xi32, #tpu.memory_space<vmem>>
    %dma_start3A_568 = tpu.memref_squeeze %dma_start3A_567 : memref<1x120xi32, #tpu.memory_space<vmem>> -> memref<120xi32, #tpu.memory_space<vmem>>
    %dma_start3A_569 = arith.constant 0 : i32
    %dma_start3A_570 = arith.constant 0 : i32
    %dma_start3A_571 = tpu.memref_slice %arg2[%dma_start3A_569, %dma_start3A_570] : memref<10000x128xf32, #tpu.memory_space<hbm>> -> memref<10000x128xf32, #tpu.memory_space<hbm>>
    %dma_start3A_572 = tpu.memref_slice %arg14[%dma_start3A_565] : memref<3x!tpu.dma_semaphore, #tpu.memory_space<semaphore_mem>> -> memref<1x!tpu.dma_semaphore, #tpu.memory_space<semaphore_mem>>
    %dma_start3A_573 = tpu.memref_squeeze %dma_start3A_572 : memref<1x!tpu.dma_semaphore, #tpu.memory_space<semaphore_mem>> -> memref<!tpu.dma_semaphore, #tpu.memory_space<semaphore_mem>>
    tpu.enqueue_indirect_dma source(%dma_start3A_571 : memref<10000x128xf32, #tpu.memory_space<hbm>>) target(%arg10 : memref<120x128xf32, #tpu.memory_space<vmem>>) offsets(%dma_start3A_568 : memref<120xi32, #tpu.memory_space<vmem>>) semaphore(%dma_start3A_573 : memref<!tpu.dma_semaphore, #tpu.memory_space<semaphore_mem>>)
    %dma_wait3A_574 = arith.constant 1 : i32
    %dma_wait3A_575 = arith.constant 1 : i32
    %dma_wait3A_576 = arith.constant 0 : i32
    %dma_wait3A_577 = tpu.memref_slice %arg8[%dma_wait3A_574, %dma_wait3A_576] : memref<3x120xi32, #tpu.memory_space<vmem>> -> memref<1x120xi32, #tpu.memory_space<vmem>>
    %dma_wait3A_578 = tpu.memref_squeeze %dma_wait3A_577 : memref<1x120xi32, #tpu.memory_space<vmem>> -> memref<120xi32, #tpu.memory_space<vmem>>
    %dma_wait3A_579 = arith.constant 0 : i32
    %dma_wait3A_580 = arith.constant 0 : i32
    %dma_wait3A_581 = tpu.memref_slice %arg16[%dma_wait3A_579, %dma_wait3A_580] : memref<10000x128xf32, #tpu.memory_space<vmem_shared>> -> memref<10000x128xf32, #tpu.memory_space<vmem_shared>>
    %dma_wait3A_582 = tpu.memref_slice %arg15[%dma_wait3A_575] : memref<3x!tpu.dma_semaphore, #tpu.memory_space<semaphore_mem>> -> memref<1x!tpu.dma_semaphore, #tpu.memory_space<semaphore_mem>>
    %dma_wait3A_583 = tpu.memref_squeeze %dma_wait3A_582 : memref<1x!tpu.dma_semaphore, #tpu.memory_space<semaphore_mem>> -> memref<!tpu.dma_semaphore, #tpu.memory_space<semaphore_mem>>
    tpu.wait_indirect_dma semaphore(%dma_wait3A_583 : memref<!tpu.dma_semaphore, #tpu.memory_space<semaphore_mem>>) src(%arg11 : memref<120x128xf32, #tpu.memory_space<vmem>>) dst(%dma_wait3A_581 : memref<10000x128xf32, #tpu.memory_space<vmem_shared>>)
    %dma_start3A_584 = arith.constant 1 : i32
    %dma_start3A_585 = arith.constant 1 : i32
    %dma_start3A_586 = arith.constant 0 : i32
    %dma_start3A_587 = tpu.memref_slice %arg7[%dma_start3A_584, %dma_start3A_586] : memref<3x120xi32, #tpu.memory_space<vmem>> -> memref<1x120xi32, #tpu.memory_space<vmem>>
    %dma_start3A_588 = tpu.memref_squeeze %dma_start3A_587 : memref<1x120xi32, #tpu.memory_space<vmem>> -> memref<120xi32, #tpu.memory_space<vmem>>
    %dma_start3A_589 = arith.constant 0 : i32
    %dma_start3A_590 = arith.constant 0 : i32
    %dma_start3A_591 = tpu.memref_slice %arg2[%dma_start3A_589, %dma_start3A_590] : memref<10000x128xf32, #tpu.memory_space<hbm>> -> memref<10000x128xf32, #tpu.memory_space<hbm>>
    %dma_start3A_592 = tpu.memref_slice %arg14[%dma_start3A_585] : memref<3x!tpu.dma_semaphore, #tpu.memory_space<semaphore_mem>> -> memref<1x!tpu.dma_semaphore, #tpu.memory_space<semaphore_mem>>
    %dma_start3A_593 = tpu.memref_squeeze %dma_start3A_592 : memref<1x!tpu.dma_semaphore, #tpu.memory_space<semaphore_mem>> -> memref<!tpu.dma_semaphore, #tpu.memory_space<semaphore_mem>>
    tpu.enqueue_indirect_dma source(%dma_start3A_591 : memref<10000x128xf32, #tpu.memory_space<hbm>>) target(%arg11 : memref<120x128xf32, #tpu.memory_space<vmem>>) offsets(%dma_start3A_588 : memref<120xi32, #tpu.memory_space<vmem>>) semaphore(%dma_start3A_593 : memref<!tpu.dma_semaphore, #tpu.memory_space<semaphore_mem>>)
    %dma_wait3A_594 = arith.constant 2 : i32
    %dma_wait3A_595 = arith.constant 2 : i32
    %dma_wait3A_596 = arith.constant 0 : i32
    %dma_wait3A_597 = tpu.memref_slice %arg8[%dma_wait3A_594, %dma_wait3A_596] : memref<3x120xi32, #tpu.memory_space<vmem>> -> memref<1x120xi32, #tpu.memory_space<vmem>>
    %dma_wait3A_598 = tpu.memref_squeeze %dma_wait3A_597 : memref<1x120xi32, #tpu.memory_space<vmem>> -> memref<120xi32, #tpu.memory_space<vmem>>
    %dma_wait3A_599 = arith.constant 0 : i32
    %dma_wait3A_600 = arith.constant 0 : i32
    %dma_wait3A_601 = tpu.memref_slice %arg16[%dma_wait3A_599, %dma_wait3A_600] : memref<10000x128xf32, #tpu.memory_space<vmem_shared>> -> memref<10000x128xf32, #tpu.memory_space<vmem_shared>>
    %dma_wait3A_602 = tpu.memref_slice %arg15[%dma_wait3A_595] : memref<3x!tpu.dma_semaphore, #tpu.memory_space<semaphore_mem>> -> memref<1x!tpu.dma_semaphore, #tpu.memory_space<semaphore_mem>>
    %dma_wait3A_603 = tpu.memref_squeeze %dma_wait3A_602 : memref<1x!tpu.dma_semaphore, #tpu.memory_space<semaphore_mem>> -> memref<!tpu.dma_semaphore, #tpu.memory_space<semaphore_mem>>
    tpu.wait_indirect_dma semaphore(%dma_wait3A_603 : memref<!tpu.dma_semaphore, #tpu.memory_space<semaphore_mem>>) src(%arg12 : memref<120x128xf32, #tpu.memory_space<vmem>>) dst(%dma_wait3A_601 : memref<10000x128xf32, #tpu.memory_space<vmem_shared>>)
    %dma_start3A_604 = arith.constant 2 : i32
    %dma_start3A_605 = arith.constant 2 : i32
    %dma_start3A_606 = arith.constant 0 : i32
    %dma_start3A_607 = tpu.memref_slice %arg7[%dma_start3A_604, %dma_start3A_606] : memref<3x120xi32, #tpu.memory_space<vmem>> -> memref<1x120xi32, #tpu.memory_space<vmem>>
    %dma_start3A_608 = tpu.memref_squeeze %dma_start3A_607 : memref<1x120xi32, #tpu.memory_space<vmem>> -> memref<120xi32, #tpu.memory_space<vmem>>
    %dma_start3A_609 = arith.constant 0 : i32
    %dma_start3A_610 = arith.constant 0 : i32
    %dma_start3A_611 = tpu.memref_slice %arg2[%dma_start3A_609, %dma_start3A_610] : memref<10000x128xf32, #tpu.memory_space<hbm>> -> memref<10000x128xf32, #tpu.memory_space<hbm>>
    %dma_start3A_612 = tpu.memref_slice %arg14[%dma_start3A_605] : memref<3x!tpu.dma_semaphore, #tpu.memory_space<semaphore_mem>> -> memref<1x!tpu.dma_semaphore, #tpu.memory_space<semaphore_mem>>
    %dma_start3A_613 = tpu.memref_squeeze %dma_start3A_612 : memref<1x!tpu.dma_semaphore, #tpu.memory_space<semaphore_mem>> -> memref<!tpu.dma_semaphore, #tpu.memory_space<semaphore_mem>>
    tpu.enqueue_indirect_dma source(%dma_start3A_611 : memref<10000x128xf32, #tpu.memory_space<hbm>>) target(%arg12 : memref<120x128xf32, #tpu.memory_space<vmem>>) offsets(%dma_start3A_608 : memref<120xi32, #tpu.memory_space<vmem>>) semaphore(%dma_start3A_613 : memref<!tpu.dma_semaphore, #tpu.memory_space<semaphore_mem>>)
    %dma_wait3A_614 = arith.constant 0 : i32
    %dma_wait3A_615 = arith.constant 0 : i32
    %dma_wait3A_616 = arith.constant 0 : i32
    %dma_wait3A_617 = tpu.memref_slice %arg7[%dma_wait3A_614, %dma_wait3A_616] : memref<3x120xi32, #tpu.memory_space<vmem>> -> memref<1x120xi32, #tpu.memory_space<vmem>>
    %dma_wait3A_618 = tpu.memref_squeeze %dma_wait3A_617 : memref<1x120xi32, #tpu.memory_space<vmem>> -> memref<120xi32, #tpu.memory_space<vmem>>
    %dma_wait3A_619 = arith.constant 0 : i32
    %dma_wait3A_620 = arith.constant 0 : i32
    %dma_wait3A_621 = tpu.memref_slice %arg2[%dma_wait3A_619, %dma_wait3A_620] : memref<10000x128xf32, #tpu.memory_space<hbm>> -> memref<10000x128xf32, #tpu.memory_space<hbm>>
    %dma_wait3A_622 = tpu.memref_slice %arg14[%dma_wait3A_615] : memref<3x!tpu.dma_semaphore, #tpu.memory_space<semaphore_mem>> -> memref<1x!tpu.dma_semaphore, #tpu.memory_space<semaphore_mem>>
    %dma_wait3A_623 = tpu.memref_squeeze %dma_wait3A_622 : memref<1x!tpu.dma_semaphore, #tpu.memory_space<semaphore_mem>> -> memref<!tpu.dma_semaphore, #tpu.memory_space<semaphore_mem>>
    tpu.wait_indirect_dma semaphore(%dma_wait3A_623 : memref<!tpu.dma_semaphore, #tpu.memory_space<semaphore_mem>>) src(%dma_wait3A_621 : memref<10000x128xf32, #tpu.memory_space<hbm>>) dst(%arg10 : memref<120x128xf32, #tpu.memory_space<vmem>>)
    %dma_start3A_624 = arith.constant 0 : i32
    %dma_start3A_625 = arith.constant 0 : i32
    %dma_start3A_626 = arith.constant 0 : i32
    %dma_start3A_627 = tpu.memref_slice %arg9[%dma_start3A_624, %dma_start3A_626] : memref<3x120xi32, #tpu.memory_space<vmem>> -> memref<1x120xi32, #tpu.memory_space<vmem>>
    %dma_start3A_628 = tpu.memref_squeeze %dma_start3A_627 : memref<1x120xi32, #tpu.memory_space<vmem>> -> memref<120xi32, #tpu.memory_space<vmem>>
    %dma_start3A_629 = arith.constant 0 : i32
    %dma_start3A_630 = arith.constant 0 : i32
    %dma_start3A_631 = tpu.memref_slice %arg16[%dma_start3A_629, %dma_start3A_630] : memref<10000x128xf32, #tpu.memory_space<vmem_shared>> -> memref<10000x128xf32, #tpu.memory_space<vmem_shared>>
    %dma_start3A_632 = tpu.memref_slice %arg15[%dma_start3A_625] : memref<3x!tpu.dma_semaphore, #tpu.memory_space<semaphore_mem>> -> memref<1x!tpu.dma_semaphore, #tpu.memory_space<semaphore_mem>>
    %dma_start3A_633 = tpu.memref_squeeze %dma_start3A_632 : memref<1x!tpu.dma_semaphore, #tpu.memory_space<semaphore_mem>> -> memref<!tpu.dma_semaphore, #tpu.memory_space<semaphore_mem>>
    tpu.enqueue_indirect_dma source(%arg10 : memref<120x128xf32, #tpu.memory_space<vmem>>) target(%dma_start3A_631 : memref<10000x128xf32, #tpu.memory_space<vmem_shared>>) offsets(%dma_start3A_628 : memref<120xi32, #tpu.memory_space<vmem>>) semaphore(%dma_start3A_633 : memref<!tpu.dma_semaphore, #tpu.memory_space<semaphore_mem>>) {add = true}
    %dma_wait3A_634 = arith.constant 1 : i32
    %dma_wait3A_635 = arith.constant 1 : i32
    %dma_wait3A_636 = arith.constant 0 : i32
    %dma_wait3A_637 = tpu.memref_slice %arg7[%dma_wait3A_634, %dma_wait3A_636] : memref<3x120xi32, #tpu.memory_space<vmem>> -> memref<1x120xi32, #tpu.memory_space<vmem>>
    %dma_wait3A_638 = tpu.memref_squeeze %dma_wait3A_637 : memref<1x120xi32, #tpu.memory_space<vmem>> -> memref<120xi32, #tpu.memory_space<vmem>>
    %dma_wait3A_639 = arith.constant 0 : i32
    %dma_wait3A_640 = arith.constant 0 : i32
    %dma_wait3A_641 = tpu.memref_slice %arg2[%dma_wait3A_639, %dma_wait3A_640] : memref<10000x128xf32, #tpu.memory_space<hbm>> -> memref<10000x128xf32, #tpu.memory_space<hbm>>
    %dma_wait3A_642 = tpu.memref_slice %arg14[%dma_wait3A_635] : memref<3x!tpu.dma_semaphore, #tpu.memory_space<semaphore_mem>> -> memref<1x!tpu.dma_semaphore, #tpu.memory_space<semaphore_mem>>
    %dma_wait3A_643 = tpu.memref_squeeze %dma_wait3A_642 : memref<1x!tpu.dma_semaphore, #tpu.memory_space<semaphore_mem>> -> memref<!tpu.dma_semaphore, #tpu.memory_space<semaphore_mem>>
    tpu.wait_indirect_dma semaphore(%dma_wait3A_643 : memref<!tpu.dma_semaphore, #tpu.memory_space<semaphore_mem>>) src(%dma_wait3A_641 : memref<10000x128xf32, #tpu.memory_space<hbm>>) dst(%arg11 : memref<120x128xf32, #tpu.memory_space<vmem>>)
    %dma_start3A_644 = arith.constant 1 : i32
    %dma_start3A_645 = arith.constant 1 : i32
    %dma_start3A_646 = arith.constant 0 : i32
    %dma_start3A_647 = tpu.memref_slice %arg9[%dma_start3A_644, %dma_start3A_646] : memref<3x120xi32, #tpu.memory_space<vmem>> -> memref<1x120xi32, #tpu.memory_space<vmem>>
    %dma_start3A_648 = tpu.memref_squeeze %dma_start3A_647 : memref<1x120xi32, #tpu.memory_space<vmem>> -> memref<120xi32, #tpu.memory_space<vmem>>
    %dma_start3A_649 = arith.constant 0 : i32
    %dma_start3A_650 = arith.constant 0 : i32
    %dma_start3A_651 = tpu.memref_slice %arg16[%dma_start3A_649, %dma_start3A_650] : memref<10000x128xf32, #tpu.memory_space<vmem_shared>> -> memref<10000x128xf32, #tpu.memory_space<vmem_shared>>
    %dma_start3A_652 = tpu.memref_slice %arg15[%dma_start3A_645] : memref<3x!tpu.dma_semaphore, #tpu.memory_space<semaphore_mem>> -> memref<1x!tpu.dma_semaphore, #tpu.memory_space<semaphore_mem>>
    %dma_start3A_653 = tpu.memref_squeeze %dma_start3A_652 : memref<1x!tpu.dma_semaphore, #tpu.memory_space<semaphore_mem>> -> memref<!tpu.dma_semaphore, #tpu.memory_space<semaphore_mem>>
    tpu.enqueue_indirect_dma source(%arg11 : memref<120x128xf32, #tpu.memory_space<vmem>>) target(%dma_start3A_651 : memref<10000x128xf32, #tpu.memory_space<vmem_shared>>) offsets(%dma_start3A_648 : memref<120xi32, #tpu.memory_space<vmem>>) semaphore(%dma_start3A_653 : memref<!tpu.dma_semaphore, #tpu.memory_space<semaphore_mem>>) {add = true}
    %dma_wait3A_654 = arith.constant 2 : i32
    %dma_wait3A_655 = arith.constant 2 : i32
    %dma_wait3A_656 = arith.constant 0 : i32
    %dma_wait3A_657 = tpu.memref_slice %arg7[%dma_wait3A_654, %dma_wait3A_656] : memref<3x120xi32, #tpu.memory_space<vmem>> -> memref<1x120xi32, #tpu.memory_space<vmem>>
    %dma_wait3A_658 = tpu.memref_squeeze %dma_wait3A_657 : memref<1x120xi32, #tpu.memory_space<vmem>> -> memref<120xi32, #tpu.memory_space<vmem>>
    %dma_wait3A_659 = arith.constant 0 : i32
    %dma_wait3A_660 = arith.constant 0 : i32
    %dma_wait3A_661 = tpu.memref_slice %arg2[%dma_wait3A_659, %dma_wait3A_660] : memref<10000x128xf32, #tpu.memory_space<hbm>> -> memref<10000x128xf32, #tpu.memory_space<hbm>>
    %dma_wait3A_662 = tpu.memref_slice %arg14[%dma_wait3A_655] : memref<3x!tpu.dma_semaphore, #tpu.memory_space<semaphore_mem>> -> memref<1x!tpu.dma_semaphore, #tpu.memory_space<semaphore_mem>>
    %dma_wait3A_663 = tpu.memref_squeeze %dma_wait3A_662 : memref<1x!tpu.dma_semaphore, #tpu.memory_space<semaphore_mem>> -> memref<!tpu.dma_semaphore, #tpu.memory_space<semaphore_mem>>
    tpu.wait_indirect_dma semaphore(%dma_wait3A_663 : memref<!tpu.dma_semaphore, #tpu.memory_space<semaphore_mem>>) src(%dma_wait3A_661 : memref<10000x128xf32, #tpu.memory_space<hbm>>) dst(%arg12 : memref<120x128xf32, #tpu.memory_space<vmem>>)
    %dma_start3A_664 = arith.constant 2 : i32
    %dma_start3A_665 = arith.constant 2 : i32
    %dma_start3A_666 = arith.constant 0 : i32
    %dma_start3A_667 = tpu.memref_slice %arg9[%dma_start3A_664, %dma_start3A_666] : memref<3x120xi32, #tpu.memory_space<vmem>> -> memref<1x120xi32, #tpu.memory_space<vmem>>
    %dma_start3A_668 = tpu.memref_squeeze %dma_start3A_667 : memref<1x120xi32, #tpu.memory_space<vmem>> -> memref<120xi32, #tpu.memory_space<vmem>>
    %dma_start3A_669 = arith.constant 0 : i32
    %dma_start3A_670 = arith.constant 0 : i32
    %dma_start3A_671 = tpu.memref_slice %arg16[%dma_start3A_669, %dma_start3A_670] : memref<10000x128xf32, #tpu.memory_space<vmem_shared>> -> memref<10000x128xf32, #tpu.memory_space<vmem_shared>>
    %dma_start3A_672 = tpu.memref_slice %arg15[%dma_start3A_665] : memref<3x!tpu.dma_semaphore, #tpu.memory_space<semaphore_mem>> -> memref<1x!tpu.dma_semaphore, #tpu.memory_space<semaphore_mem>>
    %dma_start3A_673 = tpu.memref_squeeze %dma_start3A_672 : memref<1x!tpu.dma_semaphore, #tpu.memory_space<semaphore_mem>> -> memref<!tpu.dma_semaphore, #tpu.memory_space<semaphore_mem>>
    tpu.enqueue_indirect_dma source(%arg12 : memref<120x128xf32, #tpu.memory_space<vmem>>) target(%dma_start3A_671 : memref<10000x128xf32, #tpu.memory_space<vmem_shared>>) offsets(%dma_start3A_668 : memref<120xi32, #tpu.memory_space<vmem>>) semaphore(%dma_start3A_673 : memref<!tpu.dma_semaphore, #tpu.memory_space<semaphore_mem>>) {add = true}
    %dma_wait3A_674 = arith.constant 0 : i32
    %dma_wait3A_675 = arith.constant 0 : i32
    %dma_wait3A_676 = arith.constant 0 : i32
    %dma_wait3A_677 = tpu.memref_slice %arg9[%dma_wait3A_674, %dma_wait3A_676] : memref<3x120xi32, #tpu.memory_space<vmem>> -> memref<1x120xi32, #tpu.memory_space<vmem>>
    %dma_wait3A_678 = tpu.memref_squeeze %dma_wait3A_677 : memref<1x120xi32, #tpu.memory_space<vmem>> -> memref<120xi32, #tpu.memory_space<vmem>>
    %dma_wait3A_679 = arith.constant 0 : i32
    %dma_wait3A_680 = arith.constant 0 : i32
    %dma_wait3A_681 = tpu.memref_slice %arg16[%dma_wait3A_679, %dma_wait3A_680] : memref<10000x128xf32, #tpu.memory_space<vmem_shared>> -> memref<10000x128xf32, #tpu.memory_space<vmem_shared>>
    %dma_wait3A_682 = tpu.memref_slice %arg15[%dma_wait3A_675] : memref<3x!tpu.dma_semaphore, #tpu.memory_space<semaphore_mem>> -> memref<1x!tpu.dma_semaphore, #tpu.memory_space<semaphore_mem>>
    %dma_wait3A_683 = tpu.memref_squeeze %dma_wait3A_682 : memref<1x!tpu.dma_semaphore, #tpu.memory_space<semaphore_mem>> -> memref<!tpu.dma_semaphore, #tpu.memory_space<semaphore_mem>>
    tpu.wait_indirect_dma semaphore(%dma_wait3A_683 : memref<!tpu.dma_semaphore, #tpu.memory_space<semaphore_mem>>) src(%arg10 : memref<120x128xf32, #tpu.memory_space<vmem>>) dst(%dma_wait3A_681 : memref<10000x128xf32, #tpu.memory_space<vmem_shared>>)
    %dma_wait3A_684 = arith.constant 1 : i32
    %dma_wait3A_685 = arith.constant 1 : i32
    %dma_wait3A_686 = arith.constant 0 : i32
    %dma_wait3A_687 = tpu.memref_slice %arg9[%dma_wait3A_684, %dma_wait3A_686] : memref<3x120xi32, #tpu.memory_space<vmem>> -> memref<1x120xi32, #tpu.memory_space<vmem>>
    %dma_wait3A_688 = tpu.memref_squeeze %dma_wait3A_687 : memref<1x120xi32, #tpu.memory_space<vmem>> -> memref<120xi32, #tpu.memory_space<vmem>>
    %dma_wait3A_689 = arith.constant 0 : i32
    %dma_wait3A_690 = arith.constant 0 : i32
    %dma_wait3A_691 = tpu.memref_slice %arg16[%dma_wait3A_689, %dma_wait3A_690] : memref<10000x128xf32, #tpu.memory_space<vmem_shared>> -> memref<10000x128xf32, #tpu.memory_space<vmem_shared>>
    %dma_wait3A_692 = tpu.memref_slice %arg15[%dma_wait3A_685] : memref<3x!tpu.dma_semaphore, #tpu.memory_space<semaphore_mem>> -> memref<1x!tpu.dma_semaphore, #tpu.memory_space<semaphore_mem>>
    %dma_wait3A_693 = tpu.memref_squeeze %dma_wait3A_692 : memref<1x!tpu.dma_semaphore, #tpu.memory_space<semaphore_mem>> -> memref<!tpu.dma_semaphore, #tpu.memory_space<semaphore_mem>>
    tpu.wait_indirect_dma semaphore(%dma_wait3A_693 : memref<!tpu.dma_semaphore, #tpu.memory_space<semaphore_mem>>) src(%arg11 : memref<120x128xf32, #tpu.memory_space<vmem>>) dst(%dma_wait3A_691 : memref<10000x128xf32, #tpu.memory_space<vmem_shared>>)
    %dma_wait3A_694 = arith.constant 2 : i32
    %dma_wait3A_695 = arith.constant 2 : i32
    %dma_wait3A_696 = arith.constant 0 : i32
    %dma_wait3A_697 = tpu.memref_slice %arg9[%dma_wait3A_694, %dma_wait3A_696] : memref<3x120xi32, #tpu.memory_space<vmem>> -> memref<1x120xi32, #tpu.memory_space<vmem>>
    %dma_wait3A_698 = tpu.memref_squeeze %dma_wait3A_697 : memref<1x120xi32, #tpu.memory_space<vmem>> -> memref<120xi32, #tpu.memory_space<vmem>>
    %dma_wait3A_699 = arith.constant 0 : i32
    %dma_wait3A_700 = arith.constant 0 : i32
    %dma_wait3A_701 = tpu.memref_slice %arg16[%dma_wait3A_699, %dma_wait3A_700] : memref<10000x128xf32, #tpu.memory_space<vmem_shared>> -> memref<10000x128xf32, #tpu.memory_space<vmem_shared>>
    %dma_wait3A_702 = tpu.memref_slice %arg15[%dma_wait3A_695] : memref<3x!tpu.dma_semaphore, #tpu.memory_space<semaphore_mem>> -> memref<1x!tpu.dma_semaphore, #tpu.memory_space<semaphore_mem>>
    %dma_wait3A_703 = tpu.memref_squeeze %dma_wait3A_702 : memref<1x!tpu.dma_semaphore, #tpu.memory_space<semaphore_mem>> -> memref<!tpu.dma_semaphore, #tpu.memory_space<semaphore_mem>>
    tpu.wait_indirect_dma semaphore(%dma_wait3A_703 : memref<!tpu.dma_semaphore, #tpu.memory_space<semaphore_mem>>) src(%arg12 : memref<120x128xf32, #tpu.memory_space<vmem>>) dst(%dma_wait3A_701 : memref<10000x128xf32, #tpu.memory_space<vmem_shared>>)
    %barrier3A_704 = arith.constant 0 : index
    tpu.barrier barrier_id(%barrier3A_704)
    %mul3A_705 = arith.constant 624 : i32
    %mul3A_706 = arith.muli %arg1, %mul3A_705 : i32
    %mul3A_707 = arith.constant 624 : i32
    %mul3A_708 = arith.muli %arg1, %mul3A_707 : i32
    "tpu.region"() ({
      %run_scoped3A = tpu.sem_alloc : memref<!tpu.dma_semaphore, #tpu.memory_space<semaphore_mem>>
      %dma_start3A_711 = arith.constant 0 : i32
      %dma_start3A_712 = tpu.memref_slice %arg5[%arg0, %mul3A_708, %dma_start3A_711] : memref<2x10000x128xf32, #tpu.memory_space<hbm>> -> memref<1x624x128xf32, #tpu.memory_space<hbm>>
      %dma_start3A_713 = tpu.memref_squeeze %dma_start3A_712 : memref<1x624x128xf32, #tpu.memory_space<hbm>> -> memref<624x128xf32, #tpu.memory_space<hbm>>
      %dma_start3A_714 = arith.constant 0 : i32
      %dma_start3A_715 = tpu.memref_slice %arg16[%mul3A_706, %dma_start3A_714] : memref<10000x128xf32, #tpu.memory_space<vmem_shared>> -> memref<624x128xf32, #tpu.memory_space<vmem_shared>>
      tpu.enqueue_dma source(%dma_start3A_715 : memref<624x128xf32, #tpu.memory_space<vmem_shared>>) target(%dma_start3A_713 : memref<624x128xf32, #tpu.memory_space<hbm>>) target_semaphore(%run_scoped3A : memref<!tpu.dma_semaphore, #tpu.memory_space<semaphore_mem>>)
      %dma_wait3A_716 = arith.constant 0 : i32
      %dma_wait3A_717 = tpu.memref_slice %arg5[%arg0, %mul3A_708, %dma_wait3A_716] : memref<2x10000x128xf32, #tpu.memory_space<hbm>> -> memref<1x624x128xf32, #tpu.memory_space<hbm>>
      %dma_wait3A_718 = tpu.memref_squeeze %dma_wait3A_717 : memref<1x624x128xf32, #tpu.memory_space<hbm>> -> memref<624x128xf32, #tpu.memory_space<hbm>>
      %dma_wait3A_719 = arith.constant 0 : i32
      %dma_wait3A_720 = tpu.memref_slice %arg16[%mul3A_706, %dma_wait3A_719] : memref<10000x128xf32, #tpu.memory_space<vmem_shared>> -> memref<624x128xf32, #tpu.memory_space<vmem_shared>>
      tpu.wait_dma2 semaphore(%run_scoped3A : memref<!tpu.dma_semaphore, #tpu.memory_space<semaphore_mem>>) src(%dma_wait3A_720 : memref<624x128xf32, #tpu.memory_space<vmem_shared>>) dst(%dma_wait3A_718 : memref<624x128xf32, #tpu.memory_space<hbm>>)
      tpu.yield
    }) : () -> ()
    %eq3A = arith.constant 0 : i32
    %eq3A_709 = arith.cmpi eq, %arg1, %eq3A : i32
    %convert_element_type3A = arith.extui %eq3A_709 : i1 to i32
    %cond3A = arith.constant 0 : i32
    %cond3A_710 = arith.cmpi ne, %convert_element_type3A, %cond3A : i32
    scf.if %cond3A_710 {
      "tpu.region"() ({
        %run_scoped3A = tpu.sem_alloc : memref<!tpu.dma_semaphore, #tpu.memory_space<semaphore_mem>>
        %dma_start3A_711 = arith.constant 9984 : i32
        %dma_start3A_712 = arith.constant 0 : i32
        %dma_start3A_713 = tpu.memref_slice %arg5[%arg0, %dma_start3A_711, %dma_start3A_712] : memref<2x10000x128xf32, #tpu.memory_space<hbm>> -> memref<1x16x128xf32, #tpu.memory_space<hbm>>
        %dma_start3A_714 = tpu.memref_squeeze %dma_start3A_713 : memref<1x16x128xf32, #tpu.memory_space<hbm>> -> memref<16x128xf32, #tpu.memory_space<hbm>>
        %dma_start3A_715 = arith.constant 9984 : i32
        %dma_start3A_716 = arith.constant 0 : i32
        %dma_start3A_717 = tpu.memref_slice %arg16[%dma_start3A_715, %dma_start3A_716] : memref<10000x128xf32, #tpu.memory_space<vmem_shared>> -> memref<16x128xf32, #tpu.memory_space<vmem_shared>>
        tpu.enqueue_dma source(%dma_start3A_717 : memref<16x128xf32, #tpu.memory_space<vmem_shared>>) target(%dma_start3A_714 : memref<16x128xf32, #tpu.memory_space<hbm>>) target_semaphore(%run_scoped3A : memref<!tpu.dma_semaphore, #tpu.memory_space<semaphore_mem>>)
        %dma_wait3A_718 = arith.constant 9984 : i32
        %dma_wait3A_719 = arith.constant 0 : i32
        %dma_wait3A_720 = tpu.memref_slice %arg5[%arg0, %dma_wait3A_718, %dma_wait3A_719] : memref<2x10000x128xf32, #tpu.memory_space<hbm>> -> memref<1x16x128xf32, #tpu.memory_space<hbm>>
        %dma_wait3A_721 = tpu.memref_squeeze %dma_wait3A_720 : memref<1x16x128xf32, #tpu.memory_space<hbm>> -> memref<16x128xf32, #tpu.memory_space<hbm>>
        %dma_wait3A_722 = arith.constant 9984 : i32
        %dma_wait3A_723 = arith.constant 0 : i32
        %dma_wait3A_724 = tpu.memref_slice %arg16[%dma_wait3A_722, %dma_wait3A_723] : memref<10000x128xf32, #tpu.memory_space<vmem_shared>> -> memref<16x128xf32, #tpu.memory_space<vmem_shared>>
        tpu.wait_dma2 semaphore(%run_scoped3A : memref<!tpu.dma_semaphore, #tpu.memory_space<semaphore_mem>>) src(%dma_wait3A_724 : memref<16x128xf32, #tpu.memory_space<vmem_shared>>) dst(%dma_wait3A_721 : memref<16x128xf32, #tpu.memory_space<hbm>>)
        tpu.yield
      }) : () -> ()
    } else {
    }
    return
  }
}

module attributes {stable_mosaic.version = 14 : i64} {
  func.func @_tc_linear_body(%arg0: i32, %arg1: memref<2x1000x128xf32, #tpu.memory_space<vmem>>, %arg2: memref<16x128xf32, #tpu.memory_space<vmem>>, %arg3: memref<128x128xf32, #tpu.memory_space<vmem>>, %arg4: memref<1x128xf32, #tpu.memory_space<vmem>>, %arg5: memref<1000x128xf32, #tpu.memory_space<vmem>>) attributes {dimension_semantics = [#tpu.dimension_semantics<arbitrary>], iteration_bounds = array<i64: 10>, scalar_prefetch = 0 : i64, scratch_operands = 0 : i64, tpu.core_type = #tpu.core_type<tc>, window_params = [{transform_indices = @transform_0, window_bounds = array<i64: 2, 1000, 128>}, {pipeline_mode = #tpu.pipeline_mode<synchronous>, transform_indices = @transform_1, window_bounds = array<i64: 16, 128>}, {pipeline_mode = #tpu.pipeline_mode<synchronous>, transform_indices = @transform_2, window_bounds = array<i64: 128, 128>}, {pipeline_mode = #tpu.pipeline_mode<synchronous>, transform_indices = @transform_3, window_bounds = array<i64: 1, 128>}, {transform_indices = @transform_4, window_bounds = array<i64: 1000, 128>}]} {
    %get3A = arith.constant 0 : index
    %get3A_0 = arith.constant 0 : index
    %get3A_1 = arith.constant 0 : index
    %get3A_2 = vector.load %arg1[%get3A, %get3A_0, %get3A_1] : memref<2x1000x128xf32, #tpu.memory_space<vmem>>, vector<1x1000x128xf32>
    %get3A_3 = vector.shape_cast %get3A_2 : vector<1x1000x128xf32> to vector<1000x128xf32>
    %get3A_4 = arith.constant 1 : index
    %get3A_5 = arith.constant 0 : index
    %get3A_6 = arith.constant 0 : index
    %get3A_7 = vector.load %arg1[%get3A_4, %get3A_5, %get3A_6] : memref<2x1000x128xf32, #tpu.memory_space<vmem>>, vector<1x1000x128xf32>
    %get3A_8 = vector.shape_cast %get3A_7 : vector<1x1000x128xf32> to vector<1000x128xf32>
    %add3A = arith.addf %get3A_3, %get3A_8 : vector<1000x128xf32>
    %get3A_9 = arith.constant 0 : index
    %get3A_10 = arith.constant 0 : index
    %get3A_11 = vector.load %arg2[%get3A_9, %get3A_10] : memref<16x128xf32, #tpu.memory_space<vmem>>, vector<16x128xf32>
    %mul3A = arith.constant 1.600000e+02 : f32
    %mul3A_12 = vector.broadcast %mul3A : f32 to vector<16x128xf32>
    %mul3A_13 = arith.mulf %get3A_11, %mul3A_12 : vector<16x128xf32>
    %broadcast_in_dim3A = arith.constant 0.000000e+00 : f32
    %broadcast_in_dim3A_14 = vector.broadcast %broadcast_in_dim3A : f32 to vector<984x128xf32>
    %concatenate3A = tpu.concatenate %mul3A_13, %broadcast_in_dim3A_14 in 0 : vector<16x128xf32>, vector<984x128xf32> -> vector<1000x128xf32>
    %eq3A = arith.constant 0 : i32
    %eq3A_15 = arith.cmpi eq, %arg0, %eq3A : i32
    %jit3A = arith.constant 1.000000e+00 : f32
    %jit3A_16 = arith.constant 0.000000e+00 : f32
    %select_n3A = arith.select %eq3A_15, %jit3A, %jit3A_16 : f32
    %mul3A_17 = vector.broadcast %select_n3A : f32 to vector<1000x128xf32>
    %mul3A_18 = arith.mulf %mul3A_17, %concatenate3A : vector<1000x128xf32>
    %sub3A = arith.subf %add3A, %mul3A_18 : vector<1000x128xf32>
    %get3A_19 = arith.constant 0 : index
    %get3A_20 = arith.constant 0 : index
    %get3A_21 = vector.load %arg3[%get3A_19, %get3A_20] : memref<128x128xf32, #tpu.memory_space<vmem>>, vector<128x128xf32>
    %dot_general3A = arith.constant dense<0.000000e+00> : vector<1000x128xf32>
    %dot_general3A_22 = tpu.matmul %sub3A, %get3A_21, %dot_general3A {dimension_numbers = #tpu.dot_dimension_numbers<[1], [1], [0], [0], [0, 0, 1, 0], [], []>, transpose_lhs_hint = false} : vector<1000x128xf32>, vector<128x128xf32>, vector<1000x128xf32> -> vector<1000x128xf32>
    %get3A_23 = arith.constant 0 : index
    %get3A_24 = arith.constant 0 : index
    %get3A_25 = vector.load %arg4[%get3A_23, %get3A_24] : memref<1x128xf32, #tpu.memory_space<vmem>>, vector<1x128xf32>
    %add3A_26 = vector.broadcast %get3A_25 : vector<1x128xf32> to vector<1000x128xf32>
    %add3A_27 = arith.addf %dot_general3A_22, %add3A_26 : vector<1000x128xf32>
    %max3A = arith.constant 0.000000e+00 : f32
    %max3A_28 = vector.broadcast %max3A : f32 to vector<1000x128xf32>
    %max3A_29 = arith.maximumf %add3A_27, %max3A_28 : vector<1000x128xf32>
    %swap3A = arith.constant 0 : index
    %swap3A_30 = arith.constant 0 : index
    %swap3A_31 = vector.load %arg5[%swap3A, %swap3A_30] : memref<1000x128xf32, #tpu.memory_space<vmem>>, vector<1000x128xf32>
    tpu.vector_store %arg5[%swap3A, %swap3A_30], %max3A_29 {strides = array<i32>} : memref<1000x128xf32, #tpu.memory_space<vmem>>, vector<1000x128xf32>,
    return
  }
  func.func @transform_0(%arg0: i32) -> (i32, i32, i32) {
    %c0_i32 = arith.constant 0 : i32
    %c0_i32_0 = arith.constant 0 : i32
    %c0_i32_1 = arith.constant 0 : i32
    return %c0_i32, %arg0, %c0_i32_0 : i32, i32, i32
  }
  func.func @transform_1(%arg0: i32) -> (i32, i32) {
    %c0_i32 = arith.constant 0 : i32
    %c0_i32_0 = arith.constant 0 : i32
    %c0_i32_1 = arith.constant 0 : i32
    return %c0_i32, %c0_i32_0 : i32, i32
  }
  func.func @transform_2(%arg0: i32) -> (i32, i32) {
    %c0_i32 = arith.constant 0 : i32
    %c0_i32_0 = arith.constant 0 : i32
    %c0_i32_1 = arith.constant 0 : i32
    return %c0_i32, %c0_i32_0 : i32, i32
  }
  func.func @transform_3(%arg0: i32) -> (i32, i32) {
    %c0_i32 = arith.constant 0 : i32
    %c0_i32_0 = arith.constant 0 : i32
    %c0_i32_1 = arith.constant 0 : i32
    return %c0_i32, %c0_i32_0 : i32, i32
  }
  func.func @transform_4(%arg0: i32) -> (i32, i32) {
    %c0_i32 = arith.constant 0 : i32
    %c0_i32_0 = arith.constant 0 : i32
    return %arg0, %c0_i32 : i32, i32
  }
}

</mosaic_0001>

<sc_bundles>
// kernel: kernel.4.cloned.1.call-start
scs
__scs_entry_jumppad:
0x0: {  	(pc) =	sbr.rel $0x88, $3  }
0x1: {  	(tag) =	ssettag $0x0;
	lr =	simm.s32 $0x1  }
0x2: {  	[smem:$0x3F9D] =	sst lr;
	_ =	strace $0xD0000000  }
0x3: {  	_ = 	snop  }
0x4: {  	_ = 	snop  }
0x5: {  	_ = 	snop  }
0x6: {  	_ = 	snop  }
0x7: {  	_ = 	snop  }
__scs_overlays_trampoline_lowered:
0x8: {  	[smem:$0x3FAC] =	sst s0  }
0x9: {  	[smem:$0x3FAD] =	sst s1  }
0xa: {  	[smem:$0x3FAE] =	sst s2  }
0xb: {  	[smem:$0x3FAF] =	sst s3  }
0xc: {  	[smem:$0x3FB0] =	sst s4  }
0xd: {  	[smem:$0x3FB1] =	sst s5  }
0xe: {  	[smem:$0x3FB2] =	sst s6  }
0xf: {  	[smem:$0x3FB3] =	sst s7  }
0x10: {  	[smem:$0x3FB4] =	sst s8  }
0x11: {  	[smem:$0x3FB5] =	sst s9;
	s0 =	simm.s32 @!p0 $0x0  }
0x12: {  	s1 =	sld [smem:$0x3F9B];
	s0 =	simm.s32 @p0 $0x1  }
0x13: {  	[smem:$0x3FB6] =	sst s0;
	s0 =	simm.s32 @!p1 $0x0  }
0x14: {  	s2 =	sld [smem:$0x3F9A];
	s0 =	simm.s32 @p1 $0x1  }
0x15: {  	[smem:$0x3FB7] =	sst s0;
	s0 =	simm.s32 @!p2 $0x0  }
0x16: {  	s3 =	sld [smem:$0x3FDB];
	s0 =	simm.s32 @p2 $0x1  }
0x17: {  	s4 =	simm.s32 $0x1BF5;
	[smem:$0x3FB9] =	sst s0  }
0x18: {  	s0 =	sld [smem:$0x3F9C];
	_ =	swait.ge [sflag:s4], $0x0  }
0x19: {  	s7 =	sld [smem:$0x3F9D]  }
0x1a: {  	s8 =	sadd.s32 $0xFFFFE003, lr  }
0x1b: {  	s9 =	sadd.s32 $0xFFFFFEF7, lr;
	s5 =	simm.s32 $0xFFFFFFFF;
	p2 =	slt.u32 s8, $0xFFFFF086  }
0x1c: {  	p1 =	slt.u32 s9, $0xF7A;
	s5 =	simm.s32 @!p2 $0x0  }
0x1d: {  	s5 =	simm.s32 @p1 $0x1;
	p0 =	seq.s32 s7, s2  }
0x1e: {  	s7 =	smul.u32 @!p0 $0xF7A, s2;
	p2 =	seq.s32 @!p0 s5, $0x0  }
0x1f: {  	s9 =	smul.u32 $0xF7A, s1;
	s8 =	simm.s32 @!p0 $0x1BF5;
	p2 =	por !p2, p0  }
0x20: {  	[sflag:s8] =	ssyncset.s32 @!p0 $0xFFFFF086;
	s6 =	sadd.s32 @!p0 s3, s7;
	s7 =	simm.s32 @!p0 $0x108  }
0x21: {  	s3 =	sadd.s32 s3, s9;
	s6 =	sadd.s32 @!p0 $0x88, s6;
	s7 =	simm.s32 @p2 $0x1082  }
0x22: {  	[simem:s7], [sflag:s8] =	dma.local @!p0 [hbm:s6], $0xF7A  }
0x23: {  	s9 =	sor.u32 $0xD0000000, s2;
	s6 =	simm.s32 $0x108;
	_ =	swait.ge @!p0 [sflag:s8], $0x0  }
0x24: {  	s3 =	sadd.s32 $0x88, s3;
	s6 =	simm.s32 @!p1 $0x1082;
	[sflag:s4] =	ssyncset.s32 $0xFFFFF086  }
0x25: {  	[simem:s6], [sflag:s4] =	dma.local [hbm:s3], $0xF7A  }
0x26: {  	[smem:$0x3F9D] =	sst s1;
	(tag) =	ssettag s2;
	_ =	strace s9  }
0x27: {  	s1 =	sld [smem:$0x3FAD]  }
0x28: {  	s2 =	sld [smem:$0x3FAE]  }
0x29: {  	s4 =	sld [smem:$0x3FB0]  }
0x2a: {  	p0 =	seq.s32 s5, $0x0;
	s5 =	sld [smem:$0x3FB1]  }
0x2b: {  	s6 =	sld [smem:$0x3FB2]  }
0x2c: {  	s7 =	sld [smem:$0x3FB3]  }
0x2d: {  	s3 =	simm.s32 $0x108;
	s8 =	sld [smem:$0x3FB4]  }
0x2e: {  	s3 =	simm.s32 @!p0 $0x1082;
	s9 =	sld [smem:$0x3FB5]  }
0x2f: {  	lr =	sadd.s32 s0, s3;
	s0 =	sld [smem:$0x3FAC]  }
0x30: {  	s3 =	sld [smem:$0x3FAF]  }
0x31: {  	[smem:$0x3FB8] =	sst s10  }
0x32: {  	s10 =	sld [smem:$0x3FB6];
	_ =	sdelay $0x3  }
0x33: {  	p0 =	seq.s32 s10, $0x1;
	s10 =	sld [smem:$0x3FB8];
	_ =	sdelay $0x3  }
0x34: {  	[smem:$0x3FB8] =	sst s10  }
0x35: {  	s10 =	sld [smem:$0x3FB7];
	_ =	sdelay $0x3  }
0x36: {  	p1 =	seq.s32 s10, $0x1;
	s10 =	sld [smem:$0x3FB8];
	_ =	sdelay $0x3  }
0x37: {  	[smem:$0x3FB8] =	sst s10  }
0x38: {  	s10 =	sld [smem:$0x3FB9]  }
0x39: {  	_ = 	snop;
	(pc) =	sbr.ind lr, $3  }
0x3a: {  	_ = 	snop  }
0x3b: {  	_ = 	snop  }
0x3c: {  	p2 =	seq.s32 s10, $0x1;
	s10 =	sld [smem:$0x3FB8]  }
0x3d: {  	_ =	shalt  }
0x3e: {  	_ =	shalt  }
0x3f: {  	_ =	shalt  }
0x40: {  	_ =	shalt  }
0x41: {  	_ =	shalt  }
0x42: {  	_ =	shalt  }
0x43: {  	_ =	shalt  }
0x44: {  	_ =	shalt  }
0x45: {  	_ =	shalt  }
0x46: {  	_ =	shalt  }
0x47: {  	_ =	shalt  }
0x48: {  	_ =	shalt  }
0x49: {  	_ =	shalt  }
0x4a: {  	_ =	shalt  }
0x4b: {  	_ =	shalt  }
0x4c: {  	_ =	shalt  }
0x4d: {  	_ =	shalt  }
0x4e: {  	_ =	shalt  }
0x4f: {  	_ =	shalt  }
0x50: {  	_ =	shalt  }
0x51: {  	_ =	shalt  }
0x52: {  	_ =	shalt  }
0x53: {  	_ =	shalt  }
0x54: {  	_ =	shalt  }
0x55: {  	_ =	shalt  }
0x56: {  	_ =	shalt  }
0x57: {  	_ =	shalt  }
0x58: {  	_ =	shalt  }
0x59: {  	_ =	shalt  }
0x5a: {  	_ =	shalt  }
0x5b: {  	_ =	shalt  }
0x5c: {  	_ =	shalt  }
0x5d: {  	_ =	shalt  }
0x5e: {  	_ =	shalt  }
0x5f: {  	_ =	shalt  }
0x60: {  	_ =	shalt  }
0x61: {  	_ =	shalt  }
0x62: {  	_ =	shalt  }
0x63: {  	_ =	shalt  }
0x64: {  	_ =	shalt  }
0x65: {  	_ =	shalt  }
0x66: {  	_ =	shalt  }
0x67: {  	_ =	shalt  }
0x68: {  	_ =	shalt  }
0x69: {  	_ =	shalt  }
0x6a: {  	_ =	shalt  }
0x6b: {  	_ =	shalt  }
0x6c: {  	_ =	shalt  }
0x6d: {  	_ =	shalt  }
0x6e: {  	_ =	shalt  }
0x6f: {  	_ =	shalt  }
0x70: {  	_ =	shalt  }
0x71: {  	_ =	shalt  }
0x72: {  	_ =	shalt  }
0x73: {  	_ =	shalt  }
0x74: {  	_ =	shalt  }
0x75: {  	_ =	shalt  }
0x76: {  	_ =	shalt  }
0x77: {  	_ =	shalt  }
0x78: {  	_ =	shalt  }
0x79: {  	_ =	shalt  }
0x7a: {  	_ =	shalt  }
0x7b: {  	_ =	shalt  }
0x7c: {  	_ =	shalt  }
0x7d: {  	_ =	shalt  }
0x7e: {  	_ =	shalt  }
0x7f: {  	_ =	shalt  }
0x80: {  	_ =	shalt  }
0x81: {  	_ =	shalt  }
0x82: {  	_ =	shalt  }
0x83: {  	_ =	shalt  }
0x84: {  	_ =	shalt  }
0x85: {  	_ =	shalt  }
0x86: {  	_ =	shalt  }
0x87: {  	_ =	shalt  }
.Lfunc_end0:
.L_simem_size_0:
called_computation_lowered:
.L_overlay_start_0:
0x88: {  	s2 =	sld [smem:$0x3FD9]  }
0x89: {  	s3 =	sld [smem:$0x3FFE];
	_ =	sdelay $0x1  }
0x8a: {  	s1 =	srdreg.scid  }
0x8b: {  	s0 =	sand.u32 $0x1, s1  }
0x8c: {  	s17 =	sshll.u32 s0, $0xA;
	s2 =	sadd.s32 s3, s2  }
0x8d: {  	s2 =	sadd.s32 s2, s17  }
0x8e: {  	[smem:$0x3FC4] =	sst s2  }
0x8f: {  	_ = 	snop  }
0x90: {  	s2 =	sld [smem:$0x3FC9]  }
0x91: {  	s18 =	sld [smem:$0x3FD0];
	(tm) =	ssettm $0x1  }
0x92: {  	s4 =	sld [smem:$0x3FFB];
	_ =	sdelay $0x3  }
0x93: {  	_ =	strace s4  }
0x94: {  	s4 =	sld [smem:$0x3FFC];
	_ =	sdelay $0x3  }
0x95: {  	_ =	strace s4  }
0x96: {  	s4 =	sld [smem:$0x3FFD];
	_ =	sdelay $0x3  }
0x97: {  	_ =	strace s4  }
0x98: {  	_ =	strace $0x8FFFFFFF  }
0x99: {  	s19 =	sld [smem:$0x3FDB];
	_ =	sdelay $0x1  }
0x9a: {  	s5 =	simm.s32 $_scs_section_size  }
0x9b: {  	s6 =	simm.s32 $_size__tile_overlayer_lowered;
	s7 =	simm.s32 $_tile_overlayer_lowered  }
0x9c: {  	s22 =	simm.s32 $0x1BFF;
	s21 =	sshll.u32 s7, $0x1;
	s4 =	sadd.s32 s5, s19  }
0x9d: {  	s8 =	simm.s32 $0x0;
	s20 =	sshll.u32 s6, $0x1;
	s6 =	sadd.s32 s21, s4  }
0x9e: {  	[timem:s8], [sflag:s22] =	dma.local [hbm:s6], s20  }
0x9f: {  	_ =	swait.ge [sflag:s22], s20  }
0xa0: {  	s5 =	ssub.s32 $0x0, s20;
	[sflag:s22] =	ssyncset.done $0x0  }
0xa1: {  	[sflag:s22] =	ssyncadd.s32 s5;
	_ =	sdelay $0x1  }
0xa2: {  	s23 =	simm.s32 $0x1B8B  }
0xa3: {  	_ =	swait.ge [sflag:s23], $0x1  }
0xa4: {  	[sflag:s23] =	ssyncset.done $0x0  }
0xa5: {  	s25 =	simm.s32 $0x1B8E;
	s24 =	sld [smem:$0x3FFE];
	[sflag:s23] =	ssyncadd.s32 $0xFFFFFFFF  }
0xa6: {  	s26 =	simm.s32 $execute0_lowered;
	[smem:$0x3FD2] =	sst s25  }
0xa7: {  	s6 =	sshll.u32 s26, $0x1;
	_ =	strace $0x80000046;
	[dreg:$0x1] =	wrdreg $0xFFFFFFFF  }
0xa8: {  	s28 =	simm.s32 $_size_execute0_lowered;
	s4 =	sadd.s32 s4, s6;
	[dreg:$0x0] =	wrdreg $0x0  }
0xa9: {  	s6 =	sshll.u32 s28, $0x1;
	[dreg:$0x2] =	wrdreg s4  }
0xaa: {  	[dreg:$0x3] =	wrdreg s6  }
0xab: {  	[dreg:$0x4] =	wrdreg $0xC0  }
0xac: {  	_ =	task [dreg:s8], $0x5FFFF  }
0xad: {  	[dreg:$0x1] =	wrdreg $0xFFFFFFFF  }
0xae: {  	[dreg:$0x0] =	wrdreg $0x60  }
0xaf: {  	[dreg:$0x2] =	wrdreg s2  }
0xb0: {  	[dreg:$0x3] =	wrdreg s18  }
0xb1: {  	[dreg:$0x4] =	wrdreg s24  }
0xb2: {  	[dreg:$0x5] =	wrdreg $0xBC000  }
0xb3: {  	[dreg:$0x6] =	wrdreg $0x9  }
0xb4: {  	_ =	task.clear_ibuf [dreg:s8], $0x7FFFF;
	_ =	strace $0x90000046  }
0xb5: {  	s29 =	simm.s32 $0x9;
	_ =	strace $0x80000048  }
0xb6: {  	_ =	swait.ge [sflag:s29], $0x1  }
0xb7: {  	[sflag:s29] =	ssyncadd.s32 $0xFFFFFFFF  }
0xb8: {  	_ =	strace $0x90000048  }
0xb9: {  	_ =	sfence  }
0xba: {  	s30 =	sld [smem:$0x0];
	_ =	sdelay $0x2  }
0xbb: {  	s31 =	sshll.u32 s1, $0xD;
	s1 =	sshrl.u32 s1, $0x2  }
0xbc: {  	s3 =	sand.u32 $0x4000, s31;
	s1 =	sadd.s32 s1, s30  }
0xbd: {  	s0 =	sor.u32 s3, s0;
	s1 =	sshll.u32 s1, $0x11  }
0xbe: {  	s0 =	sor.u32 s1, s0  }
0xbf: {  	s0 =	sadd.s32 $0x8F2B, s0  }
0xc0: {  	[sflag:s0] =	ssyncadd.remote.s32 $0x1  }
0xc1: {  	_ =	sfence.sel $0xFFFF  }
0xc2: {  	[dreg:$0x0] =	wrdreg $0xFFFFFFFF;
	(pc) =	sbr.abs _section_cstart, $3  }
0xc3: {  	[dreg:$0x1] =	wrdreg $0xFFFFFFFF  }
0xc4: {  	_ =	task.clear_ibuf [dreg:s8], $0x2FFFF;
	_ =	strace $0x9FFFFFFF  }
0xc5: {  	(tm) =	ssettm $0x7FFFFFFF  }
tec
execute0_lowered:
.L_overlay_start_1:
0x0: {  	(tag) =	ssettag $0x1  }
0x1: {  	s1 =	rddreg [dreg:$0x0]  }
0x2: {  	s0 =	rddreg [dreg:$0x1]  }
0x3: {  	s4 =	rddreg [dreg:$0x2]  }
0x4: {  	s2 =	rddreg [dreg:$0x3];
	s3 =	simm.s32 $0x0  }
0x5: {  	s14 =	stileid.u32;
	s5 =	srdreg.scid;
	s28 =	simm.s32 $0x200  }
0x6: {  	s29 =	simm.s32 $0x600;
	s30 =	simm.s32 $0x1;
	s31 =	simm.s32 $0x78  }
0x7: {  	[smem:$0x7FF] =	sst s3;
	s6 =	smul.u32 $0x4E200, s14;
	s7 =	sadd.s32 $0x400, s4  }
0x8: {  	s4 =	sadd.s32 $0xE400, s4;
	s8 =	sand.u32 $0x1, s5;
	p0 =	sne.s32 s14, $0x0  }
0x9: {  	_ =	strace $0x80000047;
	s9 =	ssub.s32 $0x2, s8;
	s19 =	smul.u32 $0x138800, s8  }
0xa: {  	s5 =	sshll.u32 s8, $0x4;
	s8 =	smul.u32 $0x38000, s8;
	s6 =	sshrl.u32 s6, $0x2  }
0xb: {  	s10 =	sshrl.u32 s9, $0x1;
	s11 =	sor.u32 s14, s5;
	s12 =	sadd.s32 s6, s2  }
0xc: {  	s6 =	ssub.s32 s9, s10;
	s13 =	sadd.s32 $0x3C00, s12;
	[dreg:$0x9] =	wrdreg s12  }
0xd: {  	s15 =	smul.u32 $0x3800, s11;
	s16 =	sadd.s32 $0x7800, s12;
	[dreg:$0xa] =	wrdreg s13  }
0xe: {  	s10 =	sshrl.u32 s19, $0x3;
	s17 =	sadd.s32 $0xB400, s12;
	[dreg:$0xb] =	wrdreg s16  }
0xf: {  	s18 =	sadd.s32 $0xF000, s12;
	s5 =	sadd.s32 $0x12C00, s12;
	[dreg:$0xc] =	wrdreg s17  }
0x10: {  	s12 =	smul.u32 $0x3800, s14;
	[dreg:$0xd] =	wrdreg s18;
	s9 =	sshrl.u32 s15, $0x3  }
0x11: {  	[dreg:$0xe] =	wrdreg s5;
	s13 =	smul.u32 $0x13800, s14;
	s20 =	sadd.s32 s0, s9  }
0x12: {  	s21 =	sor.u32 $0x40, s9;
	s22 =	sadd.s32 s7, s9;
	s25 =	sadd.s32 $0x680, s9  }
0x13: {  	s8 =	sadd.s32 s12, s8;
	s9 =	sadd.s32 $0x6C0, s9;
	[dreg:$0xf] =	wrdreg s20  }
0x14: {  	[dreg:$0x10] =	wrdreg s22;
	s23 =	sadd.s32 s0, s21;
	s24 =	sadd.s32 s7, s21  }
0x15: {  	s26 =	sadd.s32 s0, s25;
	s15 =	sadd.s32 s7, s25;
	s16 =	sadd.s32 s13, s19  }
0x16: {  	s12 =	sor.u32 $0x600, s8;
	s19 =	smul.u32 $0x4E000, s14;
	[dreg:$0x11] =	wrdreg s23  }
0x17: {  	s21 =	sadd.s32 s0, s9;
	s8 =	sor.u32 $0x400, s8;
	[dreg:$0x12] =	wrdreg s24  }
0x18: {  	s22 =	sadd.s32 s7, s9;
	s25 =	smax.u32 s6, $0x1;
	[dreg:$0x13] =	wrdreg s26  }
0x19: {  	s6 =	simm.s32 $0x100;
	s13 =	simm.s32 $0x2;
	[dreg:$0x14] =	wrdreg s15  }
0x1a: {  	s14 =	simm.s32 $0x6;
	s11 =	sshrl.u32 s16, $0x3;
	[dreg:$0x16] =	wrdreg s21  }
0x1b: {  	s12 =	sshrl.u32 s12, $0x3;
	[dreg:$0x17] =	wrdreg s22;
	s8 =	sshrl.u32 s8, $0x3  }
0x1c: {  	[dreg:$0x19] =	wrdreg s25;
	s22 =	simm.s32 $0x800;
	s15 =	simm.s32 $0x7  }
0x1d: {  	s16 =	simm.s32 $0x280;
	s17 =	sadd.s32 s4, s11;
	s4 =	sadd.s32 s4, s10  }
0x1e: {  	s18 =	sadd.s32 s12, s7;
	s20 =	sadd.s32 s12, s0;
	s23 =	sshrl.u32 s19, $0x2  }
0x1f: {  	s24 =	sadd.s32 s8, s7;
	s0 =	sadd.s32 s8, s0;
	[dreg:$0x15] =	wrdreg s17  }
0x20: {  	s7 =	simm.s32 $0x8000;
	s8 =	simm.s32 $0x3;
	[dreg:$0x5] =	wrdreg s18  }
0x21: {  	s10 =	simm.s32 $0x480;
	s11 =	simm.s32 $0x5;
	[dreg:$0x6] =	wrdreg s20  }
0x22: {  	s12 =	simm.s32 $0x500;
	s19 =	simm.s32 $0x680;
	[dreg:$0x7] =	wrdreg s24  }
0x23: {  	s9 =	sadd.s32 s23, s2;
	s4 =	sadd.s32 $0x27000, s4;
	[dreg:$0x8] =	wrdreg s0  }
0x24: {  	s23 =	simm.s32 $0x9;
	s17 =	simm.s32 $0x8;
	s18 =	simm.s32 $0x300  }
0x25: {  	s20 =	simm.s32 $0x700;
	s24 =	simm.s32 $0x0;
	[dreg:$0x18] =	wrdreg s4  }
0x26: {  	s4 =	sadd.s32 $0x138000, s2;
	s26 =	sshrl.u32 s9, $0x3;
	s9 =	simm.s32 $0x4  }
0x27: {  	[dreg:$0x1a] =	wrdreg s26;
	s0 =	sshrl.u32 @!p0 s4, $0x3;
	s26 =	simm.s32 $0x400  }
0x28: {  	v0 =	vimm.f32 $0.0e+00;
	s4 =	simm.s32 $0x4400;
	[dreg:$0x1b] =	wrdreg s0;
	s0 =	simm.s32 $0x80  }
.LBB2_1:
0x29: {  	[dreg:$0x1c] =	wrdreg s24;
	s24 =	simm.s32 $0x70;
	s25 =	simm.s32 $0x3C0  }
.LBB2_2:
0x2a: {  	p1 =	sne.s32 s25, $0xEFC0;
	[tilespmem:s24+$0x800] =	vst v0  }
0x2b: {  	[tilespmem:s24+$0x790] =	vst v0  }
0x2c: {  	[tilespmem:s24+$0x7A0] =	vst v0  }
.Ltmp0:
0x2d: {  	[tilespmem:s24+$0x7B0] =	vst v0;
	(pc) =	sbr.rel @p1 .LBB2_2-.Ltmp0, $4  }
0x2e: {  	[tilespmem:s24+$0x7C0] =	vst v0  }
0x2f: {  	[tilespmem:s24+$0x7D0] =	vst v0  }
0x30: {  	[tilespmem:s24+$0x7E0] =	vst v0  }
0x31: {  	[tilespmem:s24+$0x7F0] =	vst v0;
	s24 =	sshra.s32 s25, $0x2;
	s25 =	sadd.s32 $0x200, s25  }
0x32: {  	[tilespmem:s24+$0x800] =	vst v0  }
0x33: {  	[tilespmem:s24+$0x790] =	vst v0  }
0x34: {  	[tilespmem:s24+$0x7A0] =	vst v0  }
0x35: {  	[tilespmem:s24+$0x7B0] =	vst v0  }
0x36: {  	[tilespmem:s24+$0x7C0] =	vst v0  }
0x37: {  	[tilespmem:s24+$0x7D0] =	vst v0  }
0x38: {  	[tilespmem:s24+$0x7E0] =	vst v0  }
0x39: {  	[tilespmem:s24+$0x7F0] =	vst v0;
	s5 =	rddreg [dreg:$0x9]  }
0x3a: {  	[spmem:s5] =	stream.linear.scatter [tilespmem:s22], [sflag:$0x9], $0x3C00, $0x38;
	[tilespmem:$0x1F480] =	vst v63  }
0x3b: {  	_ =	swait.ge [sflag:s23], $0x3C00  }
0x3c: {  	[sflag:s23] =	ssyncset.done $0x0  }
0x3d: {  	s24 =	rddreg [dreg:$0xa];
	[sflag:s23] =	ssyncadd.s32 $0xFFFFC400  }
0x3e: {  	[spmem:s24] =	stream.linear.scatter [tilespmem:s22], [sflag:$0x9], $0x3C00, $0x38;
	[tilespmem:$0x1F480] =	vst v63  }
0x3f: {  	_ =	swait.ge [sflag:s23], $0x3C00  }
0x40: {  	[sflag:s23] =	ssyncset.done $0x0  }
0x41: {  	s25 =	rddreg [dreg:$0xb];
	[sflag:s23] =	ssyncadd.s32 $0xFFFFC400  }
0x42: {  	[spmem:s25] =	stream.linear.scatter [tilespmem:s22], [sflag:$0x9], $0x3C00, $0x38;
	[tilespmem:$0x1F480] =	vst v63  }
0x43: {  	_ =	swait.ge [sflag:s23], $0x3C00  }
0x44: {  	[sflag:s23] =	ssyncset.done $0x0  }
0x45: {  	s21 =	rddreg [dreg:$0xc];
	[sflag:s23] =	ssyncadd.s32 $0xFFFFC400  }
0x46: {  	[spmem:s21] =	stream.linear.scatter [tilespmem:s22], [sflag:$0x9], $0x3C00, $0x38;
	[tilespmem:$0x1F480] =	vst v63  }
0x47: {  	_ =	swait.ge [sflag:s23], $0x3C00  }
0x48: {  	[sflag:s23] =	ssyncset.done $0x0  }
0x49: {  	s24 =	rddreg [dreg:$0xd];
	[sflag:s23] =	ssyncadd.s32 $0xFFFFC400  }
0x4a: {  	[spmem:s24] =	stream.linear.scatter [tilespmem:s22], [sflag:$0x9], $0x3C00, $0x38;
	[tilespmem:$0x1F480] =	vst v63  }
0x4b: {  	_ =	swait.ge [sflag:s23], $0x3C00  }
0x4c: {  	[sflag:s23] =	ssyncset.done $0x0  }
0x4d: {  	s25 =	rddreg [dreg:$0xe];
	[sflag:s23] =	ssyncadd.s32 $0xFFFFC400  }
0x4e: {  	[spmem:s25] =	stream.linear.scatter [tilespmem:s22], [sflag:$0x9], $0xC80, $0x38;
	[tilespmem:$0x1F480] =	vst v63  }
0x4f: {  	_ =	swait.ge [sflag:s23], $0xC80  }
0x50: {  	[sflag:s23] =	ssyncset.done $0x0  }
0x51: {  	[sflag:s23] =	ssyncadd.s32 $0xFFFFF380  }
0x52: {  	[bflag:$0x0] =	sbarrier.arrive $0xFFFF  }
0x53: {  	s24 =	simm.s32 $0x0;
	s21 =	rddreg [dreg:$0xf]  }
0x54: {  	[tilespmem:s24], [sflag:$0x1] =	stream.linear.gather [hbm4b:s21+s24], $0x180, $0x38;
	[tilespmem:$0x1F480] =	vst v63  }
0x55: {  	s25 =	rddreg [dreg:$0x10]  }
0x56: {  	[tilespmem:s26], [sflag:$0x1] =	stream.linear.gather [hbm4b:s25+s24], $0x180, $0x38;
	[tilespmem:$0x1F480] =	vst v63  }
0x57: {  	s21 =	rddreg [dreg:$0x11]  }
0x58: {  	[tilespmem:s28], [sflag:$0x2] =	stream.linear.gather [hbm4b:s21+s24], $0x180, $0x38;
	[tilespmem:$0x1F480] =	vst v63  }
0x59: {  	s25 =	rddreg [dreg:$0x12]  }
0x5a: {  	[tilespmem:s29], [sflag:$0x2] =	stream.linear.gather [hbm4b:s25+s24], $0x180, $0x38;
	[tilespmem:$0x1F480] =	vst v63  }
0x5b: {  	_ =	swait.ge [sflag:s30], $0x180  }
0x5c: {  	[sflag:s30] =	ssyncset.done $0x0  }
0x5d: {  	[sflag:s30] =	ssyncadd.s32 $0xFFFFFE80  }
0x5e: {  	_ =	swait.ge [sflag:s30], $0x180  }
0x5f: {  	[sflag:s30] =	ssyncset.done $0x0  }
0x60: {  	[sflag:s30] =	ssyncadd.s32 $0xFFFFFE80  }
0x61: {  	[tilespmem:s22], [sflag:$0x3] =	stream.indirect.gather [hbm4b:s1+s31], $0x80, s24, s31, $0xb8;
	[tilespmem:$0x1F480] =	vst v63  }
0x62: {  	_ = 	snop  }
0x63: {  	[tilespmem:s4], [sflag:$0x4] =	stream.indirect.gather [hbm4b:s1+s31], $0x80, s0, s31, $0xb8;
	[tilespmem:$0x1F480] =	vst v63  }
0x64: {  	_ = 	snop  }
0x65: {  	[tilespmem:s7], [sflag:$0x5] =	stream.indirect.gather [hbm4b:s1+s31], $0x80, s6, s31, $0xb8;
	[tilespmem:$0x1F480] =	vst v63  }
0x66: {  	_ =	swait.ge [sflag:s8], $0x3C00  }
0x67: {  	[sflag:s8] =	ssyncset.done $0x0  }
0x68: {  	[sflag:s8] =	ssyncadd.s32 $0xFFFFC400  }
0x69: {  	[spmem:s2] =	stream.indirect.scatter.add.f32 [tilespmem:s22], [sflag:$0x6], $0x80, s26, s31, $0xb8;
	[tilespmem:$0x1F480] =	vst v63  }
0x6a: {  	_ =	swait.ge [sflag:s9], $0x3C00  }
0x6b: {  	[sflag:s9] =	ssyncset.done $0x0  }
0x6c: {  	[sflag:s9] =	ssyncadd.s32 $0xFFFFC400  }
0x6d: {  	[spmem:s2] =	stream.indirect.scatter.add.f32 [tilespmem:s4], [sflag:$0x7], $0x80, s10, s31, $0xb8;
	[tilespmem:$0x1F480] =	vst v63  }
0x6e: {  	_ =	swait.ge [sflag:s11], $0x3C00  }
0x6f: {  	[sflag:s11] =	ssyncset.done $0x0  }
0x70: {  	[sflag:s11] =	ssyncadd.s32 $0xFFFFC400  }
0x71: {  	[spmem:s2] =	stream.indirect.scatter.add.f32 [tilespmem:s7], [sflag:$0x8], $0x80, s12, s31, $0xb8;
	[tilespmem:$0x1F480] =	vst v63  }
0x72: {  	_ =	swait.ge [sflag:s13], $0x180  }
0x73: {  	[sflag:s13] =	ssyncset.done $0x0  }
0x74: {  	[sflag:s13] =	ssyncadd.s32 $0xFFFFFE80  }
0x75: {  	_ =	swait.ge [sflag:s13], $0x180  }
0x76: {  	[sflag:s13] =	ssyncset.done $0x0  }
0x77: {  	[sflag:s13] =	ssyncadd.s32 $0xFFFFFE80  }
0x78: {  	_ =	swait.ge [sflag:s14], $0x3C00  }
0x79: {  	[sflag:s14] =	ssyncset.done $0x0  }
0x7a: {  	[sflag:s14] =	ssyncadd.s32 $0xFFFFC400  }
0x7b: {  	[tilespmem:s22], [sflag:$0x3] =	stream.indirect.gather [hbm4b:s1+s31], $0x80, s28, s31, $0xb8;
	[tilespmem:$0x1F480] =	vst v63  }
0x7c: {  	_ =	swait.ge [sflag:s15], $0x3C00  }
0x7d: {  	[sflag:s15] =	ssyncset.done $0x0  }
0x7e: {  	[sflag:s15] =	ssyncadd.s32 $0xFFFFC400  }
0x7f: {  	[tilespmem:s4], [sflag:$0x4] =	stream.indirect.gather [hbm4b:s1+s31], $0x80, s16, s31, $0xb8;
	[tilespmem:$0x1F480] =	vst v63  }
0x80: {  	_ =	swait.ge [sflag:s17], $0x3C00  }
0x81: {  	[sflag:s17] =	ssyncset.done $0x0  }
0x82: {  	s21 =	rddreg [dreg:$0x8];
	[sflag:s17] =	ssyncadd.s32 $0xFFFFC400  }
0x83: {  	[tilespmem:s7], [sflag:$0x5] =	stream.indirect.gather [hbm4b:s1+s31], $0x80, s18, s31, $0xb8;
	[tilespmem:$0x1F480] =	vst v63  }
0x84: {  	s25 =	rddreg [dreg:$0x7];
	s24 =	sadd.s32 $0x0, s21  }
0x85: {  	[tilespmem:s3], [sflag:$0x1] =	stream.linear.gather [hbm4b:s24+s3], $0x180, $0x38;
	[tilespmem:$0x1F480] =	vst v63  }
0x86: {  	s25 =	sadd.s32 $0x0, s25  }
0x87: {  	[tilespmem:s26], [sflag:$0x1] =	stream.linear.gather [hbm4b:s25+s3], $0x180, $0x38;
	[tilespmem:$0x1F480] =	vst v63  }
0x88: {  	_ =	swait.ge [sflag:s8], $0x3C00  }
0x89: {  	[sflag:s8] =	ssyncset.done $0x0  }
0x8a: {  	[sflag:s8] =	ssyncadd.s32 $0xFFFFC400  }
0x8b: {  	[spmem:s2] =	stream.indirect.scatter.add.f32 [tilespmem:s22], [sflag:$0x6], $0x80, s29, s31, $0xb8;
	[tilespmem:$0x1F480] =	vst v63  }
0x8c: {  	_ =	swait.ge [sflag:s9], $0x3C00  }
0x8d: {  	[sflag:s9] =	ssyncset.done $0x0  }
0x8e: {  	[sflag:s9] =	ssyncadd.s32 $0xFFFFC400  }
0x8f: {  	[spmem:s2] =	stream.indirect.scatter.add.f32 [tilespmem:s4], [sflag:$0x7], $0x80, s19, s31, $0xb8;
	[tilespmem:$0x1F480] =	vst v63  }
0x90: {  	_ =	swait.ge [sflag:s11], $0x3C00  }
0x91: {  	[sflag:s11] =	ssyncset.done $0x0  }
0x92: {  	[sflag:s11] =	ssyncadd.s32 $0xFFFFC400  }
0x93: {  	[spmem:s2] =	stream.indirect.scatter.add.f32 [tilespmem:s7], [sflag:$0x8], $0x80, s20, s31, $0xb8;
	[tilespmem:$0x1F480] =	vst v63  }
0x94: {  	_ =	swait.ge [sflag:s30], $0x180  }
0x95: {  	[sflag:s30] =	ssyncset.done $0x0  }
0x96: {  	[sflag:s30] =	ssyncadd.s32 $0xFFFFFE80  }
0x97: {  	_ =	swait.ge [sflag:s30], $0x180  }
0x98: {  	[sflag:s30] =	ssyncset.done $0x0  }
0x99: {  	[sflag:s30] =	ssyncadd.s32 $0xFFFFFE80  }
0x9a: {  	_ =	swait.ge [sflag:s14], $0x3C00  }
0x9b: {  	[sflag:s14] =	ssyncset.done $0x0  }
0x9c: {  	[sflag:s14] =	ssyncadd.s32 $0xFFFFC400  }
0x9d: {  	[tilespmem:s22], [sflag:$0x3] =	stream.indirect.gather [hbm4b:s1+s31], $0x80, s3, s31, $0xb8;
	[tilespmem:$0x1F480] =	vst v63  }
0x9e: {  	_ =	swait.ge [sflag:s15], $0x3C00  }
0x9f: {  	[sflag:s15] =	ssyncset.done $0x0  }
0xa0: {  	[sflag:s15] =	ssyncadd.s32 $0xFFFFC400  }
0xa1: {  	[tilespmem:s4], [sflag:$0x4] =	stream.indirect.gather [hbm4b:s1+s31], $0x80, s0, s31, $0xb8;
	[tilespmem:$0x1F480] =	vst v63  }
0xa2: {  	_ =	swait.ge [sflag:s17], $0x3C00  }
0xa3: {  	[sflag:s17] =	ssyncset.done $0x0  }
0xa4: {  	s5 =	rddreg [dreg:$0x6];
	[sflag:s17] =	ssyncadd.s32 $0xFFFFC400  }
0xa5: {  	[tilespmem:s7], [sflag:$0x5] =	stream.indirect.gather [hbm4b:s1+s31], $0x80, s6, s31, $0xb8;
	[tilespmem:$0x1F480] =	vst v63  }
0xa6: {  	s21 =	rddreg [dreg:$0x5];
	s24 =	sadd.s32 $0x0, s5  }
0xa7: {  	[tilespmem:s28], [sflag:$0x2] =	stream.linear.gather [hbm4b:s24+s3], $0x180, $0x38;
	[tilespmem:$0x1F480] =	vst v63  }
0xa8: {  	s25 =	sadd.s32 $0x0, s21;
	s24 =	simm.s32 $0x80  }
.LBB2_4:
0xa9: {  	[tilespmem:s29], [sflag:$0x2] =	stream.linear.gather [hbm4b:s25+s3], $0x180, $0x38;
	[tilespmem:$0x1F480] =	vst v63  }
0xaa: {  	_ =	swait.ge [sflag:s8], $0x3C00  }
0xab: {  	[sflag:s8] =	ssyncset.done $0x0  }
0xac: {  	[sflag:s8] =	ssyncadd.s32 $0xFFFFC400  }
0xad: {  	[spmem:s2] =	stream.indirect.scatter.add.f32 [tilespmem:s22], [sflag:$0x6], $0x80, s26, s31, $0xb8;
	[tilespmem:$0x1F480] =	vst v63  }
0xae: {  	_ =	swait.ge [sflag:s9], $0x3C00  }
0xaf: {  	[sflag:s9] =	ssyncset.done $0x0  }
0xb0: {  	[sflag:s9] =	ssyncadd.s32 $0xFFFFC400  }
0xb1: {  	[spmem:s2] =	stream.indirect.scatter.add.f32 [tilespmem:s4], [sflag:$0x7], $0x80, s10, s31, $0xb8;
	[tilespmem:$0x1F480] =	vst v63  }
0xb2: {  	_ =	swait.ge [sflag:s11], $0x3C00  }
0xb3: {  	[sflag:s11] =	ssyncset.done $0x0  }
0xb4: {  	[sflag:s11] =	ssyncadd.s32 $0xFFFFC400  }
0xb5: {  	[spmem:s2] =	stream.indirect.scatter.add.f32 [tilespmem:s7], [sflag:$0x8], $0x80, s12, s31, $0xb8;
	[tilespmem:$0x1F480] =	vst v63  }
0xb6: {  	_ =	swait.ge [sflag:s13], $0x180  }
0xb7: {  	[sflag:s13] =	ssyncset.done $0x0  }
0xb8: {  	[sflag:s13] =	ssyncadd.s32 $0xFFFFFE80  }
0xb9: {  	_ =	swait.ge [sflag:s13], $0x180  }
0xba: {  	[sflag:s13] =	ssyncset.done $0x0  }
0xbb: {  	[sflag:s13] =	ssyncadd.s32 $0xFFFFFE80  }
0xbc: {  	_ =	swait.ge [sflag:s14], $0x3C00  }
0xbd: {  	[sflag:s14] =	ssyncset.done $0x0  }
0xbe: {  	[sflag:s14] =	ssyncadd.s32 $0xFFFFC400  }
0xbf: {  	[tilespmem:s22], [sflag:$0x3] =	stream.indirect.gather [hbm4b:s1+s31], $0x80, s28, s31, $0xb8;
	[tilespmem:$0x1F480] =	vst v63  }
0xc0: {  	_ =	swait.ge [sflag:s15], $0x3C00  }
0xc1: {  	[sflag:s15] =	ssyncset.done $0x0  }
0xc2: {  	[sflag:s15] =	ssyncadd.s32 $0xFFFFC400  }
0xc3: {  	[tilespmem:s4], [sflag:$0x4] =	stream.indirect.gather [hbm4b:s1+s31], $0x80, s16, s31, $0xb8;
	[tilespmem:$0x1F480] =	vst v63  }
0xc4: {  	_ =	swait.ge [sflag:s17], $0x3C00  }
0xc5: {  	[sflag:s17] =	ssyncset.done $0x0  }
0xc6: {  	s25 =	smov.u32 s24;
	s5 =	rddreg [dreg:$0x8];
	[sflag:s17] =	ssyncadd.s32 $0xFFFFC400  }
0xc7: {  	[tilespmem:s7], [sflag:$0x5] =	stream.indirect.gather [hbm4b:s1+s31], $0x80, s18, s31, $0xb8;
	[tilespmem:$0x1F480] =	vst v63  }
0xc8: {  	s21 =	rddreg [dreg:$0x7];
	s5 =	sadd.s32 s25, s5  }
0xc9: {  	[tilespmem:s3], [sflag:$0x1] =	stream.linear.gather [hbm4b:s5+s3], $0x180, $0x38;
	[tilespmem:$0x1F480] =	vst v63  }
0xca: {  	s21 =	sadd.s32 s25, s21  }
0xcb: {  	[tilespmem:s26], [sflag:$0x1] =	stream.linear.gather [hbm4b:s21+s3], $0x180, $0x38;
	[tilespmem:$0x1F480] =	vst v63  }
0xcc: {  	_ =	swait.ge [sflag:s8], $0x3C00  }
0xcd: {  	[sflag:s8] =	ssyncset.done $0x0  }
0xce: {  	[sflag:s8] =	ssyncadd.s32 $0xFFFFC400  }
0xcf: {  	[spmem:s2] =	stream.indirect.scatter.add.f32 [tilespmem:s22], [sflag:$0x6], $0x80, s29, s31, $0xb8;
	[tilespmem:$0x1F480] =	vst v63  }
0xd0: {  	_ =	swait.ge [sflag:s9], $0x3C00  }
0xd1: {  	[sflag:s9] =	ssyncset.done $0x0  }
0xd2: {  	[sflag:s9] =	ssyncadd.s32 $0xFFFFC400  }
0xd3: {  	[spmem:s2] =	stream.indirect.scatter.add.f32 [tilespmem:s4], [sflag:$0x7], $0x80, s19, s31, $0xb8;
	[tilespmem:$0x1F480] =	vst v63  }
0xd4: {  	_ =	swait.ge [sflag:s11], $0x3C00  }
0xd5: {  	[sflag:s11] =	ssyncset.done $0x0  }
0xd6: {  	[sflag:s11] =	ssyncadd.s32 $0xFFFFC400  }
0xd7: {  	[spmem:s2] =	stream.indirect.scatter.add.f32 [tilespmem:s7], [sflag:$0x8], $0x80, s20, s31, $0xb8;
	[tilespmem:$0x1F480] =	vst v63  }
0xd8: {  	_ =	swait.ge [sflag:s30], $0x180  }
0xd9: {  	[sflag:s30] =	ssyncset.done $0x0  }
0xda: {  	[sflag:s30] =	ssyncadd.s32 $0xFFFFFE80  }
0xdb: {  	_ =	swait.ge [sflag:s30], $0x180  }
0xdc: {  	[sflag:s30] =	ssyncset.done $0x0  }
0xdd: {  	[sflag:s30] =	ssyncadd.s32 $0xFFFFFE80  }
0xde: {  	_ =	swait.ge [sflag:s14], $0x3C00  }
0xdf: {  	[sflag:s14] =	ssyncset.done $0x0  }
0xe0: {  	[sflag:s14] =	ssyncadd.s32 $0xFFFFC400  }
0xe1: {  	[tilespmem:s22], [sflag:$0x3] =	stream.indirect.gather [hbm4b:s1+s31], $0x80, s3, s31, $0xb8;
	[tilespmem:$0x1F480] =	vst v63  }
0xe2: {  	_ =	swait.ge [sflag:s15], $0x3C00  }
0xe3: {  	[sflag:s15] =	ssyncset.done $0x0  }
0xe4: {  	[sflag:s15] =	ssyncadd.s32 $0xFFFFC400  }
0xe5: {  	[tilespmem:s4], [sflag:$0x4] =	stream.indirect.gather [hbm4b:s1+s31], $0x80, s0, s31, $0xb8;
	[tilespmem:$0x1F480] =	vst v63  }
0xe6: {  	p1 =	sne.s32 s24, $0x580;
	_ =	swait.ge [sflag:s17], $0x3C00  }
.Ltmp1:
0xe7: {  	[sflag:s17] =	ssyncset.done $0x0;
	s5 =	rddreg [dreg:$0x6];
	(pc) =	sbr.rel @p1 .LBB2_4-.Ltmp1, $4  }
0xe8: {  	s21 =	rddreg [dreg:$0x5];
	[sflag:s17] =	ssyncadd.s32 $0xFFFFC400  }
0xe9: {  	[tilespmem:s7], [sflag:$0x5] =	stream.indirect.gather [hbm4b:s1+s31], $0x80, s6, s31, $0xb8;
	[tilespmem:$0x1F480] =	vst v63  }
0xea: {  	s24 =	sadd.s32 $0x80, s24;
	s5 =	sadd.s32 s25, s5;
	s25 =	sadd.s32 s25, s21  }
0xeb: {  	[tilespmem:s28], [sflag:$0x2] =	stream.linear.gather [hbm4b:s5+s3], $0x180, $0x38;
	[tilespmem:$0x1F480] =	vst v63  }
0xec: {  	[tilespmem:s29], [sflag:$0x2] =	stream.linear.gather [hbm4b:s25+s3], $0x180, $0x38;
	[tilespmem:$0x1F480] =	vst v63  }
0xed: {  	_ =	swait.ge [sflag:s8], $0x3C00  }
0xee: {  	[sflag:s8] =	ssyncset.done $0x0  }
0xef: {  	[sflag:s8] =	ssyncadd.s32 $0xFFFFC400  }
0xf0: {  	[spmem:s2] =	stream.indirect.scatter.add.f32 [tilespmem:s22], [sflag:$0x6], $0x80, s26, s31, $0xb8;
	[tilespmem:$0x1F480] =	vst v63  }
0xf1: {  	_ =	swait.ge [sflag:s9], $0x3C00  }
0xf2: {  	[sflag:s9] =	ssyncset.done $0x0  }
0xf3: {  	[sflag:s9] =	ssyncadd.s32 $0xFFFFC400  }
0xf4: {  	[spmem:s2] =	stream.indirect.scatter.add.f32 [tilespmem:s4], [sflag:$0x7], $0x80, s10, s31, $0xb8;
	[tilespmem:$0x1F480] =	vst v63  }
0xf5: {  	_ =	swait.ge [sflag:s11], $0x3C00  }
0xf6: {  	[sflag:s11] =	ssyncset.done $0x0  }
0xf7: {  	[sflag:s11] =	ssyncadd.s32 $0xFFFFC400  }
0xf8: {  	[spmem:s2] =	stream.indirect.scatter.add.f32 [tilespmem:s7], [sflag:$0x8], $0x80, s12, s31, $0xb8;
	[tilespmem:$0x1F480] =	vst v63  }
0xf9: {  	_ =	swait.ge [sflag:s13], $0x180  }
0xfa: {  	[sflag:s13] =	ssyncset.done $0x0  }
0xfb: {  	[sflag:s13] =	ssyncadd.s32 $0xFFFFFE80  }
0xfc: {  	_ =	swait.ge [sflag:s13], $0x180  }
0xfd: {  	[sflag:s13] =	ssyncset.done $0x0  }
0xfe: {  	[sflag:s13] =	ssyncadd.s32 $0xFFFFFE80  }
0xff: {  	_ =	swait.ge [sflag:s14], $0x3C00  }
0x100: {  	[sflag:s14] =	ssyncset.done $0x0  }
0x101: {  	[sflag:s14] =	ssyncadd.s32 $0xFFFFC400  }
0x102: {  	[tilespmem:s22], [sflag:$0x3] =	stream.indirect.gather [hbm4b:s1+s31], $0x80, s28, s31, $0xb8;
	[tilespmem:$0x1F480] =	vst v63  }
0x103: {  	_ =	swait.ge [sflag:s15], $0x3C00  }
0x104: {  	[sflag:s15] =	ssyncset.done $0x0  }
0x105: {  	[sflag:s15] =	ssyncadd.s32 $0xFFFFC400  }
0x106: {  	[tilespmem:s4], [sflag:$0x4] =	stream.indirect.gather [hbm4b:s1+s31], $0x80, s16, s31, $0xb8;
	[tilespmem:$0x1F480] =	vst v63  }
0x107: {  	_ =	swait.ge [sflag:s17], $0x3C00  }
0x108: {  	[sflag:s17] =	ssyncset.done $0x0  }
0x109: {  	[sflag:s17] =	ssyncadd.s32 $0xFFFFC400  }
0x10a: {  	[tilespmem:s7], [sflag:$0x5] =	stream.indirect.gather [hbm4b:s1+s31], $0x80, s18, s31, $0xb8;
	[tilespmem:$0x1F480] =	vst v63  }
0x10b: {  	s5 =	rddreg [dreg:$0x13]  }
0x10c: {  	[tilespmem:s3], [sflag:$0x1] =	stream.linear.gather [hbm4b:s5+s3], $0x180, $0x38;
	[tilespmem:$0x1F480] =	vst v63  }
0x10d: {  	s25 =	rddreg [dreg:$0x14]  }
0x10e: {  	[tilespmem:s26], [sflag:$0x1] =	stream.linear.gather [hbm4b:s25+s3], $0x180, $0x38;
	[tilespmem:$0x1F480] =	vst v63  }
0x10f: {  	_ =	swait.ge [sflag:s8], $0x3C00  }
0x110: {  	[sflag:s8] =	ssyncset.done $0x0  }
0x111: {  	[sflag:s8] =	ssyncadd.s32 $0xFFFFC400  }
0x112: {  	[spmem:s2] =	stream.indirect.scatter.add.f32 [tilespmem:s22], [sflag:$0x6], $0x80, s29, s31, $0xb8;
	[tilespmem:$0x1F480] =	vst v63  }
0x113: {  	_ =	swait.ge [sflag:s9], $0x3C00  }
0x114: {  	[sflag:s9] =	ssyncset.done $0x0  }
0x115: {  	[sflag:s9] =	ssyncadd.s32 $0xFFFFC400  }
0x116: {  	[spmem:s2] =	stream.indirect.scatter.add.f32 [tilespmem:s4], [sflag:$0x7], $0x80, s19, s31, $0xb8;
	[tilespmem:$0x1F480] =	vst v63  }
0x117: {  	_ =	swait.ge [sflag:s11], $0x3C00  }
0x118: {  	[sflag:s11] =	ssyncset.done $0x0  }
0x119: {  	[sflag:s11] =	ssyncadd.s32 $0xFFFFC400  }
0x11a: {  	[spmem:s2] =	stream.indirect.scatter.add.f32 [tilespmem:s7], [sflag:$0x8], $0x80, s20, s31, $0xb8;
	[tilespmem:$0x1F480] =	vst v63  }
0x11b: {  	_ =	swait.ge [sflag:s30], $0x180  }
0x11c: {  	[sflag:s30] =	ssyncset.done $0x0  }
0x11d: {  	[sflag:s30] =	ssyncadd.s32 $0xFFFFFE80  }
0x11e: {  	_ =	swait.ge [sflag:s30], $0x180  }
0x11f: {  	[sflag:s30] =	ssyncset.done $0x0  }
0x120: {  	[sflag:s30] =	ssyncadd.s32 $0xFFFFFE80  }
0x121: {  	_ =	swait.ge [sflag:s14], $0x3C00  }
0x122: {  	[sflag:s14] =	ssyncset.done $0x0  }
0x123: {  	[sflag:s14] =	ssyncadd.s32 $0xFFFFC400  }
0x124: {  	[tilespmem:s22], [sflag:$0x3] =	stream.indirect.gather [hbm4b:s1+s31], $0x80, s3, s31, $0xb8;
	[tilespmem:$0x1F480] =	vst v63  }
0x125: {  	_ =	swait.ge [sflag:s15], $0x3C00  }
0x126: {  	[sflag:s15] =	ssyncset.done $0x0  }
0x127: {  	[sflag:s15] =	ssyncadd.s32 $0xFFFFC400  }
0x128: {  	[tilespmem:s4], [sflag:$0x4] =	stream.indirect.gather [hbm4b:s1+s31], $0x80, s0, s31, $0xb8;
	[tilespmem:$0x1F480] =	vst v63  }
0x129: {  	_ =	swait.ge [sflag:s17], $0x3C00  }
0x12a: {  	[sflag:s17] =	ssyncset.done $0x0  }
0x12b: {  	[sflag:s17] =	ssyncadd.s32 $0xFFFFC400  }
0x12c: {  	[tilespmem:s7], [sflag:$0x5] =	stream.indirect.gather [hbm4b:s1+s31], $0x80, s6, s31, $0xb8;
	[tilespmem:$0x1F480] =	vst v63  }
0x12d: {  	s21 =	rddreg [dreg:$0x16]  }
0x12e: {  	[tilespmem:s28], [sflag:$0x2] =	stream.linear.gather [hbm4b:s21+s3], $0x180, $0x38;
	[tilespmem:$0x1F480] =	vst v63  }
0x12f: {  	s24 =	rddreg [dreg:$0x17]  }
0x130: {  	[tilespmem:s29], [sflag:$0x2] =	stream.linear.gather [hbm4b:s24+s3], $0x180, $0x38;
	[tilespmem:$0x1F480] =	vst v63  }
0x131: {  	_ =	swait.ge [sflag:s8], $0x3C00  }
0x132: {  	[sflag:s8] =	ssyncset.done $0x0  }
0x133: {  	[sflag:s8] =	ssyncadd.s32 $0xFFFFC400  }
0x134: {  	[spmem:s2] =	stream.indirect.scatter.add.f32 [tilespmem:s22], [sflag:$0x6], $0x80, s26, s31, $0xb8;
	[tilespmem:$0x1F480] =	vst v63  }
0x135: {  	_ =	swait.ge [sflag:s9], $0x3C00  }
0x136: {  	[sflag:s9] =	ssyncset.done $0x0  }
0x137: {  	[sflag:s9] =	ssyncadd.s32 $0xFFFFC400  }
0x138: {  	[spmem:s2] =	stream.indirect.scatter.add.f32 [tilespmem:s4], [sflag:$0x7], $0x80, s10, s31, $0xb8;
	[tilespmem:$0x1F480] =	vst v63  }
0x139: {  	_ =	swait.ge [sflag:s11], $0x3C00  }
0x13a: {  	[sflag:s11] =	ssyncset.done $0x0  }
0x13b: {  	[sflag:s11] =	ssyncadd.s32 $0xFFFFC400  }
0x13c: {  	[spmem:s2] =	stream.indirect.scatter.add.f32 [tilespmem:s7], [sflag:$0x8], $0x80, s12, s31, $0xb8;
	[tilespmem:$0x1F480] =	vst v63  }
0x13d: {  	_ =	swait.ge [sflag:s13], $0x180  }
0x13e: {  	[sflag:s13] =	ssyncset.done $0x0  }
0x13f: {  	[sflag:s13] =	ssyncadd.s32 $0xFFFFFE80  }
0x140: {  	_ =	swait.ge [sflag:s13], $0x180  }
0x141: {  	[sflag:s13] =	ssyncset.done $0x0  }
0x142: {  	[sflag:s13] =	ssyncadd.s32 $0xFFFFFE80  }
0x143: {  	_ =	swait.ge [sflag:s14], $0x3C00  }
0x144: {  	[sflag:s14] =	ssyncset.done $0x0  }
0x145: {  	[sflag:s14] =	ssyncadd.s32 $0xFFFFC400  }
0x146: {  	[tilespmem:s22], [sflag:$0x3] =	stream.indirect.gather [hbm4b:s1+s31], $0x80, s28, s31, $0xb8;
	[tilespmem:$0x1F480] =	vst v63  }
0x147: {  	_ =	swait.ge [sflag:s15], $0x3C00  }
0x148: {  	[sflag:s15] =	ssyncset.done $0x0  }
0x149: {  	[sflag:s15] =	ssyncadd.s32 $0xFFFFC400  }
0x14a: {  	[tilespmem:s4], [sflag:$0x4] =	stream.indirect.gather [hbm4b:s1+s31], $0x80, s16, s31, $0xb8;
	[tilespmem:$0x1F480] =	vst v63  }
0x14b: {  	_ =	swait.ge [sflag:s17], $0x3C00  }
0x14c: {  	[sflag:s17] =	ssyncset.done $0x0  }
0x14d: {  	[sflag:s17] =	ssyncadd.s32 $0xFFFFC400  }
0x14e: {  	[tilespmem:s7], [sflag:$0x5] =	stream.indirect.gather [hbm4b:s1+s31], $0x80, s18, s31, $0xb8;
	[tilespmem:$0x1F480] =	vst v63  }
0x14f: {  	_ =	swait.ge [sflag:s8], $0x3C00  }
0x150: {  	[sflag:s8] =	ssyncset.done $0x0  }
0x151: {  	[sflag:s8] =	ssyncadd.s32 $0xFFFFC400  }
0x152: {  	[spmem:s2] =	stream.indirect.scatter.add.f32 [tilespmem:s22], [sflag:$0x6], $0x80, s29, s31, $0xb8;
	[tilespmem:$0x1F480] =	vst v63  }
0x153: {  	_ =	swait.ge [sflag:s9], $0x3C00  }
0x154: {  	[sflag:s9] =	ssyncset.done $0x0  }
0x155: {  	[sflag:s9] =	ssyncadd.s32 $0xFFFFC400  }
0x156: {  	[spmem:s2] =	stream.indirect.scatter.add.f32 [tilespmem:s4], [sflag:$0x7], $0x80, s19, s31, $0xb8;
	[tilespmem:$0x1F480] =	vst v63  }
0x157: {  	_ =	swait.ge [sflag:s11], $0x3C00  }
0x158: {  	[sflag:s11] =	ssyncset.done $0x0  }
0x159: {  	[sflag:s11] =	ssyncadd.s32 $0xFFFFC400  }
0x15a: {  	[spmem:s2] =	stream.indirect.scatter.add.f32 [tilespmem:s7], [sflag:$0x8], $0x80, s20, s31, $0xb8;
	[tilespmem:$0x1F480] =	vst v63  }
0x15b: {  	_ =	swait.ge [sflag:s14], $0x3C00  }
0x15c: {  	[sflag:s14] =	ssyncset.done $0x0  }
0x15d: {  	[sflag:s14] =	ssyncadd.s32 $0xFFFFC400  }
0x15e: {  	_ =	swait.ge [sflag:s15], $0x3C00  }
0x15f: {  	[sflag:s15] =	ssyncset.done $0x0  }
0x160: {  	[sflag:s15] =	ssyncadd.s32 $0xFFFFC400  }
0x161: {  	_ =	swait.ge [sflag:s17], $0x3C00  }
0x162: {  	[sflag:s17] =	ssyncset.done $0x0  }
0x163: {  	[sflag:s17] =	ssyncadd.s32 $0xFFFFC400  }
0x164: {  	s25 =	stileid.u32;
	[bflag:$0x0] =	sbarrier.arrive $0xFFFF  }
0x165: {  	s5 =	sshll.u32 s25, $0x6;
	s21 =	rddreg [dreg:$0x15]  }
0x166: {  	s5 =	sor.u32 $0x1C09, s5;
	s24 =	rddreg [dreg:$0x1a]  }
0x167: {  	[hbm:s21], [sflag:s5] =	dma.local [spmem:s24], $0x2700  }
0x168: {  	_ =	swait.ge [sflag:s23], $0x2700  }
0x169: {  	[sflag:s23] =	ssyncset.done $0x0;
	s21 =	rddreg [dreg:$0x18]  }
0x16a: {  	s24 =	rddreg [dreg:$0x1b];
	[sflag:s23] =	ssyncadd.s32 $0xFFFFD900  }
0x16b: {  	[hbm:s21], [sflag:s5] =	dma.local @!p0 [spmem:s24], $0x100  }
0x16c: {  	s5 =	simm.s32 @!p0 $0x9  }
0x16d: {  	_ =	swait.ge @!p0 [sflag:s5], $0x100  }
0x16e: {  	s21 =	rddreg [dreg:$0x1c]  }
0x16f: {  	s25 =	rddreg [dreg:$0x19];
	s24 =	sadd.s32 $0x1, s21  }
0x170: {  	p1 =	sne.s32 s24, s25  }
.Ltmp2:
0x171: {  	_ = 	snop;
	(pc) =	sbr.rel @p1 .LBB2_1-.Ltmp2, $3  }
0x172: {  	_ =	sdelay $0x1  }
0x173: {  	[sflag:s5] =	ssyncset.done @!p0 $0x0  }
0x174: {  	[sflag:s5] =	ssyncadd.s32 @!p0 $0xFFFFFF00  }
0x175: {  	_ =	sfence.sel $0x180000  }
0x176: {  	[bflag:$0x0] =	sbarrier.arrive $0xFFFF  }
0x177: {  	_ =	strace $0x90000047  }
0x178: {  	[bflag:$0x2] =	sbarrier.arrive $0xFFFF  }
0x179: {  	s0 =	rddreg [dreg:$0x4]  }
0x17a: {  	s0 =	sadd.s32 @!p0 $0x100000, s0  }
0x17b: {  	[sflag:s0] =	ssyncadd.tile.s32 @!p0 $0x1;
	_ =	shalt  }
.Lfunc_end2:
_tile_overlayer_lowered:
.L_overlay_start_2:
0x17c: {  	(tag) =	ssettag $0x2  }
0x17d: {  	s0 =	rddreg [dreg:$0x0];
	s2 =	stileid.u32  }
0x17e: {  	s1 =	rddreg [dreg:$0x1];
	p0 =	sne.s32 s2, $0x0  }
0x17f: {  	s3 =	rddreg [dreg:$0x2];
	[bflag:$0x3] =	sbarrier.arrive $0xFFFF;
	s2 =	simm.s32 @!p0 $0x1C09  }
0x180: {  	[timem:s3], [sflag:s2] =	dma.local @!p0 [hbm:s0], s1  }
0x181: {  	s0 =	simm.s32 @!p0 $0x9  }
0x182: {  	_ =	swait.ge @!p0 [sflag:s0], s1  }
0x183: {  	s1 =	ssub.s32 @!p0 $0x0, s1;
	[sflag:s0] =	ssyncset.done @!p0 $0x0  }
0x184: {  	[sflag:s0] =	ssyncadd.s32 @!p0 s1  }
0x185: {  	[bflag:$0x3] =	sbarrier.arrive $0xFFFF  }
0x186: {  	_ =	shalt  }

</sc_bundles>
